<compile_context>
chip_gen: v7x
topology: tpu7x:2x2x1
jax: 0.10.2.dev20260603
libtpu: 0.0.44.dev20260713+nightly
codegen_flags: <defaults>
</compile_context>

<pallas_src>
import functools

import jax
import jax.numpy as jnp
from jax import lax
from jax.experimental import pallas as pl
from jax.experimental.pallas import tpu as pltpu
from jax.experimental.pallas import tpu_sc as plsc

N = 100000
NPAD = 102400
E = 3200000
ER = 256
NROW = 3276800 // ER
EPAD = NROW * ER
NC = 2
NS = 16
CH = 2048 // ER
RPT = NPAD // NS


_DEG_CHUNK = 10240
_HR = NPAD // 128
_HRT = _HR // NS


def _deg_body(dst_hbm, deg_hbm, degtab, hist, didx, iota_v, sem):
    c = lax.axis_index("c")
    s = lax.axis_index("s")
    zero16 = jnp.zeros((16,), jnp.float32)
    iota16 = lax.iota(jnp.int32, 16)

    def z(i, carry):
        glob = i * 16 + iota16
        plsc.store_scatter(hist, [glob >> 7, glob & 127], zero16)
        return carry

    lax.fori_loop(0, NPAD // 16, z, 0)
    for m in range(_HR // 16):
        iota_v[pl.ds(m * 16, 16)] = iota16 + (m * 16)
    pltpu.sync_copy(hist.at[pl.ds(s * _HRT, _HRT)],
                    degtab.at[pl.ds(s * _HRT, _HRT)])
    plsc.subcore_barrier()

    edges_per_tile = EPAD // (NC * NS)
    base = (c * NS + s) * edges_per_tile
    ones16 = jnp.ones((16,), jnp.float32)

    def wave(o, carry):
        pltpu.sync_copy(dst_hbm.at[pl.ds(base + o * _DEG_CHUNK, _DEG_CHUNK)],
                        didx)

        def inner(k, carry2):
            for u in range(8):
                idx16 = didx[pl.ds((k * 8 + u) * 16, 16)]
                plsc.addupdate_scatter(hist, [idx16 >> 7, idx16 & 127],
                                       ones16)
            return carry2

        lax.fori_loop(0, _DEG_CHUNK // 128, inner, 0)
        return carry

    lax.fori_loop(0, edges_per_tile // _DEG_CHUNK, wave, 0)
    pltpu.async_copy(hist, degtab.at[iota_v], sem, add=True).wait()
    plsc.subcore_barrier()
    pltpu.sync_copy(degtab.at[pl.ds(s * _HRT, _HRT)],
                    deg_hbm.at[c, pl.ds(s * _HRT, _HRT)])


_SC_PARAMS = pltpu.CompilerParams(use_tc_tiling_on_sc=False)
_SC_PARAMS_NL = pltpu.CompilerParams(use_tc_tiling_on_sc=False,
                                     needs_layout_passes=False)


def _make_deg_kernel():
    mesh = plsc.VectorSubcoreMesh(core_axis_name="c", subcore_axis_name="s")
    return pl.kernel(
        _deg_body,
        out_type=jax.ShapeDtypeStruct((NC, _HR, 128), jnp.float32),
        mesh=mesh,
        compiler_params=_SC_PARAMS_NL,
        scratch_types=[
            pltpu.VMEM_SHARED((_HR, 128), jnp.float32),
            pltpu.VMEM((_HR, 128), jnp.float32),
            pltpu.VMEM((_DEG_CHUNK,), jnp.int32),
            pltpu.VMEM((_HR,), jnp.int32),
            pltpu.SemaphoreType.DMA,
        ],
    )


def _agg_body(g_hbm, src_hbm, dst_hbm, agg_hbm, gtab, otab, sidx, didx,
              rbuf, gsem, ssem, *, edge_split):
    c = lax.axis_index("c")
    s = lax.axis_index("s")
    r0 = s * RPT
    gsrc = g_hbm if edge_split else g_hbm.at[c]
    pltpu.sync_copy(gsrc.at[pl.ds(r0, RPT)], gtab.at[pl.ds(r0, RPT)])
    pltpu.sync_copy(gsrc.at[pl.ds(r0, RPT)], otab.at[pl.ds(r0, RPT)])
    plsc.subcore_barrier()

    if edge_split:
        rows_per_tile = NROW // (NC * NS)
        base = c * (NROW // NC) + s * rows_per_tile
    else:
        rows_per_tile = NROW // NS
        base = s * rows_per_tile
    def wave(o, carry):
        row0 = base + o * CH
        pltpu.sync_copy(src_hbm.at[pl.ds(row0, CH)], sidx)
        pltpu.sync_copy(dst_hbm.at[pl.ds(row0, CH)], didx)
        gds = [
            pltpu.async_copy(gtab.at[sidx.at[j]],
                             rbuf.at[pl.ds(j * ER, ER)], gsem)
            for j in range(CH)
        ]
        sds = []
        for j in range(CH):
            gds[j].wait()
            sds.append(
                pltpu.async_copy(rbuf.at[pl.ds(j * ER, ER)],
                                 otab.at[didx.at[j]], ssem, add=True))
        for d in sds:
            d.wait()
        return carry

    lax.fori_loop(0, rows_per_tile // CH, wave, 0)
    plsc.subcore_barrier()
    pltpu.sync_copy(otab.at[pl.ds(r0, RPT)], agg_hbm.at[c, pl.ds(r0, RPT)])


def _make_agg_kernel(edge_split):
    mesh = plsc.VectorSubcoreMesh(core_axis_name="c", subcore_axis_name="s")
    return pl.kernel(
        functools.partial(_agg_body, edge_split=edge_split),
        out_type=jax.ShapeDtypeStruct((NC, NPAD, 8), jnp.float32),
        mesh=mesh,
        compiler_params=_SC_PARAMS,
        scratch_types=[
            pltpu.VMEM_SHARED((NPAD, 8), jnp.float32),
            pltpu.VMEM_SHARED((NPAD, 8), jnp.float32),
            pltpu.VMEM((CH, ER), jnp.int32),
            pltpu.VMEM((CH, ER), jnp.int32),
            pltpu.VMEM((CH * ER, 8), jnp.float32),
            pltpu.SemaphoreType.DMA,
            pltpu.SemaphoreType.DMA,
        ],
    )


_deg_kernel = _make_deg_kernel()
_agg_fsplit_kernel = _make_agg_kernel(edge_split=False)
_agg_esplit_kernel = _make_agg_kernel(edge_split=True)

_R1 = 2048
_R3 = 2000


def _tc1_body(degT_ref, x_ref, w1_ref, g1_ref):
    deg = degT_ref[:, 0:1] + degT_ref[:, 1:2] + 1.0
    dis = lax.rsqrt(deg)
    g = jnp.dot(x_ref[...], w1_ref[...], preferred_element_type=jnp.float32)
    g = g * dis
    g1_ref[0] = g[:, :8]
    g1_ref[1] = g[:, 8:]


def _tc1(degT, x_pad, W1):
    return pl.pallas_call(
        _tc1_body,
        grid=(NPAD // _R1,),
        in_specs=[
            pl.BlockSpec((_R1, NC), lambda i: (i, 0)),
            pl.BlockSpec((_R1, 7), lambda i: (i, 0)),
            pl.BlockSpec((7, 16), lambda i: (0, 0)),
        ],
        out_specs=pl.BlockSpec((NC, _R1, 8), lambda i: (0, i, 0)),
        out_shape=jax.ShapeDtypeStruct((NC, NPAD, 8), jnp.float32),
    )(degT, x_pad, W1)


def _tc2_body(agg_ref, degT_ref, b1_ref, w2_ref, g2_ref):
    deg = degT_ref[:, 0:1] + degT_ref[:, 1:2] + 1.0
    dis = lax.rsqrt(deg)
    h = jnp.concatenate([agg_ref[0], agg_ref[1]], axis=1)
    h = jnp.maximum(h * dis + b1_ref[...], 0.0)
    g2 = jnp.dot(h, w2_ref[...], preferred_element_type=jnp.float32)
    g2_ref[...] = g2 * dis


def _tc2(agg1, degT, b1r, W2p):
    return pl.pallas_call(
        _tc2_body,
        grid=(NPAD // _R1,),
        in_specs=[
            pl.BlockSpec((NC, _R1, 8), lambda i: (0, i, 0)),
            pl.BlockSpec((_R1, NC), lambda i: (i, 0)),
            pl.BlockSpec((1, 16), lambda i: (0, 0)),
            pl.BlockSpec((16, 8), lambda i: (0, 0)),
        ],
        out_specs=pl.BlockSpec((_R1, 8), lambda i: (i, 0)),
        out_shape=jax.ShapeDtypeStruct((NPAD, 8), jnp.float32),
    )(agg1, degT, b1r, W2p)


def _tc3_body(agg_ref, g2_ref, degT_ref, b2_ref, out_ref):
    deg = degT_ref[:, 0:1] + degT_ref[:, 1:2] + 1.0
    dis = lax.rsqrt(deg)
    z = agg_ref[0] + agg_ref[1] - g2_ref[...]
    z = z * dis + b2_ref[...]
    z5 = z[:, :5]
    m = jnp.max(z5, axis=1, keepdims=True)
    ez = jnp.exp(z5 - m)
    lse = m + jnp.log(jnp.sum(ez, axis=1, keepdims=True))
    out_ref[...] = z5 - lse


def _tc3(agg2, g2, degT, b2r):
    return pl.pallas_call(
        _tc3_body,
        grid=(N // _R3,),
        in_specs=[
            pl.BlockSpec((NC, _R3, 8), lambda i: (0, i, 0)),
            pl.BlockSpec((_R3, 8), lambda i: (i, 0)),
            pl.BlockSpec((_R3, NC), lambda i: (i, 0)),
            pl.BlockSpec((1, 8), lambda i: (0, 0)),
        ],
        out_specs=pl.BlockSpec((_R3, 5), lambda i: (i, 0)),
        out_shape=jax.ShapeDtypeStruct((N, 5), jnp.float32),
    )(agg2, g2, degT, b2r)


def kernel(original_x, edge_index, W1, b1, W2, b2):
    src = edge_index[0].astype(jnp.int32)
    dst = edge_index[1].astype(jnp.int32)
    pad_idx = N + (jnp.arange(EPAD - E, dtype=jnp.int32) % (NPAD - N))
    src2d = jnp.concatenate([src, pad_idx]).reshape(NROW, ER)
    dst1d = jnp.concatenate([dst, pad_idx])
    dst2d = dst1d.reshape(NROW, ER)

    deg_p = _deg_kernel(dst1d).reshape(NC, NPAD)
    degT = deg_p.T

    x_pad = jnp.zeros((NPAD, 7), jnp.float32).at[:N].set(original_x)
    g1s = _tc1(degT, x_pad, W1)
    agg1 = _agg_fsplit_kernel(g1s, src2d, dst2d)

    b1r = b1.reshape(1, 16).astype(jnp.float32)
    W2p = jnp.pad(W2, ((0, 0), (0, 3))).astype(jnp.float32)
    g2 = _tc2(agg1, degT, b1r, W2p)
    agg2 = _agg_esplit_kernel(g2, src2d, dst2d)

    b2r = jnp.pad(b2, (0, 3)).reshape(1, 8).astype(jnp.float32)
    return _tc3(agg2, g2, degT, b2r)

# --- scband reference (transcript-rebuilt; emitter-appended) ---
"""Pipeline reference for scband-gcn-4569845203455 (READ-ONLY COPY).

The authoritative reference and input builder live on the scoring server;
editing this copy changes nothing except your own understanding.
"""

import jax, jax.numpy as jnp
import numpy as np

N_NODES = 100000
N_EDGES = 3200000
D_IN = 7
D_HID = 16
D_OUT = 5


def setup_inputs(seed: int = 0) -> dict:
    key = jax.random.key(seed)
    k1, k2, k3, k4 = jax.random.split(key, 4)
    x = jax.random.normal(k1, (N_NODES, D_IN), dtype=jnp.float32)
    edge_index = jax.random.randint(k2, (2, N_EDGES), 0, N_NODES)
    W1 = jax.random.normal(k3, (D_IN, D_HID), dtype=jnp.float32) * (1.0 / np.sqrt(D_IN))
    b1 = jnp.zeros((D_HID,), dtype=jnp.float32)
    W2 = jax.random.normal(k4, (D_HID, D_OUT), dtype=jnp.float32) * (1.0 / np.sqrt(D_HID))
    b2 = jnp.zeros((D_OUT,), dtype=jnp.float32)
    return {"original_x": x, "edge_index": edge_index, "W1": W1, "b1": b1, "W2": W2, "b2": b2}


def _gcn_conv(x, edge_index, W, b):
    # PyG GCNConv: add self-loops, symmetric normalization D^-1/2 A D^-1/2, linear, sum-aggregate, bias
    n = x.shape[0]
    loop = jnp.arange(n, dtype=edge_index.dtype)
    src = jnp.concatenate([edge_index[0], loop])
    dst = jnp.concatenate([edge_index[1], loop])
    deg = jnp.zeros((n,), dtype=x.dtype).at[dst].add(1.0)
    deg_inv_sqrt = jnp.where(deg > 0, 1.0 / jnp.sqrt(deg), 0.0)
    norm = deg_inv_sqrt[src] * deg_inv_sqrt[dst]
    h = x @ W
    msg = h[src] * norm[:, None]
    out = jnp.zeros((n, W.shape[1]), dtype=x.dtype).at[dst].add(msg)
    return out + b


def reference(original_x, edge_index, W1, b1, W2, b2):
    h = jax.nn.relu(_gcn_conv(original_x, edge_index, W1, b1))
    # F.dropout with training=False is identity (eval mode)
    out = _gcn_conv(h, edge_index, W2, b2)
    return jax.nn.log_softmax(out, axis=1)

if __name__ == "__main__":
    import jax
    _d = setup_inputs()
    print(jax.jit(kernel)(*tuple(_d.values())))

</pallas_src>

<mosaic_0001>
#map = affine_map<(d0, d1) -> (0, 0, 0)>
#map1 = affine_map<(d0, d1) -> (0, 0)>
module attributes {stable_mosaic.version = 14 : i64} {
  func.func @_agg_body(%arg0: i32, %arg1: i32, %arg2: memref<2x102400x8xf32, #tpu.memory_space<hbm>>, %arg3: memref<12800x256xi32, #tpu.memory_space<hbm>>, %arg4: memref<12800x256xi32, #tpu.memory_space<hbm>>, %arg5: memref<2x102400x8xf32, #tpu.memory_space<hbm>>, %arg6: memref<102400x8xf32, #tpu.memory_space<vmem_shared>>, %arg7: memref<102400x8xf32, #tpu.memory_space<vmem_shared>>, %arg8: memref<8x256xi32, #tpu.memory_space<vmem>>, %arg9: memref<8x256xi32, #tpu.memory_space<vmem>>, %arg10: memref<2048x8xf32, #tpu.memory_space<vmem>>, %arg11: memref<!tpu.dma_semaphore, #tpu.memory_space<semaphore_mem>>, %arg12: memref<!tpu.dma_semaphore, #tpu.memory_space<semaphore_mem>>) attributes {dimension_semantics = [#tpu.dimension_semantics<core_parallel>, #tpu.dimension_semantics<subcore_parallel>], iteration_bounds = array<i64: 2, 16>, scalar_prefetch = 0 : i64, scratch_operands = 7 : i64, tpu.core_type = #tpu.core_type<sc_vector_subcore>, window_params = [{transform_indices = #map}, {transform_indices = #map1}, {transform_indices = #map1}, {transform_indices = #map}]} {
    %mul3A = arith.constant 6400 : i32
    %mul3A_0 = arith.muli %arg1, %mul3A : i32
    "tpu.region"() ({
      %run_scoped3A = tpu.sem_alloc : memref<!tpu.dma_semaphore, #tpu.memory_space<semaphore_mem>>
      %dma_start3A = arith.constant 0 : i32
      %dma_start3A_9 = tpu.memref_slice %arg6[%mul3A_0, %dma_start3A] : memref<102400x8xf32, #tpu.memory_space<vmem_shared>> -> memref<6400x8xf32, #tpu.memory_space<vmem_shared>>
      %dma_start3A_10 = arith.constant 0 : i32
      %dma_start3A_11 = arith.constant 0 : i32
      %dma_start3A_12 = tpu.memref_slice %arg2[%arg0, %dma_start3A_10, %dma_start3A_11] : memref<2x102400x8xf32, #tpu.memory_space<hbm>> -> memref<1x102400x8xf32, #tpu.memory_space<hbm>>
      %dma_start3A_13 = tpu.memref_squeeze %dma_start3A_12 : memref<1x102400x8xf32, #tpu.memory_space<hbm>> -> memref<102400x8xf32, #tpu.memory_space<hbm>>
      %dma_start3A_14 = arith.constant 0 : i32
      %dma_start3A_15 = tpu.memref_slice %dma_start3A_13[%mul3A_0, %dma_start3A_14] : memref<102400x8xf32, #tpu.memory_space<hbm>> -> memref<6400x8xf32, #tpu.memory_space<hbm>>
      tpu.enqueue_dma source(%dma_start3A_15 : memref<6400x8xf32, #tpu.memory_space<hbm>>) target(%dma_start3A_9 : memref<6400x8xf32, #tpu.memory_space<vmem_shared>>) target_semaphore(%run_scoped3A : memref<!tpu.dma_semaphore, #tpu.memory_space<semaphore_mem>>)
      %dma_wait3A = arith.constant 0 : i32
      %dma_wait3A_16 = tpu.memref_slice %arg6[%mul3A_0, %dma_wait3A] : memref<102400x8xf32, #tpu.memory_space<vmem_shared>> -> memref<6400x8xf32, #tpu.memory_space<vmem_shared>>
      %dma_wait3A_17 = arith.constant 0 : i32
      %dma_wait3A_18 = arith.constant 0 : i32
      %dma_wait3A_19 = tpu.memref_slice %arg2[%arg0, %dma_wait3A_17, %dma_wait3A_18] : memref<2x102400x8xf32, #tpu.memory_space<hbm>> -> memref<1x102400x8xf32, #tpu.memory_space<hbm>>
      %dma_wait3A_20 = tpu.memref_squeeze %dma_wait3A_19 : memref<1x102400x8xf32, #tpu.memory_space<hbm>> -> memref<102400x8xf32, #tpu.memory_space<hbm>>
      %dma_wait3A_21 = arith.constant 0 : i32
      %dma_wait3A_22 = tpu.memref_slice %dma_wait3A_20[%mul3A_0, %dma_wait3A_21] : memref<102400x8xf32, #tpu.memory_space<hbm>> -> memref<6400x8xf32, #tpu.memory_space<hbm>>
      tpu.wait_dma2 semaphore(%run_scoped3A : memref<!tpu.dma_semaphore, #tpu.memory_space<semaphore_mem>>) src(%dma_wait3A_22 : memref<6400x8xf32, #tpu.memory_space<hbm>>) dst(%dma_wait3A_16 : memref<6400x8xf32, #tpu.memory_space<vmem_shared>>)
      tpu.yield
    }) : () -> ()
    "tpu.region"() ({
      %run_scoped3A = tpu.sem_alloc : memref<!tpu.dma_semaphore, #tpu.memory_space<semaphore_mem>>
      %dma_start3A = arith.constant 0 : i32
      %dma_start3A_9 = tpu.memref_slice %arg7[%mul3A_0, %dma_start3A] : memref<102400x8xf32, #tpu.memory_space<vmem_shared>> -> memref<6400x8xf32, #tpu.memory_space<vmem_shared>>
      %dma_start3A_10 = arith.constant 0 : i32
      %dma_start3A_11 = arith.constant 0 : i32
      %dma_start3A_12 = tpu.memref_slice %arg2[%arg0, %dma_start3A_10, %dma_start3A_11] : memref<2x102400x8xf32, #tpu.memory_space<hbm>> -> memref<1x102400x8xf32, #tpu.memory_space<hbm>>
      %dma_start3A_13 = tpu.memref_squeeze %dma_start3A_12 : memref<1x102400x8xf32, #tpu.memory_space<hbm>> -> memref<102400x8xf32, #tpu.memory_space<hbm>>
      %dma_start3A_14 = arith.constant 0 : i32
      %dma_start3A_15 = tpu.memref_slice %dma_start3A_13[%mul3A_0, %dma_start3A_14] : memref<102400x8xf32, #tpu.memory_space<hbm>> -> memref<6400x8xf32, #tpu.memory_space<hbm>>
      tpu.enqueue_dma source(%dma_start3A_15 : memref<6400x8xf32, #tpu.memory_space<hbm>>) target(%dma_start3A_9 : memref<6400x8xf32, #tpu.memory_space<vmem_shared>>) target_semaphore(%run_scoped3A : memref<!tpu.dma_semaphore, #tpu.memory_space<semaphore_mem>>)
      %dma_wait3A = arith.constant 0 : i32
      %dma_wait3A_16 = tpu.memref_slice %arg7[%mul3A_0, %dma_wait3A] : memref<102400x8xf32, #tpu.memory_space<vmem_shared>> -> memref<6400x8xf32, #tpu.memory_space<vmem_shared>>
      %dma_wait3A_17 = arith.constant 0 : i32
      %dma_wait3A_18 = arith.constant 0 : i32
      %dma_wait3A_19 = tpu.memref_slice %arg2[%arg0, %dma_wait3A_17, %dma_wait3A_18] : memref<2x102400x8xf32, #tpu.memory_space<hbm>> -> memref<1x102400x8xf32, #tpu.memory_space<hbm>>
      %dma_wait3A_20 = tpu.memref_squeeze %dma_wait3A_19 : memref<1x102400x8xf32, #tpu.memory_space<hbm>> -> memref<102400x8xf32, #tpu.memory_space<hbm>>
      %dma_wait3A_21 = arith.constant 0 : i32
      %dma_wait3A_22 = tpu.memref_slice %dma_wait3A_20[%mul3A_0, %dma_wait3A_21] : memref<102400x8xf32, #tpu.memory_space<hbm>> -> memref<6400x8xf32, #tpu.memory_space<hbm>>
      tpu.wait_dma2 semaphore(%run_scoped3A : memref<!tpu.dma_semaphore, #tpu.memory_space<semaphore_mem>>) src(%dma_wait3A_22 : memref<6400x8xf32, #tpu.memory_space<hbm>>) dst(%dma_wait3A_16 : memref<6400x8xf32, #tpu.memory_space<vmem_shared>>)
      tpu.yield
    }) : () -> ()
    %barrier3A = arith.constant 0 : index
    tpu.barrier barrier_id(%barrier3A)
    %mul3A_1 = arith.constant 800 : i32
    %mul3A_2 = arith.muli %arg1, %mul3A_1 : i32
    %scan3A = arith.constant 0 : i32
    %scan3A_3 = arith.constant 0 : i32
    %scan3A_4 = arith.constant 100 : i32
    %scan3A_5 = arith.addi %scan3A_3, %scan3A_4 : i32
    %scan3A_6 = arith.constant 1 : i32
    scf.for %scan3A_9 = %scan3A_3 to %scan3A_5 step %scan3A_6  : i32 {
      %mul3A_10 = arith.constant 8 : i32
      %mul3A_11 = arith.muli %scan3A_9, %mul3A_10 : i32
      %add3A = arith.addi %mul3A_2, %mul3A_11 : i32
      "tpu.region"() ({
        %run_scoped3A = tpu.sem_alloc : memref<!tpu.dma_semaphore, #tpu.memory_space<semaphore_mem>>
        %dma_start3A_330 = arith.constant 0 : i32
        %dma_start3A_331 = tpu.memref_slice %arg3[%add3A, %dma_start3A_330] : memref<12800x256xi32, #tpu.memory_space<hbm>> -> memref<8x256xi32, #tpu.memory_space<hbm>>
        %dma_start3A_332 = arith.constant 0 : i32
        %dma_start3A_333 = tpu.memref_slice %arg3[%add3A, %dma_start3A_332] : memref<12800x256xi32, #tpu.memory_space<hbm>> -> memref<8x256xi32, #tpu.memory_space<hbm>>
        tpu.enqueue_dma source(%dma_start3A_333 : memref<8x256xi32, #tpu.memory_space<hbm>>) target(%arg8 : memref<8x256xi32, #tpu.memory_space<vmem>>) target_semaphore(%run_scoped3A : memref<!tpu.dma_semaphore, #tpu.memory_space<semaphore_mem>>)
        %dma_wait3A_334 = arith.constant 0 : i32
        %dma_wait3A_335 = tpu.memref_slice %arg3[%add3A, %dma_wait3A_334] : memref<12800x256xi32, #tpu.memory_space<hbm>> -> memref<8x256xi32, #tpu.memory_space<hbm>>
        %dma_wait3A_336 = arith.constant 0 : i32
        %dma_wait3A_337 = tpu.memref_slice %arg3[%add3A, %dma_wait3A_336] : memref<12800x256xi32, #tpu.memory_space<hbm>> -> memref<8x256xi32, #tpu.memory_space<hbm>>
        tpu.wait_dma2 semaphore(%run_scoped3A : memref<!tpu.dma_semaphore, #tpu.memory_space<semaphore_mem>>) src(%dma_wait3A_337 : memref<8x256xi32, #tpu.memory_space<hbm>>) dst(%arg8 : memref<8x256xi32, #tpu.memory_space<vmem>>)
        tpu.yield
      }) : () -> ()
      "tpu.region"() ({
        %run_scoped3A = tpu.sem_alloc : memref<!tpu.dma_semaphore, #tpu.memory_space<semaphore_mem>>
        %dma_start3A_330 = arith.constant 0 : i32
        %dma_start3A_331 = tpu.memref_slice %arg4[%add3A, %dma_start3A_330] : memref<12800x256xi32, #tpu.memory_space<hbm>> -> memref<8x256xi32, #tpu.memory_space<hbm>>
        %dma_start3A_332 = arith.constant 0 : i32
        %dma_start3A_333 = tpu.memref_slice %arg4[%add3A, %dma_start3A_332] : memref<12800x256xi32, #tpu.memory_space<hbm>> -> memref<8x256xi32, #tpu.memory_space<hbm>>
        tpu.enqueue_dma source(%dma_start3A_333 : memref<8x256xi32, #tpu.memory_space<hbm>>) target(%arg9 : memref<8x256xi32, #tpu.memory_space<vmem>>) target_semaphore(%run_scoped3A : memref<!tpu.dma_semaphore, #tpu.memory_space<semaphore_mem>>)
        %dma_wait3A_334 = arith.constant 0 : i32
        %dma_wait3A_335 = tpu.memref_slice %arg4[%add3A, %dma_wait3A_334] : memref<12800x256xi32, #tpu.memory_space<hbm>> -> memref<8x256xi32, #tpu.memory_space<hbm>>
        %dma_wait3A_336 = arith.constant 0 : i32
        %dma_wait3A_337 = tpu.memref_slice %arg4[%add3A, %dma_wait3A_336] : memref<12800x256xi32, #tpu.memory_space<hbm>> -> memref<8x256xi32, #tpu.memory_space<hbm>>
        tpu.wait_dma2 semaphore(%run_scoped3A : memref<!tpu.dma_semaphore, #tpu.memory_space<semaphore_mem>>) src(%dma_wait3A_337 : memref<8x256xi32, #tpu.memory_space<hbm>>) dst(%arg9 : memref<8x256xi32, #tpu.memory_space<vmem>>)
        tpu.yield
      }) : () -> ()
      %dma_start3A = arith.constant 0 : i32
      %dma_start3A_12 = arith.constant 0 : i32
      %dma_start3A_13 = arith.constant 0 : i32
      %dma_start3A_14 = tpu.memref_slice %arg10[%dma_start3A_12, %dma_start3A_13] : memref<2048x8xf32, #tpu.memory_space<vmem>> -> memref<256x8xf32, #tpu.memory_space<vmem>>
      %dma_start3A_15 = arith.constant 0 : i32
      %dma_start3A_16 = tpu.memref_slice %arg8[%dma_start3A, %dma_start3A_15] : memref<8x256xi32, #tpu.memory_space<vmem>> -> memref<1x256xi32, #tpu.memory_space<vmem>>
      %dma_start3A_17 = tpu.memref_squeeze %dma_start3A_16 : memref<1x256xi32, #tpu.memory_space<vmem>> -> memref<256xi32, #tpu.memory_space<vmem>>
      %dma_start3A_18 = arith.constant 0 : i32
      %dma_start3A_19 = arith.constant 0 : i32
      %dma_start3A_20 = tpu.memref_slice %arg6[%dma_start3A_18, %dma_start3A_19] : memref<102400x8xf32, #tpu.memory_space<vmem_shared>> -> memref<102400x8xf32, #tpu.memory_space<vmem_shared>>
      tpu.enqueue_indirect_dma source(%dma_start3A_20 : memref<102400x8xf32, #tpu.memory_space<vmem_shared>>) target(%dma_start3A_14 : memref<256x8xf32, #tpu.memory_space<vmem>>) offsets(%dma_start3A_17 : memref<256xi32, #tpu.memory_space<vmem>>) semaphore(%arg11 : memref<!tpu.dma_semaphore, #tpu.memory_space<semaphore_mem>>)
      %dma_start3A_21 = arith.constant 1 : i32
      %dma_start3A_22 = arith.constant 256 : i32
      %dma_start3A_23 = arith.constant 0 : i32
      %dma_start3A_24 = tpu.memref_slice %arg10[%dma_start3A_22, %dma_start3A_23] : memref<2048x8xf32, #tpu.memory_space<vmem>> -> memref<256x8xf32, #tpu.memory_space<vmem>>
      %dma_start3A_25 = arith.constant 0 : i32
      %dma_start3A_26 = tpu.memref_slice %arg8[%dma_start3A_21, %dma_start3A_25] : memref<8x256xi32, #tpu.memory_space<vmem>> -> memref<1x256xi32, #tpu.memory_space<vmem>>
      %dma_start3A_27 = tpu.memref_squeeze %dma_start3A_26 : memref<1x256xi32, #tpu.memory_space<vmem>> -> memref<256xi32, #tpu.memory_space<vmem>>
      %dma_start3A_28 = arith.constant 0 : i32
      %dma_start3A_29 = arith.constant 0 : i32
      %dma_start3A_30 = tpu.memref_slice %arg6[%dma_start3A_28, %dma_start3A_29] : memref<102400x8xf32, #tpu.memory_space<vmem_shared>> -> memref<102400x8xf32, #tpu.memory_space<vmem_shared>>
      tpu.enqueue_indirect_dma source(%dma_start3A_30 : memref<102400x8xf32, #tpu.memory_space<vmem_shared>>) target(%dma_start3A_24 : memref<256x8xf32, #tpu.memory_space<vmem>>) offsets(%dma_start3A_27 : memref<256xi32, #tpu.memory_space<vmem>>) semaphore(%arg11 : memref<!tpu.dma_semaphore, #tpu.memory_space<semaphore_mem>>)
      %dma_start3A_31 = arith.constant 2 : i32
      %dma_start3A_32 = arith.constant 512 : i32
      %dma_start3A_33 = arith.constant 0 : i32
      %dma_start3A_34 = tpu.memref_slice %arg10[%dma_start3A_32, %dma_start3A_33] : memref<2048x8xf32, #tpu.memory_space<vmem>> -> memref<256x8xf32, #tpu.memory_space<vmem>>
      %dma_start3A_35 = arith.constant 0 : i32
      %dma_start3A_36 = tpu.memref_slice %arg8[%dma_start3A_31, %dma_start3A_35] : memref<8x256xi32, #tpu.memory_space<vmem>> -> memref<1x256xi32, #tpu.memory_space<vmem>>
      %dma_start3A_37 = tpu.memref_squeeze %dma_start3A_36 : memref<1x256xi32, #tpu.memory_space<vmem>> -> memref<256xi32, #tpu.memory_space<vmem>>
      %dma_start3A_38 = arith.constant 0 : i32
      %dma_start3A_39 = arith.constant 0 : i32
      %dma_start3A_40 = tpu.memref_slice %arg6[%dma_start3A_38, %dma_start3A_39] : memref<102400x8xf32, #tpu.memory_space<vmem_shared>> -> memref<102400x8xf32, #tpu.memory_space<vmem_shared>>
      tpu.enqueue_indirect_dma source(%dma_start3A_40 : memref<102400x8xf32, #tpu.memory_space<vmem_shared>>) target(%dma_start3A_34 : memref<256x8xf32, #tpu.memory_space<vmem>>) offsets(%dma_start3A_37 : memref<256xi32, #tpu.memory_space<vmem>>) semaphore(%arg11 : memref<!tpu.dma_semaphore, #tpu.memory_space<semaphore_mem>>)
      %dma_start3A_41 = arith.constant 3 : i32
      %dma_start3A_42 = arith.constant 768 : i32
      %dma_start3A_43 = arith.constant 0 : i32
      %dma_start3A_44 = tpu.memref_slice %arg10[%dma_start3A_42, %dma_start3A_43] : memref<2048x8xf32, #tpu.memory_space<vmem>> -> memref<256x8xf32, #tpu.memory_space<vmem>>
      %dma_start3A_45 = arith.constant 0 : i32
      %dma_start3A_46 = tpu.memref_slice %arg8[%dma_start3A_41, %dma_start3A_45] : memref<8x256xi32, #tpu.memory_space<vmem>> -> memref<1x256xi32, #tpu.memory_space<vmem>>
      %dma_start3A_47 = tpu.memref_squeeze %dma_start3A_46 : memref<1x256xi32, #tpu.memory_space<vmem>> -> memref<256xi32, #tpu.memory_space<vmem>>
      %dma_start3A_48 = arith.constant 0 : i32
      %dma_start3A_49 = arith.constant 0 : i32
      %dma_start3A_50 = tpu.memref_slice %arg6[%dma_start3A_48, %dma_start3A_49] : memref<102400x8xf32, #tpu.memory_space<vmem_shared>> -> memref<102400x8xf32, #tpu.memory_space<vmem_shared>>
      tpu.enqueue_indirect_dma source(%dma_start3A_50 : memref<102400x8xf32, #tpu.memory_space<vmem_shared>>) target(%dma_start3A_44 : memref<256x8xf32, #tpu.memory_space<vmem>>) offsets(%dma_start3A_47 : memref<256xi32, #tpu.memory_space<vmem>>) semaphore(%arg11 : memref<!tpu.dma_semaphore, #tpu.memory_space<semaphore_mem>>)
      %dma_start3A_51 = arith.constant 4 : i32
      %dma_start3A_52 = arith.constant 1024 : i32
      %dma_start3A_53 = arith.constant 0 : i32
      %dma_start3A_54 = tpu.memref_slice %arg10[%dma_start3A_52, %dma_start3A_53] : memref<2048x8xf32, #tpu.memory_space<vmem>> -> memref<256x8xf32, #tpu.memory_space<vmem>>
      %dma_start3A_55 = arith.constant 0 : i32
      %dma_start3A_56 = tpu.memref_slice %arg8[%dma_start3A_51, %dma_start3A_55] : memref<8x256xi32, #tpu.memory_space<vmem>> -> memref<1x256xi32, #tpu.memory_space<vmem>>
      %dma_start3A_57 = tpu.memref_squeeze %dma_start3A_56 : memref<1x256xi32, #tpu.memory_space<vmem>> -> memref<256xi32, #tpu.memory_space<vmem>>
      %dma_start3A_58 = arith.constant 0 : i32
      %dma_start3A_59 = arith.constant 0 : i32
      %dma_start3A_60 = tpu.memref_slice %arg6[%dma_start3A_58, %dma_start3A_59] : memref<102400x8xf32, #tpu.memory_space<vmem_shared>> -> memref<102400x8xf32, #tpu.memory_space<vmem_shared>>
      tpu.enqueue_indirect_dma source(%dma_start3A_60 : memref<102400x8xf32, #tpu.memory_space<vmem_shared>>) target(%dma_start3A_54 : memref<256x8xf32, #tpu.memory_space<vmem>>) offsets(%dma_start3A_57 : memref<256xi32, #tpu.memory_space<vmem>>) semaphore(%arg11 : memref<!tpu.dma_semaphore, #tpu.memory_space<semaphore_mem>>)
      %dma_start3A_61 = arith.constant 5 : i32
      %dma_start3A_62 = arith.constant 1280 : i32
      %dma_start3A_63 = arith.constant 0 : i32
      %dma_start3A_64 = tpu.memref_slice %arg10[%dma_start3A_62, %dma_start3A_63] : memref<2048x8xf32, #tpu.memory_space<vmem>> -> memref<256x8xf32, #tpu.memory_space<vmem>>
      %dma_start3A_65 = arith.constant 0 : i32
      %dma_start3A_66 = tpu.memref_slice %arg8[%dma_start3A_61, %dma_start3A_65] : memref<8x256xi32, #tpu.memory_space<vmem>> -> memref<1x256xi32, #tpu.memory_space<vmem>>
      %dma_start3A_67 = tpu.memref_squeeze %dma_start3A_66 : memref<1x256xi32, #tpu.memory_space<vmem>> -> memref<256xi32, #tpu.memory_space<vmem>>
      %dma_start3A_68 = arith.constant 0 : i32
      %dma_start3A_69 = arith.constant 0 : i32
      %dma_start3A_70 = tpu.memref_slice %arg6[%dma_start3A_68, %dma_start3A_69] : memref<102400x8xf32, #tpu.memory_space<vmem_shared>> -> memref<102400x8xf32, #tpu.memory_space<vmem_shared>>
      tpu.enqueue_indirect_dma source(%dma_start3A_70 : memref<102400x8xf32, #tpu.memory_space<vmem_shared>>) target(%dma_start3A_64 : memref<256x8xf32, #tpu.memory_space<vmem>>) offsets(%dma_start3A_67 : memref<256xi32, #tpu.memory_space<vmem>>) semaphore(%arg11 : memref<!tpu.dma_semaphore, #tpu.memory_space<semaphore_mem>>)
      %dma_start3A_71 = arith.constant 6 : i32
      %dma_start3A_72 = arith.constant 1536 : i32
      %dma_start3A_73 = arith.constant 0 : i32
      %dma_start3A_74 = tpu.memref_slice %arg10[%dma_start3A_72, %dma_start3A_73] : memref<2048x8xf32, #tpu.memory_space<vmem>> -> memref<256x8xf32, #tpu.memory_space<vmem>>
      %dma_start3A_75 = arith.constant 0 : i32
      %dma_start3A_76 = tpu.memref_slice %arg8[%dma_start3A_71, %dma_start3A_75] : memref<8x256xi32, #tpu.memory_space<vmem>> -> memref<1x256xi32, #tpu.memory_space<vmem>>
      %dma_start3A_77 = tpu.memref_squeeze %dma_start3A_76 : memref<1x256xi32, #tpu.memory_space<vmem>> -> memref<256xi32, #tpu.memory_space<vmem>>
      %dma_start3A_78 = arith.constant 0 : i32
      %dma_start3A_79 = arith.constant 0 : i32
      %dma_start3A_80 = tpu.memref_slice %arg6[%dma_start3A_78, %dma_start3A_79] : memref<102400x8xf32, #tpu.memory_space<vmem_shared>> -> memref<102400x8xf32, #tpu.memory_space<vmem_shared>>
      tpu.enqueue_indirect_dma source(%dma_start3A_80 : memref<102400x8xf32, #tpu.memory_space<vmem_shared>>) target(%dma_start3A_74 : memref<256x8xf32, #tpu.memory_space<vmem>>) offsets(%dma_start3A_77 : memref<256xi32, #tpu.memory_space<vmem>>) semaphore(%arg11 : memref<!tpu.dma_semaphore, #tpu.memory_space<semaphore_mem>>)
      %dma_start3A_81 = arith.constant 7 : i32
      %dma_start3A_82 = arith.constant 1792 : i32
      %dma_start3A_83 = arith.constant 0 : i32
      %dma_start3A_84 = tpu.memref_slice %arg10[%dma_start3A_82, %dma_start3A_83] : memref<2048x8xf32, #tpu.memory_space<vmem>> -> memref<256x8xf32, #tpu.memory_space<vmem>>
      %dma_start3A_85 = arith.constant 0 : i32
      %dma_start3A_86 = tpu.memref_slice %arg8[%dma_start3A_81, %dma_start3A_85] : memref<8x256xi32, #tpu.memory_space<vmem>> -> memref<1x256xi32, #tpu.memory_space<vmem>>
      %dma_start3A_87 = tpu.memref_squeeze %dma_start3A_86 : memref<1x256xi32, #tpu.memory_space<vmem>> -> memref<256xi32, #tpu.memory_space<vmem>>
      %dma_start3A_88 = arith.constant 0 : i32
      %dma_start3A_89 = arith.constant 0 : i32
      %dma_start3A_90 = tpu.memref_slice %arg6[%dma_start3A_88, %dma_start3A_89] : memref<102400x8xf32, #tpu.memory_space<vmem_shared>> -> memref<102400x8xf32, #tpu.memory_space<vmem_shared>>
      tpu.enqueue_indirect_dma source(%dma_start3A_90 : memref<102400x8xf32, #tpu.memory_space<vmem_shared>>) target(%dma_start3A_84 : memref<256x8xf32, #tpu.memory_space<vmem>>) offsets(%dma_start3A_87 : memref<256xi32, #tpu.memory_space<vmem>>) semaphore(%arg11 : memref<!tpu.dma_semaphore, #tpu.memory_space<semaphore_mem>>)
      %dma_wait3A = arith.constant 0 : i32
      %dma_wait3A_91 = arith.constant 0 : i32
      %dma_wait3A_92 = arith.constant 0 : i32
      %dma_wait3A_93 = tpu.memref_slice %arg10[%dma_wait3A_91, %dma_wait3A_92] : memref<2048x8xf32, #tpu.memory_space<vmem>> -> memref<256x8xf32, #tpu.memory_space<vmem>>
      %dma_wait3A_94 = arith.constant 0 : i32
      %dma_wait3A_95 = tpu.memref_slice %arg8[%dma_wait3A, %dma_wait3A_94] : memref<8x256xi32, #tpu.memory_space<vmem>> -> memref<1x256xi32, #tpu.memory_space<vmem>>
      %dma_wait3A_96 = tpu.memref_squeeze %dma_wait3A_95 : memref<1x256xi32, #tpu.memory_space<vmem>> -> memref<256xi32, #tpu.memory_space<vmem>>
      %dma_wait3A_97 = arith.constant 0 : i32
      %dma_wait3A_98 = arith.constant 0 : i32
      %dma_wait3A_99 = tpu.memref_slice %arg6[%dma_wait3A_97, %dma_wait3A_98] : memref<102400x8xf32, #tpu.memory_space<vmem_shared>> -> memref<102400x8xf32, #tpu.memory_space<vmem_shared>>
      tpu.wait_indirect_dma semaphore(%arg11 : memref<!tpu.dma_semaphore, #tpu.memory_space<semaphore_mem>>) src(%dma_wait3A_99 : memref<102400x8xf32, #tpu.memory_space<vmem_shared>>) dst(%dma_wait3A_93 : memref<256x8xf32, #tpu.memory_space<vmem>>)
      %dma_start3A_100 = arith.constant 0 : i32
      %dma_start3A_101 = arith.constant 0 : i32
      %dma_start3A_102 = arith.constant 0 : i32
      %dma_start3A_103 = tpu.memref_slice %arg10[%dma_start3A_101, %dma_start3A_102] : memref<2048x8xf32, #tpu.memory_space<vmem>> -> memref<256x8xf32, #tpu.memory_space<vmem>>
      %dma_start3A_104 = arith.constant 0 : i32
      %dma_start3A_105 = tpu.memref_slice %arg9[%dma_start3A_100, %dma_start3A_104] : memref<8x256xi32, #tpu.memory_space<vmem>> -> memref<1x256xi32, #tpu.memory_space<vmem>>
      %dma_start3A_106 = tpu.memref_squeeze %dma_start3A_105 : memref<1x256xi32, #tpu.memory_space<vmem>> -> memref<256xi32, #tpu.memory_space<vmem>>
      %dma_start3A_107 = arith.constant 0 : i32
      %dma_start3A_108 = arith.constant 0 : i32
      %dma_start3A_109 = tpu.memref_slice %arg7[%dma_start3A_107, %dma_start3A_108] : memref<102400x8xf32, #tpu.memory_space<vmem_shared>> -> memref<102400x8xf32, #tpu.memory_space<vmem_shared>>
      tpu.enqueue_indirect_dma source(%dma_start3A_103 : memref<256x8xf32, #tpu.memory_space<vmem>>) target(%dma_start3A_109 : memref<102400x8xf32, #tpu.memory_space<vmem_shared>>) offsets(%dma_start3A_106 : memref<256xi32, #tpu.memory_space<vmem>>) semaphore(%arg12 : memref<!tpu.dma_semaphore, #tpu.memory_space<semaphore_mem>>) {add = true}
      %dma_wait3A_110 = arith.constant 1 : i32
      %dma_wait3A_111 = arith.constant 256 : i32
      %dma_wait3A_112 = arith.constant 0 : i32
      %dma_wait3A_113 = tpu.memref_slice %arg10[%dma_wait3A_111, %dma_wait3A_112] : memref<2048x8xf32, #tpu.memory_space<vmem>> -> memref<256x8xf32, #tpu.memory_space<vmem>>
      %dma_wait3A_114 = arith.constant 0 : i32
      %dma_wait3A_115 = tpu.memref_slice %arg8[%dma_wait3A_110, %dma_wait3A_114] : memref<8x256xi32, #tpu.memory_space<vmem>> -> memref<1x256xi32, #tpu.memory_space<vmem>>
      %dma_wait3A_116 = tpu.memref_squeeze %dma_wait3A_115 : memref<1x256xi32, #tpu.memory_space<vmem>> -> memref<256xi32, #tpu.memory_space<vmem>>
      %dma_wait3A_117 = arith.constant 0 : i32
      %dma_wait3A_118 = arith.constant 0 : i32
      %dma_wait3A_119 = tpu.memref_slice %arg6[%dma_wait3A_117, %dma_wait3A_118] : memref<102400x8xf32, #tpu.memory_space<vmem_shared>> -> memref<102400x8xf32, #tpu.memory_space<vmem_shared>>
      tpu.wait_indirect_dma semaphore(%arg11 : memref<!tpu.dma_semaphore, #tpu.memory_space<semaphore_mem>>) src(%dma_wait3A_119 : memref<102400x8xf32, #tpu.memory_space<vmem_shared>>) dst(%dma_wait3A_113 : memref<256x8xf32, #tpu.memory_space<vmem>>)
      %dma_start3A_120 = arith.constant 1 : i32
      %dma_start3A_121 = arith.constant 256 : i32
      %dma_start3A_122 = arith.constant 0 : i32
      %dma_start3A_123 = tpu.memref_slice %arg10[%dma_start3A_121, %dma_start3A_122] : memref<2048x8xf32, #tpu.memory_space<vmem>> -> memref<256x8xf32, #tpu.memory_space<vmem>>
      %dma_start3A_124 = arith.constant 0 : i32
      %dma_start3A_125 = tpu.memref_slice %arg9[%dma_start3A_120, %dma_start3A_124] : memref<8x256xi32, #tpu.memory_space<vmem>> -> memref<1x256xi32, #tpu.memory_space<vmem>>
      %dma_start3A_126 = tpu.memref_squeeze %dma_start3A_125 : memref<1x256xi32, #tpu.memory_space<vmem>> -> memref<256xi32, #tpu.memory_space<vmem>>
      %dma_start3A_127 = arith.constant 0 : i32
      %dma_start3A_128 = arith.constant 0 : i32
      %dma_start3A_129 = tpu.memref_slice %arg7[%dma_start3A_127, %dma_start3A_128] : memref<102400x8xf32, #tpu.memory_space<vmem_shared>> -> memref<102400x8xf32, #tpu.memory_space<vmem_shared>>
      tpu.enqueue_indirect_dma source(%dma_start3A_123 : memref<256x8xf32, #tpu.memory_space<vmem>>) target(%dma_start3A_129 : memref<102400x8xf32, #tpu.memory_space<vmem_shared>>) offsets(%dma_start3A_126 : memref<256xi32, #tpu.memory_space<vmem>>) semaphore(%arg12 : memref<!tpu.dma_semaphore, #tpu.memory_space<semaphore_mem>>) {add = true}
      %dma_wait3A_130 = arith.constant 2 : i32
      %dma_wait3A_131 = arith.constant 512 : i32
      %dma_wait3A_132 = arith.constant 0 : i32
      %dma_wait3A_133 = tpu.memref_slice %arg10[%dma_wait3A_131, %dma_wait3A_132] : memref<2048x8xf32, #tpu.memory_space<vmem>> -> memref<256x8xf32, #tpu.memory_space<vmem>>
      %dma_wait3A_134 = arith.constant 0 : i32
      %dma_wait3A_135 = tpu.memref_slice %arg8[%dma_wait3A_130, %dma_wait3A_134] : memref<8x256xi32, #tpu.memory_space<vmem>> -> memref<1x256xi32, #tpu.memory_space<vmem>>
      %dma_wait3A_136 = tpu.memref_squeeze %dma_wait3A_135 : memref<1x256xi32, #tpu.memory_space<vmem>> -> memref<256xi32, #tpu.memory_space<vmem>>
      %dma_wait3A_137 = arith.constant 0 : i32
      %dma_wait3A_138 = arith.constant 0 : i32
      %dma_wait3A_139 = tpu.memref_slice %arg6[%dma_wait3A_137, %dma_wait3A_138] : memref<102400x8xf32, #tpu.memory_space<vmem_shared>> -> memref<102400x8xf32, #tpu.memory_space<vmem_shared>>
      tpu.wait_indirect_dma semaphore(%arg11 : memref<!tpu.dma_semaphore, #tpu.memory_space<semaphore_mem>>) src(%dma_wait3A_139 : memref<102400x8xf32, #tpu.memory_space<vmem_shared>>) dst(%dma_wait3A_133 : memref<256x8xf32, #tpu.memory_space<vmem>>)
      %dma_start3A_140 = arith.constant 2 : i32
      %dma_start3A_141 = arith.constant 512 : i32
      %dma_start3A_142 = arith.constant 0 : i32
      %dma_start3A_143 = tpu.memref_slice %arg10[%dma_start3A_141, %dma_start3A_142] : memref<2048x8xf32, #tpu.memory_space<vmem>> -> memref<256x8xf32, #tpu.memory_space<vmem>>
      %dma_start3A_144 = arith.constant 0 : i32
      %dma_start3A_145 = tpu.memref_slice %arg9[%dma_start3A_140, %dma_start3A_144] : memref<8x256xi32, #tpu.memory_space<vmem>> -> memref<1x256xi32, #tpu.memory_space<vmem>>
      %dma_start3A_146 = tpu.memref_squeeze %dma_start3A_145 : memref<1x256xi32, #tpu.memory_space<vmem>> -> memref<256xi32, #tpu.memory_space<vmem>>
      %dma_start3A_147 = arith.constant 0 : i32
      %dma_start3A_148 = arith.constant 0 : i32
      %dma_start3A_149 = tpu.memref_slice %arg7[%dma_start3A_147, %dma_start3A_148] : memref<102400x8xf32, #tpu.memory_space<vmem_shared>> -> memref<102400x8xf32, #tpu.memory_space<vmem_shared>>
      tpu.enqueue_indirect_dma source(%dma_start3A_143 : memref<256x8xf32, #tpu.memory_space<vmem>>) target(%dma_start3A_149 : memref<102400x8xf32, #tpu.memory_space<vmem_shared>>) offsets(%dma_start3A_146 : memref<256xi32, #tpu.memory_space<vmem>>) semaphore(%arg12 : memref<!tpu.dma_semaphore, #tpu.memory_space<semaphore_mem>>) {add = true}
      %dma_wait3A_150 = arith.constant 3 : i32
      %dma_wait3A_151 = arith.constant 768 : i32
      %dma_wait3A_152 = arith.constant 0 : i32
      %dma_wait3A_153 = tpu.memref_slice %arg10[%dma_wait3A_151, %dma_wait3A_152] : memref<2048x8xf32, #tpu.memory_space<vmem>> -> memref<256x8xf32, #tpu.memory_space<vmem>>
      %dma_wait3A_154 = arith.constant 0 : i32
      %dma_wait3A_155 = tpu.memref_slice %arg8[%dma_wait3A_150, %dma_wait3A_154] : memref<8x256xi32, #tpu.memory_space<vmem>> -> memref<1x256xi32, #tpu.memory_space<vmem>>
      %dma_wait3A_156 = tpu.memref_squeeze %dma_wait3A_155 : memref<1x256xi32, #tpu.memory_space<vmem>> -> memref<256xi32, #tpu.memory_space<vmem>>
      %dma_wait3A_157 = arith.constant 0 : i32
      %dma_wait3A_158 = arith.constant 0 : i32
      %dma_wait3A_159 = tpu.memref_slice %arg6[%dma_wait3A_157, %dma_wait3A_158] : memref<102400x8xf32, #tpu.memory_space<vmem_shared>> -> memref<102400x8xf32, #tpu.memory_space<vmem_shared>>
      tpu.wait_indirect_dma semaphore(%arg11 : memref<!tpu.dma_semaphore, #tpu.memory_space<semaphore_mem>>) src(%dma_wait3A_159 : memref<102400x8xf32, #tpu.memory_space<vmem_shared>>) dst(%dma_wait3A_153 : memref<256x8xf32, #tpu.memory_space<vmem>>)
      %dma_start3A_160 = arith.constant 3 : i32
      %dma_start3A_161 = arith.constant 768 : i32
      %dma_start3A_162 = arith.constant 0 : i32
      %dma_start3A_163 = tpu.memref_slice %arg10[%dma_start3A_161, %dma_start3A_162] : memref<2048x8xf32, #tpu.memory_space<vmem>> -> memref<256x8xf32, #tpu.memory_space<vmem>>
      %dma_start3A_164 = arith.constant 0 : i32
      %dma_start3A_165 = tpu.memref_slice %arg9[%dma_start3A_160, %dma_start3A_164] : memref<8x256xi32, #tpu.memory_space<vmem>> -> memref<1x256xi32, #tpu.memory_space<vmem>>
      %dma_start3A_166 = tpu.memref_squeeze %dma_start3A_165 : memref<1x256xi32, #tpu.memory_space<vmem>> -> memref<256xi32, #tpu.memory_space<vmem>>
      %dma_start3A_167 = arith.constant 0 : i32
      %dma_start3A_168 = arith.constant 0 : i32
      %dma_start3A_169 = tpu.memref_slice %arg7[%dma_start3A_167, %dma_start3A_168] : memref<102400x8xf32, #tpu.memory_space<vmem_shared>> -> memref<102400x8xf32, #tpu.memory_space<vmem_shared>>
      tpu.enqueue_indirect_dma source(%dma_start3A_163 : memref<256x8xf32, #tpu.memory_space<vmem>>) target(%dma_start3A_169 : memref<102400x8xf32, #tpu.memory_space<vmem_shared>>) offsets(%dma_start3A_166 : memref<256xi32, #tpu.memory_space<vmem>>) semaphore(%arg12 : memref<!tpu.dma_semaphore, #tpu.memory_space<semaphore_mem>>) {add = true}
      %dma_wait3A_170 = arith.constant 4 : i32
      %dma_wait3A_171 = arith.constant 1024 : i32
      %dma_wait3A_172 = arith.constant 0 : i32
      %dma_wait3A_173 = tpu.memref_slice %arg10[%dma_wait3A_171, %dma_wait3A_172] : memref<2048x8xf32, #tpu.memory_space<vmem>> -> memref<256x8xf32, #tpu.memory_space<vmem>>
      %dma_wait3A_174 = arith.constant 0 : i32
      %dma_wait3A_175 = tpu.memref_slice %arg8[%dma_wait3A_170, %dma_wait3A_174] : memref<8x256xi32, #tpu.memory_space<vmem>> -> memref<1x256xi32, #tpu.memory_space<vmem>>
      %dma_wait3A_176 = tpu.memref_squeeze %dma_wait3A_175 : memref<1x256xi32, #tpu.memory_space<vmem>> -> memref<256xi32, #tpu.memory_space<vmem>>
      %dma_wait3A_177 = arith.constant 0 : i32
      %dma_wait3A_178 = arith.constant 0 : i32
      %dma_wait3A_179 = tpu.memref_slice %arg6[%dma_wait3A_177, %dma_wait3A_178] : memref<102400x8xf32, #tpu.memory_space<vmem_shared>> -> memref<102400x8xf32, #tpu.memory_space<vmem_shared>>
      tpu.wait_indirect_dma semaphore(%arg11 : memref<!tpu.dma_semaphore, #tpu.memory_space<semaphore_mem>>) src(%dma_wait3A_179 : memref<102400x8xf32, #tpu.memory_space<vmem_shared>>) dst(%dma_wait3A_173 : memref<256x8xf32, #tpu.memory_space<vmem>>)
      %dma_start3A_180 = arith.constant 4 : i32
      %dma_start3A_181 = arith.constant 1024 : i32
      %dma_start3A_182 = arith.constant 0 : i32
      %dma_start3A_183 = tpu.memref_slice %arg10[%dma_start3A_181, %dma_start3A_182] : memref<2048x8xf32, #tpu.memory_space<vmem>> -> memref<256x8xf32, #tpu.memory_space<vmem>>
      %dma_start3A_184 = arith.constant 0 : i32
      %dma_start3A_185 = tpu.memref_slice %arg9[%dma_start3A_180, %dma_start3A_184] : memref<8x256xi32, #tpu.memory_space<vmem>> -> memref<1x256xi32, #tpu.memory_space<vmem>>
      %dma_start3A_186 = tpu.memref_squeeze %dma_start3A_185 : memref<1x256xi32, #tpu.memory_space<vmem>> -> memref<256xi32, #tpu.memory_space<vmem>>
      %dma_start3A_187 = arith.constant 0 : i32
      %dma_start3A_188 = arith.constant 0 : i32
      %dma_start3A_189 = tpu.memref_slice %arg7[%dma_start3A_187, %dma_start3A_188] : memref<102400x8xf32, #tpu.memory_space<vmem_shared>> -> memref<102400x8xf32, #tpu.memory_space<vmem_shared>>
      tpu.enqueue_indirect_dma source(%dma_start3A_183 : memref<256x8xf32, #tpu.memory_space<vmem>>) target(%dma_start3A_189 : memref<102400x8xf32, #tpu.memory_space<vmem_shared>>) offsets(%dma_start3A_186 : memref<256xi32, #tpu.memory_space<vmem>>) semaphore(%arg12 : memref<!tpu.dma_semaphore, #tpu.memory_space<semaphore_mem>>) {add = true}
      %dma_wait3A_190 = arith.constant 5 : i32
      %dma_wait3A_191 = arith.constant 1280 : i32
      %dma_wait3A_192 = arith.constant 0 : i32
      %dma_wait3A_193 = tpu.memref_slice %arg10[%dma_wait3A_191, %dma_wait3A_192] : memref<2048x8xf32, #tpu.memory_space<vmem>> -> memref<256x8xf32, #tpu.memory_space<vmem>>
      %dma_wait3A_194 = arith.constant 0 : i32
      %dma_wait3A_195 = tpu.memref_slice %arg8[%dma_wait3A_190, %dma_wait3A_194] : memref<8x256xi32, #tpu.memory_space<vmem>> -> memref<1x256xi32, #tpu.memory_space<vmem>>
      %dma_wait3A_196 = tpu.memref_squeeze %dma_wait3A_195 : memref<1x256xi32, #tpu.memory_space<vmem>> -> memref<256xi32, #tpu.memory_space<vmem>>
      %dma_wait3A_197 = arith.constant 0 : i32
      %dma_wait3A_198 = arith.constant 0 : i32
      %dma_wait3A_199 = tpu.memref_slice %arg6[%dma_wait3A_197, %dma_wait3A_198] : memref<102400x8xf32, #tpu.memory_space<vmem_shared>> -> memref<102400x8xf32, #tpu.memory_space<vmem_shared>>
      tpu.wait_indirect_dma semaphore(%arg11 : memref<!tpu.dma_semaphore, #tpu.memory_space<semaphore_mem>>) src(%dma_wait3A_199 : memref<102400x8xf32, #tpu.memory_space<vmem_shared>>) dst(%dma_wait3A_193 : memref<256x8xf32, #tpu.memory_space<vmem>>)
      %dma_start3A_200 = arith.constant 5 : i32
      %dma_start3A_201 = arith.constant 1280 : i32
      %dma_start3A_202 = arith.constant 0 : i32
      %dma_start3A_203 = tpu.memref_slice %arg10[%dma_start3A_201, %dma_start3A_202] : memref<2048x8xf32, #tpu.memory_space<vmem>> -> memref<256x8xf32, #tpu.memory_space<vmem>>
      %dma_start3A_204 = arith.constant 0 : i32
      %dma_start3A_205 = tpu.memref_slice %arg9[%dma_start3A_200, %dma_start3A_204] : memref<8x256xi32, #tpu.memory_space<vmem>> -> memref<1x256xi32, #tpu.memory_space<vmem>>
      %dma_start3A_206 = tpu.memref_squeeze %dma_start3A_205 : memref<1x256xi32, #tpu.memory_space<vmem>> -> memref<256xi32, #tpu.memory_space<vmem>>
      %dma_start3A_207 = arith.constant 0 : i32
      %dma_start3A_208 = arith.constant 0 : i32
      %dma_start3A_209 = tpu.memref_slice %arg7[%dma_start3A_207, %dma_start3A_208] : memref<102400x8xf32, #tpu.memory_space<vmem_shared>> -> memref<102400x8xf32, #tpu.memory_space<vmem_shared>>
      tpu.enqueue_indirect_dma source(%dma_start3A_203 : memref<256x8xf32, #tpu.memory_space<vmem>>) target(%dma_start3A_209 : memref<102400x8xf32, #tpu.memory_space<vmem_shared>>) offsets(%dma_start3A_206 : memref<256xi32, #tpu.memory_space<vmem>>) semaphore(%arg12 : memref<!tpu.dma_semaphore, #tpu.memory_space<semaphore_mem>>) {add = true}
      %dma_wait3A_210 = arith.constant 6 : i32
      %dma_wait3A_211 = arith.constant 1536 : i32
      %dma_wait3A_212 = arith.constant 0 : i32
      %dma_wait3A_213 = tpu.memref_slice %arg10[%dma_wait3A_211, %dma_wait3A_212] : memref<2048x8xf32, #tpu.memory_space<vmem>> -> memref<256x8xf32, #tpu.memory_space<vmem>>
      %dma_wait3A_214 = arith.constant 0 : i32
      %dma_wait3A_215 = tpu.memref_slice %arg8[%dma_wait3A_210, %dma_wait3A_214] : memref<8x256xi32, #tpu.memory_space<vmem>> -> memref<1x256xi32, #tpu.memory_space<vmem>>
      %dma_wait3A_216 = tpu.memref_squeeze %dma_wait3A_215 : memref<1x256xi32, #tpu.memory_space<vmem>> -> memref<256xi32, #tpu.memory_space<vmem>>
      %dma_wait3A_217 = arith.constant 0 : i32
      %dma_wait3A_218 = arith.constant 0 : i32
      %dma_wait3A_219 = tpu.memref_slice %arg6[%dma_wait3A_217, %dma_wait3A_218] : memref<102400x8xf32, #tpu.memory_space<vmem_shared>> -> memref<102400x8xf32, #tpu.memory_space<vmem_shared>>
      tpu.wait_indirect_dma semaphore(%arg11 : memref<!tpu.dma_semaphore, #tpu.memory_space<semaphore_mem>>) src(%dma_wait3A_219 : memref<102400x8xf32, #tpu.memory_space<vmem_shared>>) dst(%dma_wait3A_213 : memref<256x8xf32, #tpu.memory_space<vmem>>)
      %dma_start3A_220 = arith.constant 6 : i32
      %dma_start3A_221 = arith.constant 1536 : i32
      %dma_start3A_222 = arith.constant 0 : i32
      %dma_start3A_223 = tpu.memref_slice %arg10[%dma_start3A_221, %dma_start3A_222] : memref<2048x8xf32, #tpu.memory_space<vmem>> -> memref<256x8xf32, #tpu.memory_space<vmem>>
      %dma_start3A_224 = arith.constant 0 : i32
      %dma_start3A_225 = tpu.memref_slice %arg9[%dma_start3A_220, %dma_start3A_224] : memref<8x256xi32, #tpu.memory_space<vmem>> -> memref<1x256xi32, #tpu.memory_space<vmem>>
      %dma_start3A_226 = tpu.memref_squeeze %dma_start3A_225 : memref<1x256xi32, #tpu.memory_space<vmem>> -> memref<256xi32, #tpu.memory_space<vmem>>
      %dma_start3A_227 = arith.constant 0 : i32
      %dma_start3A_228 = arith.constant 0 : i32
      %dma_start3A_229 = tpu.memref_slice %arg7[%dma_start3A_227, %dma_start3A_228] : memref<102400x8xf32, #tpu.memory_space<vmem_shared>> -> memref<102400x8xf32, #tpu.memory_space<vmem_shared>>
      tpu.enqueue_indirect_dma source(%dma_start3A_223 : memref<256x8xf32, #tpu.memory_space<vmem>>) target(%dma_start3A_229 : memref<102400x8xf32, #tpu.memory_space<vmem_shared>>) offsets(%dma_start3A_226 : memref<256xi32, #tpu.memory_space<vmem>>) semaphore(%arg12 : memref<!tpu.dma_semaphore, #tpu.memory_space<semaphore_mem>>) {add = true}
      %dma_wait3A_230 = arith.constant 7 : i32
      %dma_wait3A_231 = arith.constant 1792 : i32
      %dma_wait3A_232 = arith.constant 0 : i32
      %dma_wait3A_233 = tpu.memref_slice %arg10[%dma_wait3A_231, %dma_wait3A_232] : memref<2048x8xf32, #tpu.memory_space<vmem>> -> memref<256x8xf32, #tpu.memory_space<vmem>>
      %dma_wait3A_234 = arith.constant 0 : i32
      %dma_wait3A_235 = tpu.memref_slice %arg8[%dma_wait3A_230, %dma_wait3A_234] : memref<8x256xi32, #tpu.memory_space<vmem>> -> memref<1x256xi32, #tpu.memory_space<vmem>>
      %dma_wait3A_236 = tpu.memref_squeeze %dma_wait3A_235 : memref<1x256xi32, #tpu.memory_space<vmem>> -> memref<256xi32, #tpu.memory_space<vmem>>
      %dma_wait3A_237 = arith.constant 0 : i32
      %dma_wait3A_238 = arith.constant 0 : i32
      %dma_wait3A_239 = tpu.memref_slice %arg6[%dma_wait3A_237, %dma_wait3A_238] : memref<102400x8xf32, #tpu.memory_space<vmem_shared>> -> memref<102400x8xf32, #tpu.memory_space<vmem_shared>>
      tpu.wait_indirect_dma semaphore(%arg11 : memref<!tpu.dma_semaphore, #tpu.memory_space<semaphore_mem>>) src(%dma_wait3A_239 : memref<102400x8xf32, #tpu.memory_space<vmem_shared>>) dst(%dma_wait3A_233 : memref<256x8xf32, #tpu.memory_space<vmem>>)
      %dma_start3A_240 = arith.constant 7 : i32
      %dma_start3A_241 = arith.constant 1792 : i32
      %dma_start3A_242 = arith.constant 0 : i32
      %dma_start3A_243 = tpu.memref_slice %arg10[%dma_start3A_241, %dma_start3A_242] : memref<2048x8xf32, #tpu.memory_space<vmem>> -> memref<256x8xf32, #tpu.memory_space<vmem>>
      %dma_start3A_244 = arith.constant 0 : i32
      %dma_start3A_245 = tpu.memref_slice %arg9[%dma_start3A_240, %dma_start3A_244] : memref<8x256xi32, #tpu.memory_space<vmem>> -> memref<1x256xi32, #tpu.memory_space<vmem>>
      %dma_start3A_246 = tpu.memref_squeeze %dma_start3A_245 : memref<1x256xi32, #tpu.memory_space<vmem>> -> memref<256xi32, #tpu.memory_space<vmem>>
      %dma_start3A_247 = arith.constant 0 : i32
      %dma_start3A_248 = arith.constant 0 : i32
      %dma_start3A_249 = tpu.memref_slice %arg7[%dma_start3A_247, %dma_start3A_248] : memref<102400x8xf32, #tpu.memory_space<vmem_shared>> -> memref<102400x8xf32, #tpu.memory_space<vmem_shared>>
      tpu.enqueue_indirect_dma source(%dma_start3A_243 : memref<256x8xf32, #tpu.memory_space<vmem>>) target(%dma_start3A_249 : memref<102400x8xf32, #tpu.memory_space<vmem_shared>>) offsets(%dma_start3A_246 : memref<256xi32, #tpu.memory_space<vmem>>) semaphore(%arg12 : memref<!tpu.dma_semaphore, #tpu.memory_space<semaphore_mem>>) {add = true}
      %dma_wait3A_250 = arith.constant 0 : i32
      %dma_wait3A_251 = arith.constant 0 : i32
      %dma_wait3A_252 = arith.constant 0 : i32
      %dma_wait3A_253 = tpu.memref_slice %arg10[%dma_wait3A_251, %dma_wait3A_252] : memref<2048x8xf32, #tpu.memory_space<vmem>> -> memref<256x8xf32, #tpu.memory_space<vmem>>
      %dma_wait3A_254 = arith.constant 0 : i32
      %dma_wait3A_255 = tpu.memref_slice %arg9[%dma_wait3A_250, %dma_wait3A_254] : memref<8x256xi32, #tpu.memory_space<vmem>> -> memref<1x256xi32, #tpu.memory_space<vmem>>
      %dma_wait3A_256 = tpu.memref_squeeze %dma_wait3A_255 : memref<1x256xi32, #tpu.memory_space<vmem>> -> memref<256xi32, #tpu.memory_space<vmem>>
      %dma_wait3A_257 = arith.constant 0 : i32
      %dma_wait3A_258 = arith.constant 0 : i32
      %dma_wait3A_259 = tpu.memref_slice %arg7[%dma_wait3A_257, %dma_wait3A_258] : memref<102400x8xf32, #tpu.memory_space<vmem_shared>> -> memref<102400x8xf32, #tpu.memory_space<vmem_shared>>
      tpu.wait_indirect_dma semaphore(%arg12 : memref<!tpu.dma_semaphore, #tpu.memory_space<semaphore_mem>>) src(%dma_wait3A_253 : memref<256x8xf32, #tpu.memory_space<vmem>>) dst(%dma_wait3A_259 : memref<102400x8xf32, #tpu.memory_space<vmem_shared>>)
      %dma_wait3A_260 = arith.constant 1 : i32
      %dma_wait3A_261 = arith.constant 256 : i32
      %dma_wait3A_262 = arith.constant 0 : i32
      %dma_wait3A_263 = tpu.memref_slice %arg10[%dma_wait3A_261, %dma_wait3A_262] : memref<2048x8xf32, #tpu.memory_space<vmem>> -> memref<256x8xf32, #tpu.memory_space<vmem>>
      %dma_wait3A_264 = arith.constant 0 : i32
      %dma_wait3A_265 = tpu.memref_slice %arg9[%dma_wait3A_260, %dma_wait3A_264] : memref<8x256xi32, #tpu.memory_space<vmem>> -> memref<1x256xi32, #tpu.memory_space<vmem>>
      %dma_wait3A_266 = tpu.memref_squeeze %dma_wait3A_265 : memref<1x256xi32, #tpu.memory_space<vmem>> -> memref<256xi32, #tpu.memory_space<vmem>>
      %dma_wait3A_267 = arith.constant 0 : i32
      %dma_wait3A_268 = arith.constant 0 : i32
      %dma_wait3A_269 = tpu.memref_slice %arg7[%dma_wait3A_267, %dma_wait3A_268] : memref<102400x8xf32, #tpu.memory_space<vmem_shared>> -> memref<102400x8xf32, #tpu.memory_space<vmem_shared>>
      tpu.wait_indirect_dma semaphore(%arg12 : memref<!tpu.dma_semaphore, #tpu.memory_space<semaphore_mem>>) src(%dma_wait3A_263 : memref<256x8xf32, #tpu.memory_space<vmem>>) dst(%dma_wait3A_269 : memref<102400x8xf32, #tpu.memory_space<vmem_shared>>)
      %dma_wait3A_270 = arith.constant 2 : i32
      %dma_wait3A_271 = arith.constant 512 : i32
      %dma_wait3A_272 = arith.constant 0 : i32
      %dma_wait3A_273 = tpu.memref_slice %arg10[%dma_wait3A_271, %dma_wait3A_272] : memref<2048x8xf32, #tpu.memory_space<vmem>> -> memref<256x8xf32, #tpu.memory_space<vmem>>
      %dma_wait3A_274 = arith.constant 0 : i32
      %dma_wait3A_275 = tpu.memref_slice %arg9[%dma_wait3A_270, %dma_wait3A_274] : memref<8x256xi32, #tpu.memory_space<vmem>> -> memref<1x256xi32, #tpu.memory_space<vmem>>
      %dma_wait3A_276 = tpu.memref_squeeze %dma_wait3A_275 : memref<1x256xi32, #tpu.memory_space<vmem>> -> memref<256xi32, #tpu.memory_space<vmem>>
      %dma_wait3A_277 = arith.constant 0 : i32
      %dma_wait3A_278 = arith.constant 0 : i32
      %dma_wait3A_279 = tpu.memref_slice %arg7[%dma_wait3A_277, %dma_wait3A_278] : memref<102400x8xf32, #tpu.memory_space<vmem_shared>> -> memref<102400x8xf32, #tpu.memory_space<vmem_shared>>
      tpu.wait_indirect_dma semaphore(%arg12 : memref<!tpu.dma_semaphore, #tpu.memory_space<semaphore_mem>>) src(%dma_wait3A_273 : memref<256x8xf32, #tpu.memory_space<vmem>>) dst(%dma_wait3A_279 : memref<102400x8xf32, #tpu.memory_space<vmem_shared>>)
      %dma_wait3A_280 = arith.constant 3 : i32
      %dma_wait3A_281 = arith.constant 768 : i32
      %dma_wait3A_282 = arith.constant 0 : i32
      %dma_wait3A_283 = tpu.memref_slice %arg10[%dma_wait3A_281, %dma_wait3A_282] : memref<2048x8xf32, #tpu.memory_space<vmem>> -> memref<256x8xf32, #tpu.memory_space<vmem>>
      %dma_wait3A_284 = arith.constant 0 : i32
      %dma_wait3A_285 = tpu.memref_slice %arg9[%dma_wait3A_280, %dma_wait3A_284] : memref<8x256xi32, #tpu.memory_space<vmem>> -> memref<1x256xi32, #tpu.memory_space<vmem>>
      %dma_wait3A_286 = tpu.memref_squeeze %dma_wait3A_285 : memref<1x256xi32, #tpu.memory_space<vmem>> -> memref<256xi32, #tpu.memory_space<vmem>>
      %dma_wait3A_287 = arith.constant 0 : i32
      %dma_wait3A_288 = arith.constant 0 : i32
      %dma_wait3A_289 = tpu.memref_slice %arg7[%dma_wait3A_287, %dma_wait3A_288] : memref<102400x8xf32, #tpu.memory_space<vmem_shared>> -> memref<102400x8xf32, #tpu.memory_space<vmem_shared>>
      tpu.wait_indirect_dma semaphore(%arg12 : memref<!tpu.dma_semaphore, #tpu.memory_space<semaphore_mem>>) src(%dma_wait3A_283 : memref<256x8xf32, #tpu.memory_space<vmem>>) dst(%dma_wait3A_289 : memref<102400x8xf32, #tpu.memory_space<vmem_shared>>)
      %dma_wait3A_290 = arith.constant 4 : i32
      %dma_wait3A_291 = arith.constant 1024 : i32
      %dma_wait3A_292 = arith.constant 0 : i32
      %dma_wait3A_293 = tpu.memref_slice %arg10[%dma_wait3A_291, %dma_wait3A_292] : memref<2048x8xf32, #tpu.memory_space<vmem>> -> memref<256x8xf32, #tpu.memory_space<vmem>>
      %dma_wait3A_294 = arith.constant 0 : i32
      %dma_wait3A_295 = tpu.memref_slice %arg9[%dma_wait3A_290, %dma_wait3A_294] : memref<8x256xi32, #tpu.memory_space<vmem>> -> memref<1x256xi32, #tpu.memory_space<vmem>>
      %dma_wait3A_296 = tpu.memref_squeeze %dma_wait3A_295 : memref<1x256xi32, #tpu.memory_space<vmem>> -> memref<256xi32, #tpu.memory_space<vmem>>
      %dma_wait3A_297 = arith.constant 0 : i32
      %dma_wait3A_298 = arith.constant 0 : i32
      %dma_wait3A_299 = tpu.memref_slice %arg7[%dma_wait3A_297, %dma_wait3A_298] : memref<102400x8xf32, #tpu.memory_space<vmem_shared>> -> memref<102400x8xf32, #tpu.memory_space<vmem_shared>>
      tpu.wait_indirect_dma semaphore(%arg12 : memref<!tpu.dma_semaphore, #tpu.memory_space<semaphore_mem>>) src(%dma_wait3A_293 : memref<256x8xf32, #tpu.memory_space<vmem>>) dst(%dma_wait3A_299 : memref<102400x8xf32, #tpu.memory_space<vmem_shared>>)
      %dma_wait3A_300 = arith.constant 5 : i32
      %dma_wait3A_301 = arith.constant 1280 : i32
      %dma_wait3A_302 = arith.constant 0 : i32
      %dma_wait3A_303 = tpu.memref_slice %arg10[%dma_wait3A_301, %dma_wait3A_302] : memref<2048x8xf32, #tpu.memory_space<vmem>> -> memref<256x8xf32, #tpu.memory_space<vmem>>
      %dma_wait3A_304 = arith.constant 0 : i32
      %dma_wait3A_305 = tpu.memref_slice %arg9[%dma_wait3A_300, %dma_wait3A_304] : memref<8x256xi32, #tpu.memory_space<vmem>> -> memref<1x256xi32, #tpu.memory_space<vmem>>
      %dma_wait3A_306 = tpu.memref_squeeze %dma_wait3A_305 : memref<1x256xi32, #tpu.memory_space<vmem>> -> memref<256xi32, #tpu.memory_space<vmem>>
      %dma_wait3A_307 = arith.constant 0 : i32
      %dma_wait3A_308 = arith.constant 0 : i32
      %dma_wait3A_309 = tpu.memref_slice %arg7[%dma_wait3A_307, %dma_wait3A_308] : memref<102400x8xf32, #tpu.memory_space<vmem_shared>> -> memref<102400x8xf32, #tpu.memory_space<vmem_shared>>
      tpu.wait_indirect_dma semaphore(%arg12 : memref<!tpu.dma_semaphore, #tpu.memory_space<semaphore_mem>>) src(%dma_wait3A_303 : memref<256x8xf32, #tpu.memory_space<vmem>>) dst(%dma_wait3A_309 : memref<102400x8xf32, #tpu.memory_space<vmem_shared>>)
      %dma_wait3A_310 = arith.constant 6 : i32
      %dma_wait3A_311 = arith.constant 1536 : i32
      %dma_wait3A_312 = arith.constant 0 : i32
      %dma_wait3A_313 = tpu.memref_slice %arg10[%dma_wait3A_311, %dma_wait3A_312] : memref<2048x8xf32, #tpu.memory_space<vmem>> -> memref<256x8xf32, #tpu.memory_space<vmem>>
      %dma_wait3A_314 = arith.constant 0 : i32
      %dma_wait3A_315 = tpu.memref_slice %arg9[%dma_wait3A_310, %dma_wait3A_314] : memref<8x256xi32, #tpu.memory_space<vmem>> -> memref<1x256xi32, #tpu.memory_space<vmem>>
      %dma_wait3A_316 = tpu.memref_squeeze %dma_wait3A_315 : memref<1x256xi32, #tpu.memory_space<vmem>> -> memref<256xi32, #tpu.memory_space<vmem>>
      %dma_wait3A_317 = arith.constant 0 : i32
      %dma_wait3A_318 = arith.constant 0 : i32
      %dma_wait3A_319 = tpu.memref_slice %arg7[%dma_wait3A_317, %dma_wait3A_318] : memref<102400x8xf32, #tpu.memory_space<vmem_shared>> -> memref<102400x8xf32, #tpu.memory_space<vmem_shared>>
      tpu.wait_indirect_dma semaphore(%arg12 : memref<!tpu.dma_semaphore, #tpu.memory_space<semaphore_mem>>) src(%dma_wait3A_313 : memref<256x8xf32, #tpu.memory_space<vmem>>) dst(%dma_wait3A_319 : memref<102400x8xf32, #tpu.memory_space<vmem_shared>>)
      %dma_wait3A_320 = arith.constant 7 : i32
      %dma_wait3A_321 = arith.constant 1792 : i32
      %dma_wait3A_322 = arith.constant 0 : i32
      %dma_wait3A_323 = tpu.memref_slice %arg10[%dma_wait3A_321, %dma_wait3A_322] : memref<2048x8xf32, #tpu.memory_space<vmem>> -> memref<256x8xf32, #tpu.memory_space<vmem>>
      %dma_wait3A_324 = arith.constant 0 : i32
      %dma_wait3A_325 = tpu.memref_slice %arg9[%dma_wait3A_320, %dma_wait3A_324] : memref<8x256xi32, #tpu.memory_space<vmem>> -> memref<1x256xi32, #tpu.memory_space<vmem>>
      %dma_wait3A_326 = tpu.memref_squeeze %dma_wait3A_325 : memref<1x256xi32, #tpu.memory_space<vmem>> -> memref<256xi32, #tpu.memory_space<vmem>>
      %dma_wait3A_327 = arith.constant 0 : i32
      %dma_wait3A_328 = arith.constant 0 : i32
      %dma_wait3A_329 = tpu.memref_slice %arg7[%dma_wait3A_327, %dma_wait3A_328] : memref<102400x8xf32, #tpu.memory_space<vmem_shared>> -> memref<102400x8xf32, #tpu.memory_space<vmem_shared>>
      tpu.wait_indirect_dma semaphore(%arg12 : memref<!tpu.dma_semaphore, #tpu.memory_space<semaphore_mem>>) src(%dma_wait3A_323 : memref<256x8xf32, #tpu.memory_space<vmem>>) dst(%dma_wait3A_329 : memref<102400x8xf32, #tpu.memory_space<vmem_shared>>)
    }
    %scan3A_7 = arith.constant 100 : i32
    %barrier3A_8 = arith.constant 0 : index
    tpu.barrier barrier_id(%barrier3A_8)
    "tpu.region"() ({
      %run_scoped3A = tpu.sem_alloc : memref<!tpu.dma_semaphore, #tpu.memory_space<semaphore_mem>>
      %dma_start3A = arith.constant 0 : i32
      %dma_start3A_9 = tpu.memref_slice %arg5[%arg0, %mul3A_0, %dma_start3A] : memref<2x102400x8xf32, #tpu.memory_space<hbm>> -> memref<1x6400x8xf32, #tpu.memory_space<hbm>>
      %dma_start3A_10 = tpu.memref_squeeze %dma_start3A_9 : memref<1x6400x8xf32, #tpu.memory_space<hbm>> -> memref<6400x8xf32, #tpu.memory_space<hbm>>
      %dma_start3A_11 = arith.constant 0 : i32
      %dma_start3A_12 = tpu.memref_slice %arg7[%mul3A_0, %dma_start3A_11] : memref<102400x8xf32, #tpu.memory_space<vmem_shared>> -> memref<6400x8xf32, #tpu.memory_space<vmem_shared>>
      tpu.enqueue_dma source(%dma_start3A_12 : memref<6400x8xf32, #tpu.memory_space<vmem_shared>>) target(%dma_start3A_10 : memref<6400x8xf32, #tpu.memory_space<hbm>>) target_semaphore(%run_scoped3A : memref<!tpu.dma_semaphore, #tpu.memory_space<semaphore_mem>>)
      %dma_wait3A = arith.constant 0 : i32
      %dma_wait3A_13 = tpu.memref_slice %arg5[%arg0, %mul3A_0, %dma_wait3A] : memref<2x102400x8xf32, #tpu.memory_space<hbm>> -> memref<1x6400x8xf32, #tpu.memory_space<hbm>>
      %dma_wait3A_14 = tpu.memref_squeeze %dma_wait3A_13 : memref<1x6400x8xf32, #tpu.memory_space<hbm>> -> memref<6400x8xf32, #tpu.memory_space<hbm>>
      %dma_wait3A_15 = arith.constant 0 : i32
      %dma_wait3A_16 = tpu.memref_slice %arg7[%mul3A_0, %dma_wait3A_15] : memref<102400x8xf32, #tpu.memory_space<vmem_shared>> -> memref<6400x8xf32, #tpu.memory_space<vmem_shared>>
      tpu.wait_dma2 semaphore(%run_scoped3A : memref<!tpu.dma_semaphore, #tpu.memory_space<semaphore_mem>>) src(%dma_wait3A_16 : memref<6400x8xf32, #tpu.memory_space<vmem_shared>>) dst(%dma_wait3A_14 : memref<6400x8xf32, #tpu.memory_space<hbm>>)
      tpu.yield
    }) : () -> ()
    return
  }
}

#map = affine_map<(d0, d1) -> (0)>
#map1 = affine_map<(d0, d1) -> (0, 0, 0)>
module attributes {stable_mosaic.version = 14 : i64} {
  func.func @_deg_body(%arg0: i32, %arg1: i32, %arg2: memref<3276800xi32, #tpu.memory_space<hbm>>, %arg3: memref<2x800x128xf32, #tpu.memory_space<hbm>>, %arg4: memref<800x128xf32, #tpu.memory_space<vmem_shared>>, %arg5: memref<800x128xf32, #tpu.memory_space<vmem>>, %arg6: memref<10240xi32, #tpu.memory_space<vmem>>, %arg7: memref<800xi32, #tpu.memory_space<vmem>>, %arg8: memref<!tpu.dma_semaphore, #tpu.memory_space<semaphore_mem>>) attributes {dimension_semantics = [#tpu.dimension_semantics<core_parallel>, #tpu.dimension_semantics<subcore_parallel>], iteration_bounds = array<i64: 2, 16>, scalar_prefetch = 0 : i64, scratch_operands = 5 : i64, tpu.core_type = #tpu.core_type<sc_vector_subcore>, window_params = [{transform_indices = #map}, {transform_indices = #map1}]} {
    %broadcast_in_dim3A = arith.constant 0.000000e+00 : f32
    %broadcast_in_dim3A_0 = vector.broadcast %broadcast_in_dim3A : f32 to vector<16xf32>
    %iota3A = tpu.iota {dimensions = array<i32: 0>} : vector<16xi32>
    %scan3A = arith.constant 0 : i32
    %scan3A_1 = arith.constant 0 : i32
    %scan3A_2 = arith.constant 6400 : i32
    %scan3A_3 = arith.addi %scan3A_1, %scan3A_2 : i32
    %scan3A_4 = arith.constant 1 : i32
    scf.for %scan3A_279 = %scan3A_1 to %scan3A_3 step %scan3A_4  : i32 {
      %mul3A_280 = arith.constant 16 : i32
      %mul3A_281 = arith.muli %scan3A_279, %mul3A_280 : i32
      %add3A_282 = vector.broadcast %mul3A_281 : i32 to vector<16xi32>
      %add3A_283 = arith.addi %add3A_282, %iota3A : vector<16xi32>
      %shift_right_arithmetic3A = arith.constant 7 : i32
      %shift_right_arithmetic3A_284 = vector.broadcast %shift_right_arithmetic3A : i32 to vector<16xi32>
      %shift_right_arithmetic3A_285 = arith.shrsi %add3A_283, %shift_right_arithmetic3A_284 : vector<16xi32>
      %and3A = arith.constant 127 : i32
      %and3A_286 = vector.broadcast %and3A : i32 to vector<16xi32>
      %and3A_287 = arith.andi %add3A_283, %and3A_286 : vector<16xi32>
      tpu.vector_store_idx %arg5[%shift_right_arithmetic3A_285, %and3A_287], %broadcast_in_dim3A_0 : memref<800x128xf32, #tpu.memory_space<vmem>>[vector<16xi32>, vector<16xi32>], vector<16xf32>,
    }
    %scan3A_5 = arith.constant 6400 : i32
    %add3A = arith.constant 0 : i32
    %add3A_6 = vector.broadcast %add3A : i32 to vector<16xi32>
    %add3A_7 = arith.addi %iota3A, %add3A_6 : vector<16xi32>
    %swap3A = arith.constant 0 : index
    %swap3A_8 = tpu.vector_load %arg7[%swap3A] {strides = array<i32>} : memref<800xi32, #tpu.memory_space<vmem>>, vector<16xi32>,
    tpu.vector_store %arg7[%swap3A], %add3A_7 {strides = array<i32>} : memref<800xi32, #tpu.memory_space<vmem>>, vector<16xi32>,
    %add3A_9 = arith.constant 16 : i32
    %add3A_10 = vector.broadcast %add3A_9 : i32 to vector<16xi32>
    %add3A_11 = arith.addi %iota3A, %add3A_10 : vector<16xi32>
    %swap3A_12 = arith.constant 16 : index
    %swap3A_13 = tpu.vector_load %arg7[%swap3A_12] {strides = array<i32>} : memref<800xi32, #tpu.memory_space<vmem>>, vector<16xi32>,
    tpu.vector_store %arg7[%swap3A_12], %add3A_11 {strides = array<i32>} : memref<800xi32, #tpu.memory_space<vmem>>, vector<16xi32>,
    %add3A_14 = arith.constant 32 : i32
    %add3A_15 = vector.broadcast %add3A_14 : i32 to vector<16xi32>
    %add3A_16 = arith.addi %iota3A, %add3A_15 : vector<16xi32>
    %swap3A_17 = arith.constant 32 : index
    %swap3A_18 = tpu.vector_load %arg7[%swap3A_17] {strides = array<i32>} : memref<800xi32, #tpu.memory_space<vmem>>, vector<16xi32>,
    tpu.vector_store %arg7[%swap3A_17], %add3A_16 {strides = array<i32>} : memref<800xi32, #tpu.memory_space<vmem>>, vector<16xi32>,
    %add3A_19 = arith.constant 48 : i32
    %add3A_20 = vector.broadcast %add3A_19 : i32 to vector<16xi32>
    %add3A_21 = arith.addi %iota3A, %add3A_20 : vector<16xi32>
    %swap3A_22 = arith.constant 48 : index
    %swap3A_23 = tpu.vector_load %arg7[%swap3A_22] {strides = array<i32>} : memref<800xi32, #tpu.memory_space<vmem>>, vector<16xi32>,
    tpu.vector_store %arg7[%swap3A_22], %add3A_21 {strides = array<i32>} : memref<800xi32, #tpu.memory_space<vmem>>, vector<16xi32>,
    %add3A_24 = arith.constant 64 : i32
    %add3A_25 = vector.broadcast %add3A_24 : i32 to vector<16xi32>
    %add3A_26 = arith.addi %iota3A, %add3A_25 : vector<16xi32>
    %swap3A_27 = arith.constant 64 : index
    %swap3A_28 = tpu.vector_load %arg7[%swap3A_27] {strides = array<i32>} : memref<800xi32, #tpu.memory_space<vmem>>, vector<16xi32>,
    tpu.vector_store %arg7[%swap3A_27], %add3A_26 {strides = array<i32>} : memref<800xi32, #tpu.memory_space<vmem>>, vector<16xi32>,
    %add3A_29 = arith.constant 80 : i32
    %add3A_30 = vector.broadcast %add3A_29 : i32 to vector<16xi32>
    %add3A_31 = arith.addi %iota3A, %add3A_30 : vector<16xi32>
    %swap3A_32 = arith.constant 80 : index
    %swap3A_33 = tpu.vector_load %arg7[%swap3A_32] {strides = array<i32>} : memref<800xi32, #tpu.memory_space<vmem>>, vector<16xi32>,
    tpu.vector_store %arg7[%swap3A_32], %add3A_31 {strides = array<i32>} : memref<800xi32, #tpu.memory_space<vmem>>, vector<16xi32>,
    %add3A_34 = arith.constant 96 : i32
    %add3A_35 = vector.broadcast %add3A_34 : i32 to vector<16xi32>
    %add3A_36 = arith.addi %iota3A, %add3A_35 : vector<16xi32>
    %swap3A_37 = arith.constant 96 : index
    %swap3A_38 = tpu.vector_load %arg7[%swap3A_37] {strides = array<i32>} : memref<800xi32, #tpu.memory_space<vmem>>, vector<16xi32>,
    tpu.vector_store %arg7[%swap3A_37], %add3A_36 {strides = array<i32>} : memref<800xi32, #tpu.memory_space<vmem>>, vector<16xi32>,
    %add3A_39 = arith.constant 112 : i32
    %add3A_40 = vector.broadcast %add3A_39 : i32 to vector<16xi32>
    %add3A_41 = arith.addi %iota3A, %add3A_40 : vector<16xi32>
    %swap3A_42 = arith.constant 112 : index
    %swap3A_43 = tpu.vector_load %arg7[%swap3A_42] {strides = array<i32>} : memref<800xi32, #tpu.memory_space<vmem>>, vector<16xi32>,
    tpu.vector_store %arg7[%swap3A_42], %add3A_41 {strides = array<i32>} : memref<800xi32, #tpu.memory_space<vmem>>, vector<16xi32>,
    %add3A_44 = arith.constant 128 : i32
    %add3A_45 = vector.broadcast %add3A_44 : i32 to vector<16xi32>
    %add3A_46 = arith.addi %iota3A, %add3A_45 : vector<16xi32>
    %swap3A_47 = arith.constant 128 : index
    %swap3A_48 = tpu.vector_load %arg7[%swap3A_47] {strides = array<i32>} : memref<800xi32, #tpu.memory_space<vmem>>, vector<16xi32>,
    tpu.vector_store %arg7[%swap3A_47], %add3A_46 {strides = array<i32>} : memref<800xi32, #tpu.memory_space<vmem>>, vector<16xi32>,
    %add3A_49 = arith.constant 144 : i32
    %add3A_50 = vector.broadcast %add3A_49 : i32 to vector<16xi32>
    %add3A_51 = arith.addi %iota3A, %add3A_50 : vector<16xi32>
    %swap3A_52 = arith.constant 144 : index
    %swap3A_53 = tpu.vector_load %arg7[%swap3A_52] {strides = array<i32>} : memref<800xi32, #tpu.memory_space<vmem>>, vector<16xi32>,
    tpu.vector_store %arg7[%swap3A_52], %add3A_51 {strides = array<i32>} : memref<800xi32, #tpu.memory_space<vmem>>, vector<16xi32>,
    %add3A_54 = arith.constant 160 : i32
    %add3A_55 = vector.broadcast %add3A_54 : i32 to vector<16xi32>
    %add3A_56 = arith.addi %iota3A, %add3A_55 : vector<16xi32>
    %swap3A_57 = arith.constant 160 : index
    %swap3A_58 = tpu.vector_load %arg7[%swap3A_57] {strides = array<i32>} : memref<800xi32, #tpu.memory_space<vmem>>, vector<16xi32>,
    tpu.vector_store %arg7[%swap3A_57], %add3A_56 {strides = array<i32>} : memref<800xi32, #tpu.memory_space<vmem>>, vector<16xi32>,
    %add3A_59 = arith.constant 176 : i32
    %add3A_60 = vector.broadcast %add3A_59 : i32 to vector<16xi32>
    %add3A_61 = arith.addi %iota3A, %add3A_60 : vector<16xi32>
    %swap3A_62 = arith.constant 176 : index
    %swap3A_63 = tpu.vector_load %arg7[%swap3A_62] {strides = array<i32>} : memref<800xi32, #tpu.memory_space<vmem>>, vector<16xi32>,
    tpu.vector_store %arg7[%swap3A_62], %add3A_61 {strides = array<i32>} : memref<800xi32, #tpu.memory_space<vmem>>, vector<16xi32>,
    %add3A_64 = arith.constant 192 : i32
    %add3A_65 = vector.broadcast %add3A_64 : i32 to vector<16xi32>
    %add3A_66 = arith.addi %iota3A, %add3A_65 : vector<16xi32>
    %swap3A_67 = arith.constant 192 : index
    %swap3A_68 = tpu.vector_load %arg7[%swap3A_67] {strides = array<i32>} : memref<800xi32, #tpu.memory_space<vmem>>, vector<16xi32>,
    tpu.vector_store %arg7[%swap3A_67], %add3A_66 {strides = array<i32>} : memref<800xi32, #tpu.memory_space<vmem>>, vector<16xi32>,
    %add3A_69 = arith.constant 208 : i32
    %add3A_70 = vector.broadcast %add3A_69 : i32 to vector<16xi32>
    %add3A_71 = arith.addi %iota3A, %add3A_70 : vector<16xi32>
    %swap3A_72 = arith.constant 208 : index
    %swap3A_73 = tpu.vector_load %arg7[%swap3A_72] {strides = array<i32>} : memref<800xi32, #tpu.memory_space<vmem>>, vector<16xi32>,
    tpu.vector_store %arg7[%swap3A_72], %add3A_71 {strides = array<i32>} : memref<800xi32, #tpu.memory_space<vmem>>, vector<16xi32>,
    %add3A_74 = arith.constant 224 : i32
    %add3A_75 = vector.broadcast %add3A_74 : i32 to vector<16xi32>
    %add3A_76 = arith.addi %iota3A, %add3A_75 : vector<16xi32>
    %swap3A_77 = arith.constant 224 : index
    %swap3A_78 = tpu.vector_load %arg7[%swap3A_77] {strides = array<i32>} : memref<800xi32, #tpu.memory_space<vmem>>, vector<16xi32>,
    tpu.vector_store %arg7[%swap3A_77], %add3A_76 {strides = array<i32>} : memref<800xi32, #tpu.memory_space<vmem>>, vector<16xi32>,
    %add3A_79 = arith.constant 240 : i32
    %add3A_80 = vector.broadcast %add3A_79 : i32 to vector<16xi32>
    %add3A_81 = arith.addi %iota3A, %add3A_80 : vector<16xi32>
    %swap3A_82 = arith.constant 240 : index
    %swap3A_83 = tpu.vector_load %arg7[%swap3A_82] {strides = array<i32>} : memref<800xi32, #tpu.memory_space<vmem>>, vector<16xi32>,
    tpu.vector_store %arg7[%swap3A_82], %add3A_81 {strides = array<i32>} : memref<800xi32, #tpu.memory_space<vmem>>, vector<16xi32>,
    %add3A_84 = arith.constant 256 : i32
    %add3A_85 = vector.broadcast %add3A_84 : i32 to vector<16xi32>
    %add3A_86 = arith.addi %iota3A, %add3A_85 : vector<16xi32>
    %swap3A_87 = arith.constant 256 : index
    %swap3A_88 = tpu.vector_load %arg7[%swap3A_87] {strides = array<i32>} : memref<800xi32, #tpu.memory_space<vmem>>, vector<16xi32>,
    tpu.vector_store %arg7[%swap3A_87], %add3A_86 {strides = array<i32>} : memref<800xi32, #tpu.memory_space<vmem>>, vector<16xi32>,
    %add3A_89 = arith.constant 272 : i32
    %add3A_90 = vector.broadcast %add3A_89 : i32 to vector<16xi32>
    %add3A_91 = arith.addi %iota3A, %add3A_90 : vector<16xi32>
    %swap3A_92 = arith.constant 272 : index
    %swap3A_93 = tpu.vector_load %arg7[%swap3A_92] {strides = array<i32>} : memref<800xi32, #tpu.memory_space<vmem>>, vector<16xi32>,
    tpu.vector_store %arg7[%swap3A_92], %add3A_91 {strides = array<i32>} : memref<800xi32, #tpu.memory_space<vmem>>, vector<16xi32>,
    %add3A_94 = arith.constant 288 : i32
    %add3A_95 = vector.broadcast %add3A_94 : i32 to vector<16xi32>
    %add3A_96 = arith.addi %iota3A, %add3A_95 : vector<16xi32>
    %swap3A_97 = arith.constant 288 : index
    %swap3A_98 = tpu.vector_load %arg7[%swap3A_97] {strides = array<i32>} : memref<800xi32, #tpu.memory_space<vmem>>, vector<16xi32>,
    tpu.vector_store %arg7[%swap3A_97], %add3A_96 {strides = array<i32>} : memref<800xi32, #tpu.memory_space<vmem>>, vector<16xi32>,
    %add3A_99 = arith.constant 304 : i32
    %add3A_100 = vector.broadcast %add3A_99 : i32 to vector<16xi32>
    %add3A_101 = arith.addi %iota3A, %add3A_100 : vector<16xi32>
    %swap3A_102 = arith.constant 304 : index
    %swap3A_103 = tpu.vector_load %arg7[%swap3A_102] {strides = array<i32>} : memref<800xi32, #tpu.memory_space<vmem>>, vector<16xi32>,
    tpu.vector_store %arg7[%swap3A_102], %add3A_101 {strides = array<i32>} : memref<800xi32, #tpu.memory_space<vmem>>, vector<16xi32>,
    %add3A_104 = arith.constant 320 : i32
    %add3A_105 = vector.broadcast %add3A_104 : i32 to vector<16xi32>
    %add3A_106 = arith.addi %iota3A, %add3A_105 : vector<16xi32>
    %swap3A_107 = arith.constant 320 : index
    %swap3A_108 = tpu.vector_load %arg7[%swap3A_107] {strides = array<i32>} : memref<800xi32, #tpu.memory_space<vmem>>, vector<16xi32>,
    tpu.vector_store %arg7[%swap3A_107], %add3A_106 {strides = array<i32>} : memref<800xi32, #tpu.memory_space<vmem>>, vector<16xi32>,
    %add3A_109 = arith.constant 336 : i32
    %add3A_110 = vector.broadcast %add3A_109 : i32 to vector<16xi32>
    %add3A_111 = arith.addi %iota3A, %add3A_110 : vector<16xi32>
    %swap3A_112 = arith.constant 336 : index
    %swap3A_113 = tpu.vector_load %arg7[%swap3A_112] {strides = array<i32>} : memref<800xi32, #tpu.memory_space<vmem>>, vector<16xi32>,
    tpu.vector_store %arg7[%swap3A_112], %add3A_111 {strides = array<i32>} : memref<800xi32, #tpu.memory_space<vmem>>, vector<16xi32>,
    %add3A_114 = arith.constant 352 : i32
    %add3A_115 = vector.broadcast %add3A_114 : i32 to vector<16xi32>
    %add3A_116 = arith.addi %iota3A, %add3A_115 : vector<16xi32>
    %swap3A_117 = arith.constant 352 : index
    %swap3A_118 = tpu.vector_load %arg7[%swap3A_117] {strides = array<i32>} : memref<800xi32, #tpu.memory_space<vmem>>, vector<16xi32>,
    tpu.vector_store %arg7[%swap3A_117], %add3A_116 {strides = array<i32>} : memref<800xi32, #tpu.memory_space<vmem>>, vector<16xi32>,
    %add3A_119 = arith.constant 368 : i32
    %add3A_120 = vector.broadcast %add3A_119 : i32 to vector<16xi32>
    %add3A_121 = arith.addi %iota3A, %add3A_120 : vector<16xi32>
    %swap3A_122 = arith.constant 368 : index
    %swap3A_123 = tpu.vector_load %arg7[%swap3A_122] {strides = array<i32>} : memref<800xi32, #tpu.memory_space<vmem>>, vector<16xi32>,
    tpu.vector_store %arg7[%swap3A_122], %add3A_121 {strides = array<i32>} : memref<800xi32, #tpu.memory_space<vmem>>, vector<16xi32>,
    %add3A_124 = arith.constant 384 : i32
    %add3A_125 = vector.broadcast %add3A_124 : i32 to vector<16xi32>
    %add3A_126 = arith.addi %iota3A, %add3A_125 : vector<16xi32>
    %swap3A_127 = arith.constant 384 : index
    %swap3A_128 = tpu.vector_load %arg7[%swap3A_127] {strides = array<i32>} : memref<800xi32, #tpu.memory_space<vmem>>, vector<16xi32>,
    tpu.vector_store %arg7[%swap3A_127], %add3A_126 {strides = array<i32>} : memref<800xi32, #tpu.memory_space<vmem>>, vector<16xi32>,
    %add3A_129 = arith.constant 400 : i32
    %add3A_130 = vector.broadcast %add3A_129 : i32 to vector<16xi32>
    %add3A_131 = arith.addi %iota3A, %add3A_130 : vector<16xi32>
    %swap3A_132 = arith.constant 400 : index
    %swap3A_133 = tpu.vector_load %arg7[%swap3A_132] {strides = array<i32>} : memref<800xi32, #tpu.memory_space<vmem>>, vector<16xi32>,
    tpu.vector_store %arg7[%swap3A_132], %add3A_131 {strides = array<i32>} : memref<800xi32, #tpu.memory_space<vmem>>, vector<16xi32>,
    %add3A_134 = arith.constant 416 : i32
    %add3A_135 = vector.broadcast %add3A_134 : i32 to vector<16xi32>
    %add3A_136 = arith.addi %iota3A, %add3A_135 : vector<16xi32>
    %swap3A_137 = arith.constant 416 : index
    %swap3A_138 = tpu.vector_load %arg7[%swap3A_137] {strides = array<i32>} : memref<800xi32, #tpu.memory_space<vmem>>, vector<16xi32>,
    tpu.vector_store %arg7[%swap3A_137], %add3A_136 {strides = array<i32>} : memref<800xi32, #tpu.memory_space<vmem>>, vector<16xi32>,
    %add3A_139 = arith.constant 432 : i32
    %add3A_140 = vector.broadcast %add3A_139 : i32 to vector<16xi32>
    %add3A_141 = arith.addi %iota3A, %add3A_140 : vector<16xi32>
    %swap3A_142 = arith.constant 432 : index
    %swap3A_143 = tpu.vector_load %arg7[%swap3A_142] {strides = array<i32>} : memref<800xi32, #tpu.memory_space<vmem>>, vector<16xi32>,
    tpu.vector_store %arg7[%swap3A_142], %add3A_141 {strides = array<i32>} : memref<800xi32, #tpu.memory_space<vmem>>, vector<16xi32>,
    %add3A_144 = arith.constant 448 : i32
    %add3A_145 = vector.broadcast %add3A_144 : i32 to vector<16xi32>
    %add3A_146 = arith.addi %iota3A, %add3A_145 : vector<16xi32>
    %swap3A_147 = arith.constant 448 : index
    %swap3A_148 = tpu.vector_load %arg7[%swap3A_147] {strides = array<i32>} : memref<800xi32, #tpu.memory_space<vmem>>, vector<16xi32>,
    tpu.vector_store %arg7[%swap3A_147], %add3A_146 {strides = array<i32>} : memref<800xi32, #tpu.memory_space<vmem>>, vector<16xi32>,
    %add3A_149 = arith.constant 464 : i32
    %add3A_150 = vector.broadcast %add3A_149 : i32 to vector<16xi32>
    %add3A_151 = arith.addi %iota3A, %add3A_150 : vector<16xi32>
    %swap3A_152 = arith.constant 464 : index
    %swap3A_153 = tpu.vector_load %arg7[%swap3A_152] {strides = array<i32>} : memref<800xi32, #tpu.memory_space<vmem>>, vector<16xi32>,
    tpu.vector_store %arg7[%swap3A_152], %add3A_151 {strides = array<i32>} : memref<800xi32, #tpu.memory_space<vmem>>, vector<16xi32>,
    %add3A_154 = arith.constant 480 : i32
    %add3A_155 = vector.broadcast %add3A_154 : i32 to vector<16xi32>
    %add3A_156 = arith.addi %iota3A, %add3A_155 : vector<16xi32>
    %swap3A_157 = arith.constant 480 : index
    %swap3A_158 = tpu.vector_load %arg7[%swap3A_157] {strides = array<i32>} : memref<800xi32, #tpu.memory_space<vmem>>, vector<16xi32>,
    tpu.vector_store %arg7[%swap3A_157], %add3A_156 {strides = array<i32>} : memref<800xi32, #tpu.memory_space<vmem>>, vector<16xi32>,
    %add3A_159 = arith.constant 496 : i32
    %add3A_160 = vector.broadcast %add3A_159 : i32 to vector<16xi32>
    %add3A_161 = arith.addi %iota3A, %add3A_160 : vector<16xi32>
    %swap3A_162 = arith.constant 496 : index
    %swap3A_163 = tpu.vector_load %arg7[%swap3A_162] {strides = array<i32>} : memref<800xi32, #tpu.memory_space<vmem>>, vector<16xi32>,
    tpu.vector_store %arg7[%swap3A_162], %add3A_161 {strides = array<i32>} : memref<800xi32, #tpu.memory_space<vmem>>, vector<16xi32>,
    %add3A_164 = arith.constant 512 : i32
    %add3A_165 = vector.broadcast %add3A_164 : i32 to vector<16xi32>
    %add3A_166 = arith.addi %iota3A, %add3A_165 : vector<16xi32>
    %swap3A_167 = arith.constant 512 : index
    %swap3A_168 = tpu.vector_load %arg7[%swap3A_167] {strides = array<i32>} : memref<800xi32, #tpu.memory_space<vmem>>, vector<16xi32>,
    tpu.vector_store %arg7[%swap3A_167], %add3A_166 {strides = array<i32>} : memref<800xi32, #tpu.memory_space<vmem>>, vector<16xi32>,
    %add3A_169 = arith.constant 528 : i32
    %add3A_170 = vector.broadcast %add3A_169 : i32 to vector<16xi32>
    %add3A_171 = arith.addi %iota3A, %add3A_170 : vector<16xi32>
    %swap3A_172 = arith.constant 528 : index
    %swap3A_173 = tpu.vector_load %arg7[%swap3A_172] {strides = array<i32>} : memref<800xi32, #tpu.memory_space<vmem>>, vector<16xi32>,
    tpu.vector_store %arg7[%swap3A_172], %add3A_171 {strides = array<i32>} : memref<800xi32, #tpu.memory_space<vmem>>, vector<16xi32>,
    %add3A_174 = arith.constant 544 : i32
    %add3A_175 = vector.broadcast %add3A_174 : i32 to vector<16xi32>
    %add3A_176 = arith.addi %iota3A, %add3A_175 : vector<16xi32>
    %swap3A_177 = arith.constant 544 : index
    %swap3A_178 = tpu.vector_load %arg7[%swap3A_177] {strides = array<i32>} : memref<800xi32, #tpu.memory_space<vmem>>, vector<16xi32>,
    tpu.vector_store %arg7[%swap3A_177], %add3A_176 {strides = array<i32>} : memref<800xi32, #tpu.memory_space<vmem>>, vector<16xi32>,
    %add3A_179 = arith.constant 560 : i32
    %add3A_180 = vector.broadcast %add3A_179 : i32 to vector<16xi32>
    %add3A_181 = arith.addi %iota3A, %add3A_180 : vector<16xi32>
    %swap3A_182 = arith.constant 560 : index
    %swap3A_183 = tpu.vector_load %arg7[%swap3A_182] {strides = array<i32>} : memref<800xi32, #tpu.memory_space<vmem>>, vector<16xi32>,
    tpu.vector_store %arg7[%swap3A_182], %add3A_181 {strides = array<i32>} : memref<800xi32, #tpu.memory_space<vmem>>, vector<16xi32>,
    %add3A_184 = arith.constant 576 : i32
    %add3A_185 = vector.broadcast %add3A_184 : i32 to vector<16xi32>
    %add3A_186 = arith.addi %iota3A, %add3A_185 : vector<16xi32>
    %swap3A_187 = arith.constant 576 : index
    %swap3A_188 = tpu.vector_load %arg7[%swap3A_187] {strides = array<i32>} : memref<800xi32, #tpu.memory_space<vmem>>, vector<16xi32>,
    tpu.vector_store %arg7[%swap3A_187], %add3A_186 {strides = array<i32>} : memref<800xi32, #tpu.memory_space<vmem>>, vector<16xi32>,
    %add3A_189 = arith.constant 592 : i32
    %add3A_190 = vector.broadcast %add3A_189 : i32 to vector<16xi32>
    %add3A_191 = arith.addi %iota3A, %add3A_190 : vector<16xi32>
    %swap3A_192 = arith.constant 592 : index
    %swap3A_193 = tpu.vector_load %arg7[%swap3A_192] {strides = array<i32>} : memref<800xi32, #tpu.memory_space<vmem>>, vector<16xi32>,
    tpu.vector_store %arg7[%swap3A_192], %add3A_191 {strides = array<i32>} : memref<800xi32, #tpu.memory_space<vmem>>, vector<16xi32>,
    %add3A_194 = arith.constant 608 : i32
    %add3A_195 = vector.broadcast %add3A_194 : i32 to vector<16xi32>
    %add3A_196 = arith.addi %iota3A, %add3A_195 : vector<16xi32>
    %swap3A_197 = arith.constant 608 : index
    %swap3A_198 = tpu.vector_load %arg7[%swap3A_197] {strides = array<i32>} : memref<800xi32, #tpu.memory_space<vmem>>, vector<16xi32>,
    tpu.vector_store %arg7[%swap3A_197], %add3A_196 {strides = array<i32>} : memref<800xi32, #tpu.memory_space<vmem>>, vector<16xi32>,
    %add3A_199 = arith.constant 624 : i32
    %add3A_200 = vector.broadcast %add3A_199 : i32 to vector<16xi32>
    %add3A_201 = arith.addi %iota3A, %add3A_200 : vector<16xi32>
    %swap3A_202 = arith.constant 624 : index
    %swap3A_203 = tpu.vector_load %arg7[%swap3A_202] {strides = array<i32>} : memref<800xi32, #tpu.memory_space<vmem>>, vector<16xi32>,
    tpu.vector_store %arg7[%swap3A_202], %add3A_201 {strides = array<i32>} : memref<800xi32, #tpu.memory_space<vmem>>, vector<16xi32>,
    %add3A_204 = arith.constant 640 : i32
    %add3A_205 = vector.broadcast %add3A_204 : i32 to vector<16xi32>
    %add3A_206 = arith.addi %iota3A, %add3A_205 : vector<16xi32>
    %swap3A_207 = arith.constant 640 : index
    %swap3A_208 = tpu.vector_load %arg7[%swap3A_207] {strides = array<i32>} : memref<800xi32, #tpu.memory_space<vmem>>, vector<16xi32>,
    tpu.vector_store %arg7[%swap3A_207], %add3A_206 {strides = array<i32>} : memref<800xi32, #tpu.memory_space<vmem>>, vector<16xi32>,
    %add3A_209 = arith.constant 656 : i32
    %add3A_210 = vector.broadcast %add3A_209 : i32 to vector<16xi32>
    %add3A_211 = arith.addi %iota3A, %add3A_210 : vector<16xi32>
    %swap3A_212 = arith.constant 656 : index
    %swap3A_213 = tpu.vector_load %arg7[%swap3A_212] {strides = array<i32>} : memref<800xi32, #tpu.memory_space<vmem>>, vector<16xi32>,
    tpu.vector_store %arg7[%swap3A_212], %add3A_211 {strides = array<i32>} : memref<800xi32, #tpu.memory_space<vmem>>, vector<16xi32>,
    %add3A_214 = arith.constant 672 : i32
    %add3A_215 = vector.broadcast %add3A_214 : i32 to vector<16xi32>
    %add3A_216 = arith.addi %iota3A, %add3A_215 : vector<16xi32>
    %swap3A_217 = arith.constant 672 : index
    %swap3A_218 = tpu.vector_load %arg7[%swap3A_217] {strides = array<i32>} : memref<800xi32, #tpu.memory_space<vmem>>, vector<16xi32>,
    tpu.vector_store %arg7[%swap3A_217], %add3A_216 {strides = array<i32>} : memref<800xi32, #tpu.memory_space<vmem>>, vector<16xi32>,
    %add3A_219 = arith.constant 688 : i32
    %add3A_220 = vector.broadcast %add3A_219 : i32 to vector<16xi32>
    %add3A_221 = arith.addi %iota3A, %add3A_220 : vector<16xi32>
    %swap3A_222 = arith.constant 688 : index
    %swap3A_223 = tpu.vector_load %arg7[%swap3A_222] {strides = array<i32>} : memref<800xi32, #tpu.memory_space<vmem>>, vector<16xi32>,
    tpu.vector_store %arg7[%swap3A_222], %add3A_221 {strides = array<i32>} : memref<800xi32, #tpu.memory_space<vmem>>, vector<16xi32>,
    %add3A_224 = arith.constant 704 : i32
    %add3A_225 = vector.broadcast %add3A_224 : i32 to vector<16xi32>
    %add3A_226 = arith.addi %iota3A, %add3A_225 : vector<16xi32>
    %swap3A_227 = arith.constant 704 : index
    %swap3A_228 = tpu.vector_load %arg7[%swap3A_227] {strides = array<i32>} : memref<800xi32, #tpu.memory_space<vmem>>, vector<16xi32>,
    tpu.vector_store %arg7[%swap3A_227], %add3A_226 {strides = array<i32>} : memref<800xi32, #tpu.memory_space<vmem>>, vector<16xi32>,
    %add3A_229 = arith.constant 720 : i32
    %add3A_230 = vector.broadcast %add3A_229 : i32 to vector<16xi32>
    %add3A_231 = arith.addi %iota3A, %add3A_230 : vector<16xi32>
    %swap3A_232 = arith.constant 720 : index
    %swap3A_233 = tpu.vector_load %arg7[%swap3A_232] {strides = array<i32>} : memref<800xi32, #tpu.memory_space<vmem>>, vector<16xi32>,
    tpu.vector_store %arg7[%swap3A_232], %add3A_231 {strides = array<i32>} : memref<800xi32, #tpu.memory_space<vmem>>, vector<16xi32>,
    %add3A_234 = arith.constant 736 : i32
    %add3A_235 = vector.broadcast %add3A_234 : i32 to vector<16xi32>
    %add3A_236 = arith.addi %iota3A, %add3A_235 : vector<16xi32>
    %swap3A_237 = arith.constant 736 : index
    %swap3A_238 = tpu.vector_load %arg7[%swap3A_237] {strides = array<i32>} : memref<800xi32, #tpu.memory_space<vmem>>, vector<16xi32>,
    tpu.vector_store %arg7[%swap3A_237], %add3A_236 {strides = array<i32>} : memref<800xi32, #tpu.memory_space<vmem>>, vector<16xi32>,
    %add3A_239 = arith.constant 752 : i32
    %add3A_240 = vector.broadcast %add3A_239 : i32 to vector<16xi32>
    %add3A_241 = arith.addi %iota3A, %add3A_240 : vector<16xi32>
    %swap3A_242 = arith.constant 752 : index
    %swap3A_243 = tpu.vector_load %arg7[%swap3A_242] {strides = array<i32>} : memref<800xi32, #tpu.memory_space<vmem>>, vector<16xi32>,
    tpu.vector_store %arg7[%swap3A_242], %add3A_241 {strides = array<i32>} : memref<800xi32, #tpu.memory_space<vmem>>, vector<16xi32>,
    %add3A_244 = arith.constant 768 : i32
    %add3A_245 = vector.broadcast %add3A_244 : i32 to vector<16xi32>
    %add3A_246 = arith.addi %iota3A, %add3A_245 : vector<16xi32>
    %swap3A_247 = arith.constant 768 : index
    %swap3A_248 = tpu.vector_load %arg7[%swap3A_247] {strides = array<i32>} : memref<800xi32, #tpu.memory_space<vmem>>, vector<16xi32>,
    tpu.vector_store %arg7[%swap3A_247], %add3A_246 {strides = array<i32>} : memref<800xi32, #tpu.memory_space<vmem>>, vector<16xi32>,
    %add3A_249 = arith.constant 784 : i32
    %add3A_250 = vector.broadcast %add3A_249 : i32 to vector<16xi32>
    %add3A_251 = arith.addi %iota3A, %add3A_250 : vector<16xi32>
    %swap3A_252 = arith.constant 784 : index
    %swap3A_253 = tpu.vector_load %arg7[%swap3A_252] {strides = array<i32>} : memref<800xi32, #tpu.memory_space<vmem>>, vector<16xi32>,
    tpu.vector_store %arg7[%swap3A_252], %add3A_251 {strides = array<i32>} : memref<800xi32, #tpu.memory_space<vmem>>, vector<16xi32>,
    %mul3A = arith.constant 50 : i32
    %mul3A_254 = arith.muli %arg1, %mul3A : i32
    %mul3A_255 = arith.constant 50 : i32
    %mul3A_256 = arith.muli %arg1, %mul3A_255 : i32
    "tpu.region"() ({
      %run_scoped3A = tpu.sem_alloc : memref<!tpu.dma_semaphore, #tpu.memory_space<semaphore_mem>>
      %dma_start3A_279 = arith.constant 0 : i32
      %dma_start3A_280 = tpu.memref_slice %arg5[%mul3A_254, %dma_start3A_279] : memref<800x128xf32, #tpu.memory_space<vmem>> -> memref<50x128xf32, #tpu.memory_space<vmem>>
      %dma_start3A_281 = arith.constant 0 : i32
      %dma_start3A_282 = tpu.memref_slice %arg4[%mul3A_256, %dma_start3A_281] : memref<800x128xf32, #tpu.memory_space<vmem_shared>> -> memref<50x128xf32, #tpu.memory_space<vmem_shared>>
      %dma_start3A_283 = arith.constant 0 : i32
      %dma_start3A_284 = tpu.memref_slice %arg4[%mul3A_256, %dma_start3A_283] : memref<800x128xf32, #tpu.memory_space<vmem_shared>> -> memref<50x128xf32, #tpu.memory_space<vmem_shared>>
      %dma_start3A_285 = arith.constant 0 : i32
      %dma_start3A_286 = tpu.memref_slice %arg5[%mul3A_254, %dma_start3A_285] : memref<800x128xf32, #tpu.memory_space<vmem>> -> memref<50x128xf32, #tpu.memory_space<vmem>>
      tpu.enqueue_dma source(%dma_start3A_286 : memref<50x128xf32, #tpu.memory_space<vmem>>) target(%dma_start3A_284 : memref<50x128xf32, #tpu.memory_space<vmem_shared>>) target_semaphore(%run_scoped3A : memref<!tpu.dma_semaphore, #tpu.memory_space<semaphore_mem>>)
      %dma_wait3A_287 = arith.constant 0 : i32
      %dma_wait3A_288 = tpu.memref_slice %arg5[%mul3A_254, %dma_wait3A_287] : memref<800x128xf32, #tpu.memory_space<vmem>> -> memref<50x128xf32, #tpu.memory_space<vmem>>
      %dma_wait3A_289 = arith.constant 0 : i32
      %dma_wait3A_290 = tpu.memref_slice %arg4[%mul3A_256, %dma_wait3A_289] : memref<800x128xf32, #tpu.memory_space<vmem_shared>> -> memref<50x128xf32, #tpu.memory_space<vmem_shared>>
      %dma_wait3A_291 = arith.constant 0 : i32
      %dma_wait3A_292 = tpu.memref_slice %arg4[%mul3A_256, %dma_wait3A_291] : memref<800x128xf32, #tpu.memory_space<vmem_shared>> -> memref<50x128xf32, #tpu.memory_space<vmem_shared>>
      %dma_wait3A_293 = arith.constant 0 : i32
      %dma_wait3A_294 = tpu.memref_slice %arg5[%mul3A_254, %dma_wait3A_293] : memref<800x128xf32, #tpu.memory_space<vmem>> -> memref<50x128xf32, #tpu.memory_space<vmem>>
      tpu.wait_dma2 semaphore(%run_scoped3A : memref<!tpu.dma_semaphore, #tpu.memory_space<semaphore_mem>>) src(%dma_wait3A_294 : memref<50x128xf32, #tpu.memory_space<vmem>>) dst(%dma_wait3A_292 : memref<50x128xf32, #tpu.memory_space<vmem_shared>>)
      tpu.yield
    }) : () -> ()
    %barrier3A = arith.constant 0 : index
    tpu.barrier barrier_id(%barrier3A)
    %mul3A_257 = arith.constant 16 : i32
    %mul3A_258 = arith.muli %arg0, %mul3A_257 : i32
    %add3A_259 = arith.addi %mul3A_258, %arg1 : i32
    %mul3A_260 = arith.constant 102400 : i32
    %mul3A_261 = arith.muli %add3A_259, %mul3A_260 : i32
    %broadcast_in_dim3A_262 = arith.constant 1.000000e+00 : f32
    %broadcast_in_dim3A_263 = vector.broadcast %broadcast_in_dim3A_262 : f32 to vector<16xf32>
    %scan3A_264 = arith.constant 0 : i32
    %scan3A_265 = arith.constant 0 : i32
    %scan3A_266 = arith.constant 10 : i32
    %scan3A_267 = arith.addi %scan3A_265, %scan3A_266 : i32
    %scan3A_268 = arith.constant 1 : i32
    scf.for %scan3A_279 = %scan3A_265 to %scan3A_267 step %scan3A_268  : i32 {
      %mul3A_280 = arith.constant 10240 : i32
      %mul3A_281 = arith.muli %scan3A_279, %mul3A_280 : i32
      %add3A_282 = arith.addi %mul3A_261, %mul3A_281 : i32
      "tpu.region"() ({
        %run_scoped3A = tpu.sem_alloc : memref<!tpu.dma_semaphore, #tpu.memory_space<semaphore_mem>>
        %dma_start3A_289 = tpu.memref_slice %arg2[%add3A_282] : memref<3276800xi32, #tpu.memory_space<hbm>> -> memref<10240xi32, #tpu.memory_space<hbm>>
        %dma_start3A_290 = tpu.memref_slice %arg2[%add3A_282] : memref<3276800xi32, #tpu.memory_space<hbm>> -> memref<10240xi32, #tpu.memory_space<hbm>>
        tpu.enqueue_dma source(%dma_start3A_290 : memref<10240xi32, #tpu.memory_space<hbm>>) target(%arg6 : memref<10240xi32, #tpu.memory_space<vmem>>) target_semaphore(%run_scoped3A : memref<!tpu.dma_semaphore, #tpu.memory_space<semaphore_mem>>)
        %dma_wait3A_291 = tpu.memref_slice %arg2[%add3A_282] : memref<3276800xi32, #tpu.memory_space<hbm>> -> memref<10240xi32, #tpu.memory_space<hbm>>
        %dma_wait3A_292 = tpu.memref_slice %arg2[%add3A_282] : memref<3276800xi32, #tpu.memory_space<hbm>> -> memref<10240xi32, #tpu.memory_space<hbm>>
        tpu.wait_dma2 semaphore(%run_scoped3A : memref<!tpu.dma_semaphore, #tpu.memory_space<semaphore_mem>>) src(%dma_wait3A_292 : memref<10240xi32, #tpu.memory_space<hbm>>) dst(%arg6 : memref<10240xi32, #tpu.memory_space<vmem>>)
        tpu.yield
      }) : () -> ()
      %scan3A_283 = arith.constant 0 : i32
      %scan3A_284 = arith.constant 0 : i32
      %scan3A_285 = arith.constant 80 : i32
      %scan3A_286 = arith.addi %scan3A_284, %scan3A_285 : i32
      %scan3A_287 = arith.constant 1 : i32
      scf.for %scan3A_289 = %scan3A_284 to %scan3A_286 step %scan3A_287  : i32 {
        %mul3A_290 = arith.constant 8 : i32
        %mul3A_291 = arith.muli %scan3A_289, %mul3A_290 : i32
        %add3A_292 = arith.constant 0 : i32
        %add3A_293 = arith.addi %mul3A_291, %add3A_292 : i32
        %mul3A_294 = arith.constant 16 : i32
        %mul3A_295 = arith.muli %add3A_293, %mul3A_294 : i32
        %get3A = arith.index_cast %mul3A_295 : i32 to index
        %get3A_296 = tpu.vector_load %arg6[%get3A] {strides = array<i32>} : memref<10240xi32, #tpu.memory_space<vmem>>, vector<16xi32>,
        %shift_right_arithmetic3A = arith.constant 7 : i32
        %shift_right_arithmetic3A_297 = vector.broadcast %shift_right_arithmetic3A : i32 to vector<16xi32>
        %shift_right_arithmetic3A_298 = arith.shrsi %get3A_296, %shift_right_arithmetic3A_297 : vector<16xi32>
        %and3A = arith.constant 127 : i32
        %and3A_299 = vector.broadcast %and3A : i32 to vector<16xi32>
        %and3A_300 = arith.andi %get3A_296, %and3A_299 : vector<16xi32>
        tpu.vector_store_idx %arg5[%shift_right_arithmetic3A_298, %and3A_300], %broadcast_in_dim3A_263 {add = true} : memref<800x128xf32, #tpu.memory_space<vmem>>[vector<16xi32>, vector<16xi32>], vector<16xf32>,
        %mul3A_301 = arith.constant 8 : i32
        %mul3A_302 = arith.muli %scan3A_289, %mul3A_301 : i32
        %add3A_303 = arith.constant 1 : i32
        %add3A_304 = arith.addi %mul3A_302, %add3A_303 : i32
        %mul3A_305 = arith.constant 16 : i32
        %mul3A_306 = arith.muli %add3A_304, %mul3A_305 : i32
        %get3A_307 = arith.index_cast %mul3A_306 : i32 to index
        %get3A_308 = tpu.vector_load %arg6[%get3A_307] {strides = array<i32>} : memref<10240xi32, #tpu.memory_space<vmem>>, vector<16xi32>,
        %shift_right_arithmetic3A_309 = arith.constant 7 : i32
        %shift_right_arithmetic3A_310 = vector.broadcast %shift_right_arithmetic3A_309 : i32 to vector<16xi32>
        %shift_right_arithmetic3A_311 = arith.shrsi %get3A_308, %shift_right_arithmetic3A_310 : vector<16xi32>
        %and3A_312 = arith.constant 127 : i32
        %and3A_313 = vector.broadcast %and3A_312 : i32 to vector<16xi32>
        %and3A_314 = arith.andi %get3A_308, %and3A_313 : vector<16xi32>
        tpu.vector_store_idx %arg5[%shift_right_arithmetic3A_311, %and3A_314], %broadcast_in_dim3A_263 {add = true} : memref<800x128xf32, #tpu.memory_space<vmem>>[vector<16xi32>, vector<16xi32>], vector<16xf32>,
        %mul3A_315 = arith.constant 8 : i32
        %mul3A_316 = arith.muli %scan3A_289, %mul3A_315 : i32
        %add3A_317 = arith.constant 2 : i32
        %add3A_318 = arith.addi %mul3A_316, %add3A_317 : i32
        %mul3A_319 = arith.constant 16 : i32
        %mul3A_320 = arith.muli %add3A_318, %mul3A_319 : i32
        %get3A_321 = arith.index_cast %mul3A_320 : i32 to index
        %get3A_322 = tpu.vector_load %arg6[%get3A_321] {strides = array<i32>} : memref<10240xi32, #tpu.memory_space<vmem>>, vector<16xi32>,
        %shift_right_arithmetic3A_323 = arith.constant 7 : i32
        %shift_right_arithmetic3A_324 = vector.broadcast %shift_right_arithmetic3A_323 : i32 to vector<16xi32>
        %shift_right_arithmetic3A_325 = arith.shrsi %get3A_322, %shift_right_arithmetic3A_324 : vector<16xi32>
        %and3A_326 = arith.constant 127 : i32
        %and3A_327 = vector.broadcast %and3A_326 : i32 to vector<16xi32>
        %and3A_328 = arith.andi %get3A_322, %and3A_327 : vector<16xi32>
        tpu.vector_store_idx %arg5[%shift_right_arithmetic3A_325, %and3A_328], %broadcast_in_dim3A_263 {add = true} : memref<800x128xf32, #tpu.memory_space<vmem>>[vector<16xi32>, vector<16xi32>], vector<16xf32>,
        %mul3A_329 = arith.constant 8 : i32
        %mul3A_330 = arith.muli %scan3A_289, %mul3A_329 : i32
        %add3A_331 = arith.constant 3 : i32
        %add3A_332 = arith.addi %mul3A_330, %add3A_331 : i32
        %mul3A_333 = arith.constant 16 : i32
        %mul3A_334 = arith.muli %add3A_332, %mul3A_333 : i32
        %get3A_335 = arith.index_cast %mul3A_334 : i32 to index
        %get3A_336 = tpu.vector_load %arg6[%get3A_335] {strides = array<i32>} : memref<10240xi32, #tpu.memory_space<vmem>>, vector<16xi32>,
        %shift_right_arithmetic3A_337 = arith.constant 7 : i32
        %shift_right_arithmetic3A_338 = vector.broadcast %shift_right_arithmetic3A_337 : i32 to vector<16xi32>
        %shift_right_arithmetic3A_339 = arith.shrsi %get3A_336, %shift_right_arithmetic3A_338 : vector<16xi32>
        %and3A_340 = arith.constant 127 : i32
        %and3A_341 = vector.broadcast %and3A_340 : i32 to vector<16xi32>
        %and3A_342 = arith.andi %get3A_336, %and3A_341 : vector<16xi32>
        tpu.vector_store_idx %arg5[%shift_right_arithmetic3A_339, %and3A_342], %broadcast_in_dim3A_263 {add = true} : memref<800x128xf32, #tpu.memory_space<vmem>>[vector<16xi32>, vector<16xi32>], vector<16xf32>,
        %mul3A_343 = arith.constant 8 : i32
        %mul3A_344 = arith.muli %scan3A_289, %mul3A_343 : i32
        %add3A_345 = arith.constant 4 : i32
        %add3A_346 = arith.addi %mul3A_344, %add3A_345 : i32
        %mul3A_347 = arith.constant 16 : i32
        %mul3A_348 = arith.muli %add3A_346, %mul3A_347 : i32
        %get3A_349 = arith.index_cast %mul3A_348 : i32 to index
        %get3A_350 = tpu.vector_load %arg6[%get3A_349] {strides = array<i32>} : memref<10240xi32, #tpu.memory_space<vmem>>, vector<16xi32>,
        %shift_right_arithmetic3A_351 = arith.constant 7 : i32
        %shift_right_arithmetic3A_352 = vector.broadcast %shift_right_arithmetic3A_351 : i32 to vector<16xi32>
        %shift_right_arithmetic3A_353 = arith.shrsi %get3A_350, %shift_right_arithmetic3A_352 : vector<16xi32>
        %and3A_354 = arith.constant 127 : i32
        %and3A_355 = vector.broadcast %and3A_354 : i32 to vector<16xi32>
        %and3A_356 = arith.andi %get3A_350, %and3A_355 : vector<16xi32>
        tpu.vector_store_idx %arg5[%shift_right_arithmetic3A_353, %and3A_356], %broadcast_in_dim3A_263 {add = true} : memref<800x128xf32, #tpu.memory_space<vmem>>[vector<16xi32>, vector<16xi32>], vector<16xf32>,
        %mul3A_357 = arith.constant 8 : i32
        %mul3A_358 = arith.muli %scan3A_289, %mul3A_357 : i32
        %add3A_359 = arith.constant 5 : i32
        %add3A_360 = arith.addi %mul3A_358, %add3A_359 : i32
        %mul3A_361 = arith.constant 16 : i32
        %mul3A_362 = arith.muli %add3A_360, %mul3A_361 : i32
        %get3A_363 = arith.index_cast %mul3A_362 : i32 to index
        %get3A_364 = tpu.vector_load %arg6[%get3A_363] {strides = array<i32>} : memref<10240xi32, #tpu.memory_space<vmem>>, vector<16xi32>,
        %shift_right_arithmetic3A_365 = arith.constant 7 : i32
        %shift_right_arithmetic3A_366 = vector.broadcast %shift_right_arithmetic3A_365 : i32 to vector<16xi32>
        %shift_right_arithmetic3A_367 = arith.shrsi %get3A_364, %shift_right_arithmetic3A_366 : vector<16xi32>
        %and3A_368 = arith.constant 127 : i32
        %and3A_369 = vector.broadcast %and3A_368 : i32 to vector<16xi32>
        %and3A_370 = arith.andi %get3A_364, %and3A_369 : vector<16xi32>
        tpu.vector_store_idx %arg5[%shift_right_arithmetic3A_367, %and3A_370], %broadcast_in_dim3A_263 {add = true} : memref<800x128xf32, #tpu.memory_space<vmem>>[vector<16xi32>, vector<16xi32>], vector<16xf32>,
        %mul3A_371 = arith.constant 8 : i32
        %mul3A_372 = arith.muli %scan3A_289, %mul3A_371 : i32
        %add3A_373 = arith.constant 6 : i32
        %add3A_374 = arith.addi %mul3A_372, %add3A_373 : i32
        %mul3A_375 = arith.constant 16 : i32
        %mul3A_376 = arith.muli %add3A_374, %mul3A_375 : i32
        %get3A_377 = arith.index_cast %mul3A_376 : i32 to index
        %get3A_378 = tpu.vector_load %arg6[%get3A_377] {strides = array<i32>} : memref<10240xi32, #tpu.memory_space<vmem>>, vector<16xi32>,
        %shift_right_arithmetic3A_379 = arith.constant 7 : i32
        %shift_right_arithmetic3A_380 = vector.broadcast %shift_right_arithmetic3A_379 : i32 to vector<16xi32>
        %shift_right_arithmetic3A_381 = arith.shrsi %get3A_378, %shift_right_arithmetic3A_380 : vector<16xi32>
        %and3A_382 = arith.constant 127 : i32
        %and3A_383 = vector.broadcast %and3A_382 : i32 to vector<16xi32>
        %and3A_384 = arith.andi %get3A_378, %and3A_383 : vector<16xi32>
        tpu.vector_store_idx %arg5[%shift_right_arithmetic3A_381, %and3A_384], %broadcast_in_dim3A_263 {add = true} : memref<800x128xf32, #tpu.memory_space<vmem>>[vector<16xi32>, vector<16xi32>], vector<16xf32>,
        %mul3A_385 = arith.constant 8 : i32
        %mul3A_386 = arith.muli %scan3A_289, %mul3A_385 : i32
        %add3A_387 = arith.constant 7 : i32
        %add3A_388 = arith.addi %mul3A_386, %add3A_387 : i32
        %mul3A_389 = arith.constant 16 : i32
        %mul3A_390 = arith.muli %add3A_388, %mul3A_389 : i32
        %get3A_391 = arith.index_cast %mul3A_390 : i32 to index
        %get3A_392 = tpu.vector_load %arg6[%get3A_391] {strides = array<i32>} : memref<10240xi32, #tpu.memory_space<vmem>>, vector<16xi32>,
        %shift_right_arithmetic3A_393 = arith.constant 7 : i32
        %shift_right_arithmetic3A_394 = vector.broadcast %shift_right_arithmetic3A_393 : i32 to vector<16xi32>
        %shift_right_arithmetic3A_395 = arith.shrsi %get3A_392, %shift_right_arithmetic3A_394 : vector<16xi32>
        %and3A_396 = arith.constant 127 : i32
        %and3A_397 = vector.broadcast %and3A_396 : i32 to vector<16xi32>
        %and3A_398 = arith.andi %get3A_392, %and3A_397 : vector<16xi32>
        tpu.vector_store_idx %arg5[%shift_right_arithmetic3A_395, %and3A_398], %broadcast_in_dim3A_263 {add = true} : memref<800x128xf32, #tpu.memory_space<vmem>>[vector<16xi32>, vector<16xi32>], vector<16xf32>,
      }
      %scan3A_288 = arith.constant 80 : i32
    }
    %scan3A_269 = arith.constant 10 : i32
    %dma_start3A = arith.constant 0 : i32
    %dma_start3A_270 = arith.constant 0 : i32
    %dma_start3A_271 = tpu.memref_slice %arg4[%dma_start3A, %dma_start3A_270] : memref<800x128xf32, #tpu.memory_space<vmem_shared>> -> memref<800x128xf32, #tpu.memory_space<vmem_shared>>
    tpu.enqueue_indirect_dma source(%arg5 : memref<800x128xf32, #tpu.memory_space<vmem>>) target(%dma_start3A_271 : memref<800x128xf32, #tpu.memory_space<vmem_shared>>) offsets(%arg7 : memref<800xi32, #tpu.memory_space<vmem>>) semaphore(%arg8 : memref<!tpu.dma_semaphore, #tpu.memory_space<semaphore_mem>>) {add = true}
    %dma_wait3A = arith.constant 0 : i32
    %dma_wait3A_272 = arith.constant 0 : i32
    %dma_wait3A_273 = tpu.memref_slice %arg4[%dma_wait3A, %dma_wait3A_272] : memref<800x128xf32, #tpu.memory_space<vmem_shared>> -> memref<800x128xf32, #tpu.memory_space<vmem_shared>>
    tpu.wait_indirect_dma semaphore(%arg8 : memref<!tpu.dma_semaphore, #tpu.memory_space<semaphore_mem>>) src(%arg5 : memref<800x128xf32, #tpu.memory_space<vmem>>) dst(%dma_wait3A_273 : memref<800x128xf32, #tpu.memory_space<vmem_shared>>)
    %barrier3A_274 = arith.constant 0 : index
    tpu.barrier barrier_id(%barrier3A_274)
    %mul3A_275 = arith.constant 50 : i32
    %mul3A_276 = arith.muli %arg1, %mul3A_275 : i32
    %mul3A_277 = arith.constant 50 : i32
    %mul3A_278 = arith.muli %arg1, %mul3A_277 : i32
    "tpu.region"() ({
      %run_scoped3A = tpu.sem_alloc : memref<!tpu.dma_semaphore, #tpu.memory_space<semaphore_mem>>
      %dma_start3A_279 = arith.constant 0 : i32
      %dma_start3A_280 = tpu.memref_slice %arg3[%arg0, %mul3A_278, %dma_start3A_279] : memref<2x800x128xf32, #tpu.memory_space<hbm>> -> memref<1x50x128xf32, #tpu.memory_space<hbm>>
      %dma_start3A_281 = tpu.memref_squeeze %dma_start3A_280 : memref<1x50x128xf32, #tpu.memory_space<hbm>> -> memref<50x128xf32, #tpu.memory_space<hbm>>
      %dma_start3A_282 = arith.constant 0 : i32
      %dma_start3A_283 = tpu.memref_slice %arg4[%mul3A_276, %dma_start3A_282] : memref<800x128xf32, #tpu.memory_space<vmem_shared>> -> memref<50x128xf32, #tpu.memory_space<vmem_shared>>
      tpu.enqueue_dma source(%dma_start3A_283 : memref<50x128xf32, #tpu.memory_space<vmem_shared>>) target(%dma_start3A_281 : memref<50x128xf32, #tpu.memory_space<hbm>>) target_semaphore(%run_scoped3A : memref<!tpu.dma_semaphore, #tpu.memory_space<semaphore_mem>>)
      %dma_wait3A_284 = arith.constant 0 : i32
      %dma_wait3A_285 = tpu.memref_slice %arg3[%arg0, %mul3A_278, %dma_wait3A_284] : memref<2x800x128xf32, #tpu.memory_space<hbm>> -> memref<1x50x128xf32, #tpu.memory_space<hbm>>
      %dma_wait3A_286 = tpu.memref_squeeze %dma_wait3A_285 : memref<1x50x128xf32, #tpu.memory_space<hbm>> -> memref<50x128xf32, #tpu.memory_space<hbm>>
      %dma_wait3A_287 = arith.constant 0 : i32
      %dma_wait3A_288 = tpu.memref_slice %arg4[%mul3A_276, %dma_wait3A_287] : memref<800x128xf32, #tpu.memory_space<vmem_shared>> -> memref<50x128xf32, #tpu.memory_space<vmem_shared>>
      tpu.wait_dma2 semaphore(%run_scoped3A : memref<!tpu.dma_semaphore, #tpu.memory_space<semaphore_mem>>) src(%dma_wait3A_288 : memref<50x128xf32, #tpu.memory_space<vmem_shared>>) dst(%dma_wait3A_286 : memref<50x128xf32, #tpu.memory_space<hbm>>)
      tpu.yield
    }) : () -> ()
    return
  }
}

#map = affine_map<(d0, d1) -> (0, 0)>
#map1 = affine_map<(d0, d1) -> (0, 0, 0)>
module attributes {stable_mosaic.version = 14 : i64} {
  func.func @_agg_body(%arg0: i32, %arg1: i32, %arg2: memref<102400x8xf32, #tpu.memory_space<hbm>>, %arg3: memref<12800x256xi32, #tpu.memory_space<hbm>>, %arg4: memref<12800x256xi32, #tpu.memory_space<hbm>>, %arg5: memref<2x102400x8xf32, #tpu.memory_space<hbm>>, %arg6: memref<102400x8xf32, #tpu.memory_space<vmem_shared>>, %arg7: memref<102400x8xf32, #tpu.memory_space<vmem_shared>>, %arg8: memref<8x256xi32, #tpu.memory_space<vmem>>, %arg9: memref<8x256xi32, #tpu.memory_space<vmem>>, %arg10: memref<2048x8xf32, #tpu.memory_space<vmem>>, %arg11: memref<!tpu.dma_semaphore, #tpu.memory_space<semaphore_mem>>, %arg12: memref<!tpu.dma_semaphore, #tpu.memory_space<semaphore_mem>>) attributes {dimension_semantics = [#tpu.dimension_semantics<core_parallel>, #tpu.dimension_semantics<subcore_parallel>], iteration_bounds = array<i64: 2, 16>, scalar_prefetch = 0 : i64, scratch_operands = 7 : i64, tpu.core_type = #tpu.core_type<sc_vector_subcore>, window_params = [{transform_indices = #map}, {transform_indices = #map}, {transform_indices = #map}, {transform_indices = #map1}]} {
    %mul3A = arith.constant 6400 : i32
    %mul3A_0 = arith.muli %arg1, %mul3A : i32
    "tpu.region"() ({
      %run_scoped3A = tpu.sem_alloc : memref<!tpu.dma_semaphore, #tpu.memory_space<semaphore_mem>>
      %dma_start3A = arith.constant 0 : i32
      %dma_start3A_11 = tpu.memref_slice %arg6[%mul3A_0, %dma_start3A] : memref<102400x8xf32, #tpu.memory_space<vmem_shared>> -> memref<6400x8xf32, #tpu.memory_space<vmem_shared>>
      %dma_start3A_12 = arith.constant 0 : i32
      %dma_start3A_13 = tpu.memref_slice %arg2[%mul3A_0, %dma_start3A_12] : memref<102400x8xf32, #tpu.memory_space<hbm>> -> memref<6400x8xf32, #tpu.memory_space<hbm>>
      tpu.enqueue_dma source(%dma_start3A_13 : memref<6400x8xf32, #tpu.memory_space<hbm>>) target(%dma_start3A_11 : memref<6400x8xf32, #tpu.memory_space<vmem_shared>>) target_semaphore(%run_scoped3A : memref<!tpu.dma_semaphore, #tpu.memory_space<semaphore_mem>>)
      %dma_wait3A = arith.constant 0 : i32
      %dma_wait3A_14 = tpu.memref_slice %arg6[%mul3A_0, %dma_wait3A] : memref<102400x8xf32, #tpu.memory_space<vmem_shared>> -> memref<6400x8xf32, #tpu.memory_space<vmem_shared>>
      %dma_wait3A_15 = arith.constant 0 : i32
      %dma_wait3A_16 = tpu.memref_slice %arg2[%mul3A_0, %dma_wait3A_15] : memref<102400x8xf32, #tpu.memory_space<hbm>> -> memref<6400x8xf32, #tpu.memory_space<hbm>>
      tpu.wait_dma2 semaphore(%run_scoped3A : memref<!tpu.dma_semaphore, #tpu.memory_space<semaphore_mem>>) src(%dma_wait3A_16 : memref<6400x8xf32, #tpu.memory_space<hbm>>) dst(%dma_wait3A_14 : memref<6400x8xf32, #tpu.memory_space<vmem_shared>>)
      tpu.yield
    }) : () -> ()
    "tpu.region"() ({
      %run_scoped3A = tpu.sem_alloc : memref<!tpu.dma_semaphore, #tpu.memory_space<semaphore_mem>>
      %dma_start3A = arith.constant 0 : i32
      %dma_start3A_11 = tpu.memref_slice %arg7[%mul3A_0, %dma_start3A] : memref<102400x8xf32, #tpu.memory_space<vmem_shared>> -> memref<6400x8xf32, #tpu.memory_space<vmem_shared>>
      %dma_start3A_12 = arith.constant 0 : i32
      %dma_start3A_13 = tpu.memref_slice %arg2[%mul3A_0, %dma_start3A_12] : memref<102400x8xf32, #tpu.memory_space<hbm>> -> memref<6400x8xf32, #tpu.memory_space<hbm>>
      tpu.enqueue_dma source(%dma_start3A_13 : memref<6400x8xf32, #tpu.memory_space<hbm>>) target(%dma_start3A_11 : memref<6400x8xf32, #tpu.memory_space<vmem_shared>>) target_semaphore(%run_scoped3A : memref<!tpu.dma_semaphore, #tpu.memory_space<semaphore_mem>>)
      %dma_wait3A = arith.constant 0 : i32
      %dma_wait3A_14 = tpu.memref_slice %arg7[%mul3A_0, %dma_wait3A] : memref<102400x8xf32, #tpu.memory_space<vmem_shared>> -> memref<6400x8xf32, #tpu.memory_space<vmem_shared>>
      %dma_wait3A_15 = arith.constant 0 : i32
      %dma_wait3A_16 = tpu.memref_slice %arg2[%mul3A_0, %dma_wait3A_15] : memref<102400x8xf32, #tpu.memory_space<hbm>> -> memref<6400x8xf32, #tpu.memory_space<hbm>>
      tpu.wait_dma2 semaphore(%run_scoped3A : memref<!tpu.dma_semaphore, #tpu.memory_space<semaphore_mem>>) src(%dma_wait3A_16 : memref<6400x8xf32, #tpu.memory_space<hbm>>) dst(%dma_wait3A_14 : memref<6400x8xf32, #tpu.memory_space<vmem_shared>>)
      tpu.yield
    }) : () -> ()
    %barrier3A = arith.constant 0 : index
    tpu.barrier barrier_id(%barrier3A)
    %mul3A_1 = arith.constant 6400 : i32
    %mul3A_2 = arith.muli %arg0, %mul3A_1 : i32
    %mul3A_3 = arith.constant 400 : i32
    %mul3A_4 = arith.muli %arg1, %mul3A_3 : i32
    %add3A = arith.addi %mul3A_2, %mul3A_4 : i32
    %scan3A = arith.constant 0 : i32
    %scan3A_5 = arith.constant 0 : i32
    %scan3A_6 = arith.constant 50 : i32
    %scan3A_7 = arith.addi %scan3A_5, %scan3A_6 : i32
    %scan3A_8 = arith.constant 1 : i32
    scf.for %scan3A_11 = %scan3A_5 to %scan3A_7 step %scan3A_8  : i32 {
      %mul3A_12 = arith.constant 8 : i32
      %mul3A_13 = arith.muli %scan3A_11, %mul3A_12 : i32
      %add3A_14 = arith.addi %add3A, %mul3A_13 : i32
      "tpu.region"() ({
        %run_scoped3A = tpu.sem_alloc : memref<!tpu.dma_semaphore, #tpu.memory_space<semaphore_mem>>
        %dma_start3A_333 = arith.constant 0 : i32
        %dma_start3A_334 = tpu.memref_slice %arg3[%add3A_14, %dma_start3A_333] : memref<12800x256xi32, #tpu.memory_space<hbm>> -> memref<8x256xi32, #tpu.memory_space<hbm>>
        %dma_start3A_335 = arith.constant 0 : i32
        %dma_start3A_336 = tpu.memref_slice %arg3[%add3A_14, %dma_start3A_335] : memref<12800x256xi32, #tpu.memory_space<hbm>> -> memref<8x256xi32, #tpu.memory_space<hbm>>
        tpu.enqueue_dma source(%dma_start3A_336 : memref<8x256xi32, #tpu.memory_space<hbm>>) target(%arg8 : memref<8x256xi32, #tpu.memory_space<vmem>>) target_semaphore(%run_scoped3A : memref<!tpu.dma_semaphore, #tpu.memory_space<semaphore_mem>>)
        %dma_wait3A_337 = arith.constant 0 : i32
        %dma_wait3A_338 = tpu.memref_slice %arg3[%add3A_14, %dma_wait3A_337] : memref<12800x256xi32, #tpu.memory_space<hbm>> -> memref<8x256xi32, #tpu.memory_space<hbm>>
        %dma_wait3A_339 = arith.constant 0 : i32
        %dma_wait3A_340 = tpu.memref_slice %arg3[%add3A_14, %dma_wait3A_339] : memref<12800x256xi32, #tpu.memory_space<hbm>> -> memref<8x256xi32, #tpu.memory_space<hbm>>
        tpu.wait_dma2 semaphore(%run_scoped3A : memref<!tpu.dma_semaphore, #tpu.memory_space<semaphore_mem>>) src(%dma_wait3A_340 : memref<8x256xi32, #tpu.memory_space<hbm>>) dst(%arg8 : memref<8x256xi32, #tpu.memory_space<vmem>>)
        tpu.yield
      }) : () -> ()
      "tpu.region"() ({
        %run_scoped3A = tpu.sem_alloc : memref<!tpu.dma_semaphore, #tpu.memory_space<semaphore_mem>>
        %dma_start3A_333 = arith.constant 0 : i32
        %dma_start3A_334 = tpu.memref_slice %arg4[%add3A_14, %dma_start3A_333] : memref<12800x256xi32, #tpu.memory_space<hbm>> -> memref<8x256xi32, #tpu.memory_space<hbm>>
        %dma_start3A_335 = arith.constant 0 : i32
        %dma_start3A_336 = tpu.memref_slice %arg4[%add3A_14, %dma_start3A_335] : memref<12800x256xi32, #tpu.memory_space<hbm>> -> memref<8x256xi32, #tpu.memory_space<hbm>>
        tpu.enqueue_dma source(%dma_start3A_336 : memref<8x256xi32, #tpu.memory_space<hbm>>) target(%arg9 : memref<8x256xi32, #tpu.memory_space<vmem>>) target_semaphore(%run_scoped3A : memref<!tpu.dma_semaphore, #tpu.memory_space<semaphore_mem>>)
        %dma_wait3A_337 = arith.constant 0 : i32
        %dma_wait3A_338 = tpu.memref_slice %arg4[%add3A_14, %dma_wait3A_337] : memref<12800x256xi32, #tpu.memory_space<hbm>> -> memref<8x256xi32, #tpu.memory_space<hbm>>
        %dma_wait3A_339 = arith.constant 0 : i32
        %dma_wait3A_340 = tpu.memref_slice %arg4[%add3A_14, %dma_wait3A_339] : memref<12800x256xi32, #tpu.memory_space<hbm>> -> memref<8x256xi32, #tpu.memory_space<hbm>>
        tpu.wait_dma2 semaphore(%run_scoped3A : memref<!tpu.dma_semaphore, #tpu.memory_space<semaphore_mem>>) src(%dma_wait3A_340 : memref<8x256xi32, #tpu.memory_space<hbm>>) dst(%arg9 : memref<8x256xi32, #tpu.memory_space<vmem>>)
        tpu.yield
      }) : () -> ()
      %dma_start3A = arith.constant 0 : i32
      %dma_start3A_15 = arith.constant 0 : i32
      %dma_start3A_16 = arith.constant 0 : i32
      %dma_start3A_17 = tpu.memref_slice %arg10[%dma_start3A_15, %dma_start3A_16] : memref<2048x8xf32, #tpu.memory_space<vmem>> -> memref<256x8xf32, #tpu.memory_space<vmem>>
      %dma_start3A_18 = arith.constant 0 : i32
      %dma_start3A_19 = tpu.memref_slice %arg8[%dma_start3A, %dma_start3A_18] : memref<8x256xi32, #tpu.memory_space<vmem>> -> memref<1x256xi32, #tpu.memory_space<vmem>>
      %dma_start3A_20 = tpu.memref_squeeze %dma_start3A_19 : memref<1x256xi32, #tpu.memory_space<vmem>> -> memref<256xi32, #tpu.memory_space<vmem>>
      %dma_start3A_21 = arith.constant 0 : i32
      %dma_start3A_22 = arith.constant 0 : i32
      %dma_start3A_23 = tpu.memref_slice %arg6[%dma_start3A_21, %dma_start3A_22] : memref<102400x8xf32, #tpu.memory_space<vmem_shared>> -> memref<102400x8xf32, #tpu.memory_space<vmem_shared>>
      tpu.enqueue_indirect_dma source(%dma_start3A_23 : memref<102400x8xf32, #tpu.memory_space<vmem_shared>>) target(%dma_start3A_17 : memref<256x8xf32, #tpu.memory_space<vmem>>) offsets(%dma_start3A_20 : memref<256xi32, #tpu.memory_space<vmem>>) semaphore(%arg11 : memref<!tpu.dma_semaphore, #tpu.memory_space<semaphore_mem>>)
      %dma_start3A_24 = arith.constant 1 : i32
      %dma_start3A_25 = arith.constant 256 : i32
      %dma_start3A_26 = arith.constant 0 : i32
      %dma_start3A_27 = tpu.memref_slice %arg10[%dma_start3A_25, %dma_start3A_26] : memref<2048x8xf32, #tpu.memory_space<vmem>> -> memref<256x8xf32, #tpu.memory_space<vmem>>
      %dma_start3A_28 = arith.constant 0 : i32
      %dma_start3A_29 = tpu.memref_slice %arg8[%dma_start3A_24, %dma_start3A_28] : memref<8x256xi32, #tpu.memory_space<vmem>> -> memref<1x256xi32, #tpu.memory_space<vmem>>
      %dma_start3A_30 = tpu.memref_squeeze %dma_start3A_29 : memref<1x256xi32, #tpu.memory_space<vmem>> -> memref<256xi32, #tpu.memory_space<vmem>>
      %dma_start3A_31 = arith.constant 0 : i32
      %dma_start3A_32 = arith.constant 0 : i32
      %dma_start3A_33 = tpu.memref_slice %arg6[%dma_start3A_31, %dma_start3A_32] : memref<102400x8xf32, #tpu.memory_space<vmem_shared>> -> memref<102400x8xf32, #tpu.memory_space<vmem_shared>>
      tpu.enqueue_indirect_dma source(%dma_start3A_33 : memref<102400x8xf32, #tpu.memory_space<vmem_shared>>) target(%dma_start3A_27 : memref<256x8xf32, #tpu.memory_space<vmem>>) offsets(%dma_start3A_30 : memref<256xi32, #tpu.memory_space<vmem>>) semaphore(%arg11 : memref<!tpu.dma_semaphore, #tpu.memory_space<semaphore_mem>>)
      %dma_start3A_34 = arith.constant 2 : i32
      %dma_start3A_35 = arith.constant 512 : i32
      %dma_start3A_36 = arith.constant 0 : i32
      %dma_start3A_37 = tpu.memref_slice %arg10[%dma_start3A_35, %dma_start3A_36] : memref<2048x8xf32, #tpu.memory_space<vmem>> -> memref<256x8xf32, #tpu.memory_space<vmem>>
      %dma_start3A_38 = arith.constant 0 : i32
      %dma_start3A_39 = tpu.memref_slice %arg8[%dma_start3A_34, %dma_start3A_38] : memref<8x256xi32, #tpu.memory_space<vmem>> -> memref<1x256xi32, #tpu.memory_space<vmem>>
      %dma_start3A_40 = tpu.memref_squeeze %dma_start3A_39 : memref<1x256xi32, #tpu.memory_space<vmem>> -> memref<256xi32, #tpu.memory_space<vmem>>
      %dma_start3A_41 = arith.constant 0 : i32
      %dma_start3A_42 = arith.constant 0 : i32
      %dma_start3A_43 = tpu.memref_slice %arg6[%dma_start3A_41, %dma_start3A_42] : memref<102400x8xf32, #tpu.memory_space<vmem_shared>> -> memref<102400x8xf32, #tpu.memory_space<vmem_shared>>
      tpu.enqueue_indirect_dma source(%dma_start3A_43 : memref<102400x8xf32, #tpu.memory_space<vmem_shared>>) target(%dma_start3A_37 : memref<256x8xf32, #tpu.memory_space<vmem>>) offsets(%dma_start3A_40 : memref<256xi32, #tpu.memory_space<vmem>>) semaphore(%arg11 : memref<!tpu.dma_semaphore, #tpu.memory_space<semaphore_mem>>)
      %dma_start3A_44 = arith.constant 3 : i32
      %dma_start3A_45 = arith.constant 768 : i32
      %dma_start3A_46 = arith.constant 0 : i32
      %dma_start3A_47 = tpu.memref_slice %arg10[%dma_start3A_45, %dma_start3A_46] : memref<2048x8xf32, #tpu.memory_space<vmem>> -> memref<256x8xf32, #tpu.memory_space<vmem>>
      %dma_start3A_48 = arith.constant 0 : i32
      %dma_start3A_49 = tpu.memref_slice %arg8[%dma_start3A_44, %dma_start3A_48] : memref<8x256xi32, #tpu.memory_space<vmem>> -> memref<1x256xi32, #tpu.memory_space<vmem>>
      %dma_start3A_50 = tpu.memref_squeeze %dma_start3A_49 : memref<1x256xi32, #tpu.memory_space<vmem>> -> memref<256xi32, #tpu.memory_space<vmem>>
      %dma_start3A_51 = arith.constant 0 : i32
      %dma_start3A_52 = arith.constant 0 : i32
      %dma_start3A_53 = tpu.memref_slice %arg6[%dma_start3A_51, %dma_start3A_52] : memref<102400x8xf32, #tpu.memory_space<vmem_shared>> -> memref<102400x8xf32, #tpu.memory_space<vmem_shared>>
      tpu.enqueue_indirect_dma source(%dma_start3A_53 : memref<102400x8xf32, #tpu.memory_space<vmem_shared>>) target(%dma_start3A_47 : memref<256x8xf32, #tpu.memory_space<vmem>>) offsets(%dma_start3A_50 : memref<256xi32, #tpu.memory_space<vmem>>) semaphore(%arg11 : memref<!tpu.dma_semaphore, #tpu.memory_space<semaphore_mem>>)
      %dma_start3A_54 = arith.constant 4 : i32
      %dma_start3A_55 = arith.constant 1024 : i32
      %dma_start3A_56 = arith.constant 0 : i32
      %dma_start3A_57 = tpu.memref_slice %arg10[%dma_start3A_55, %dma_start3A_56] : memref<2048x8xf32, #tpu.memory_space<vmem>> -> memref<256x8xf32, #tpu.memory_space<vmem>>
      %dma_start3A_58 = arith.constant 0 : i32
      %dma_start3A_59 = tpu.memref_slice %arg8[%dma_start3A_54, %dma_start3A_58] : memref<8x256xi32, #tpu.memory_space<vmem>> -> memref<1x256xi32, #tpu.memory_space<vmem>>
      %dma_start3A_60 = tpu.memref_squeeze %dma_start3A_59 : memref<1x256xi32, #tpu.memory_space<vmem>> -> memref<256xi32, #tpu.memory_space<vmem>>
      %dma_start3A_61 = arith.constant 0 : i32
      %dma_start3A_62 = arith.constant 0 : i32
      %dma_start3A_63 = tpu.memref_slice %arg6[%dma_start3A_61, %dma_start3A_62] : memref<102400x8xf32, #tpu.memory_space<vmem_shared>> -> memref<102400x8xf32, #tpu.memory_space<vmem_shared>>
      tpu.enqueue_indirect_dma source(%dma_start3A_63 : memref<102400x8xf32, #tpu.memory_space<vmem_shared>>) target(%dma_start3A_57 : memref<256x8xf32, #tpu.memory_space<vmem>>) offsets(%dma_start3A_60 : memref<256xi32, #tpu.memory_space<vmem>>) semaphore(%arg11 : memref<!tpu.dma_semaphore, #tpu.memory_space<semaphore_mem>>)
      %dma_start3A_64 = arith.constant 5 : i32
      %dma_start3A_65 = arith.constant 1280 : i32
      %dma_start3A_66 = arith.constant 0 : i32
      %dma_start3A_67 = tpu.memref_slice %arg10[%dma_start3A_65, %dma_start3A_66] : memref<2048x8xf32, #tpu.memory_space<vmem>> -> memref<256x8xf32, #tpu.memory_space<vmem>>
      %dma_start3A_68 = arith.constant 0 : i32
      %dma_start3A_69 = tpu.memref_slice %arg8[%dma_start3A_64, %dma_start3A_68] : memref<8x256xi32, #tpu.memory_space<vmem>> -> memref<1x256xi32, #tpu.memory_space<vmem>>
      %dma_start3A_70 = tpu.memref_squeeze %dma_start3A_69 : memref<1x256xi32, #tpu.memory_space<vmem>> -> memref<256xi32, #tpu.memory_space<vmem>>
      %dma_start3A_71 = arith.constant 0 : i32
      %dma_start3A_72 = arith.constant 0 : i32
      %dma_start3A_73 = tpu.memref_slice %arg6[%dma_start3A_71, %dma_start3A_72] : memref<102400x8xf32, #tpu.memory_space<vmem_shared>> -> memref<102400x8xf32, #tpu.memory_space<vmem_shared>>
      tpu.enqueue_indirect_dma source(%dma_start3A_73 : memref<102400x8xf32, #tpu.memory_space<vmem_shared>>) target(%dma_start3A_67 : memref<256x8xf32, #tpu.memory_space<vmem>>) offsets(%dma_start3A_70 : memref<256xi32, #tpu.memory_space<vmem>>) semaphore(%arg11 : memref<!tpu.dma_semaphore, #tpu.memory_space<semaphore_mem>>)
      %dma_start3A_74 = arith.constant 6 : i32
      %dma_start3A_75 = arith.constant 1536 : i32
      %dma_start3A_76 = arith.constant 0 : i32
      %dma_start3A_77 = tpu.memref_slice %arg10[%dma_start3A_75, %dma_start3A_76] : memref<2048x8xf32, #tpu.memory_space<vmem>> -> memref<256x8xf32, #tpu.memory_space<vmem>>
      %dma_start3A_78 = arith.constant 0 : i32
      %dma_start3A_79 = tpu.memref_slice %arg8[%dma_start3A_74, %dma_start3A_78] : memref<8x256xi32, #tpu.memory_space<vmem>> -> memref<1x256xi32, #tpu.memory_space<vmem>>
      %dma_start3A_80 = tpu.memref_squeeze %dma_start3A_79 : memref<1x256xi32, #tpu.memory_space<vmem>> -> memref<256xi32, #tpu.memory_space<vmem>>
      %dma_start3A_81 = arith.constant 0 : i32
      %dma_start3A_82 = arith.constant 0 : i32
      %dma_start3A_83 = tpu.memref_slice %arg6[%dma_start3A_81, %dma_start3A_82] : memref<102400x8xf32, #tpu.memory_space<vmem_shared>> -> memref<102400x8xf32, #tpu.memory_space<vmem_shared>>
      tpu.enqueue_indirect_dma source(%dma_start3A_83 : memref<102400x8xf32, #tpu.memory_space<vmem_shared>>) target(%dma_start3A_77 : memref<256x8xf32, #tpu.memory_space<vmem>>) offsets(%dma_start3A_80 : memref<256xi32, #tpu.memory_space<vmem>>) semaphore(%arg11 : memref<!tpu.dma_semaphore, #tpu.memory_space<semaphore_mem>>)
      %dma_start3A_84 = arith.constant 7 : i32
      %dma_start3A_85 = arith.constant 1792 : i32
      %dma_start3A_86 = arith.constant 0 : i32
      %dma_start3A_87 = tpu.memref_slice %arg10[%dma_start3A_85, %dma_start3A_86] : memref<2048x8xf32, #tpu.memory_space<vmem>> -> memref<256x8xf32, #tpu.memory_space<vmem>>
      %dma_start3A_88 = arith.constant 0 : i32
      %dma_start3A_89 = tpu.memref_slice %arg8[%dma_start3A_84, %dma_start3A_88] : memref<8x256xi32, #tpu.memory_space<vmem>> -> memref<1x256xi32, #tpu.memory_space<vmem>>
      %dma_start3A_90 = tpu.memref_squeeze %dma_start3A_89 : memref<1x256xi32, #tpu.memory_space<vmem>> -> memref<256xi32, #tpu.memory_space<vmem>>
      %dma_start3A_91 = arith.constant 0 : i32
      %dma_start3A_92 = arith.constant 0 : i32
      %dma_start3A_93 = tpu.memref_slice %arg6[%dma_start3A_91, %dma_start3A_92] : memref<102400x8xf32, #tpu.memory_space<vmem_shared>> -> memref<102400x8xf32, #tpu.memory_space<vmem_shared>>
      tpu.enqueue_indirect_dma source(%dma_start3A_93 : memref<102400x8xf32, #tpu.memory_space<vmem_shared>>) target(%dma_start3A_87 : memref<256x8xf32, #tpu.memory_space<vmem>>) offsets(%dma_start3A_90 : memref<256xi32, #tpu.memory_space<vmem>>) semaphore(%arg11 : memref<!tpu.dma_semaphore, #tpu.memory_space<semaphore_mem>>)
      %dma_wait3A = arith.constant 0 : i32
      %dma_wait3A_94 = arith.constant 0 : i32
      %dma_wait3A_95 = arith.constant 0 : i32
      %dma_wait3A_96 = tpu.memref_slice %arg10[%dma_wait3A_94, %dma_wait3A_95] : memref<2048x8xf32, #tpu.memory_space<vmem>> -> memref<256x8xf32, #tpu.memory_space<vmem>>
      %dma_wait3A_97 = arith.constant 0 : i32
      %dma_wait3A_98 = tpu.memref_slice %arg8[%dma_wait3A, %dma_wait3A_97] : memref<8x256xi32, #tpu.memory_space<vmem>> -> memref<1x256xi32, #tpu.memory_space<vmem>>
      %dma_wait3A_99 = tpu.memref_squeeze %dma_wait3A_98 : memref<1x256xi32, #tpu.memory_space<vmem>> -> memref<256xi32, #tpu.memory_space<vmem>>
      %dma_wait3A_100 = arith.constant 0 : i32
      %dma_wait3A_101 = arith.constant 0 : i32
      %dma_wait3A_102 = tpu.memref_slice %arg6[%dma_wait3A_100, %dma_wait3A_101] : memref<102400x8xf32, #tpu.memory_space<vmem_shared>> -> memref<102400x8xf32, #tpu.memory_space<vmem_shared>>
      tpu.wait_indirect_dma semaphore(%arg11 : memref<!tpu.dma_semaphore, #tpu.memory_space<semaphore_mem>>) src(%dma_wait3A_102 : memref<102400x8xf32, #tpu.memory_space<vmem_shared>>) dst(%dma_wait3A_96 : memref<256x8xf32, #tpu.memory_space<vmem>>)
      %dma_start3A_103 = arith.constant 0 : i32
      %dma_start3A_104 = arith.constant 0 : i32
      %dma_start3A_105 = arith.constant 0 : i32
      %dma_start3A_106 = tpu.memref_slice %arg10[%dma_start3A_104, %dma_start3A_105] : memref<2048x8xf32, #tpu.memory_space<vmem>> -> memref<256x8xf32, #tpu.memory_space<vmem>>
      %dma_start3A_107 = arith.constant 0 : i32
      %dma_start3A_108 = tpu.memref_slice %arg9[%dma_start3A_103, %dma_start3A_107] : memref<8x256xi32, #tpu.memory_space<vmem>> -> memref<1x256xi32, #tpu.memory_space<vmem>>
      %dma_start3A_109 = tpu.memref_squeeze %dma_start3A_108 : memref<1x256xi32, #tpu.memory_space<vmem>> -> memref<256xi32, #tpu.memory_space<vmem>>
      %dma_start3A_110 = arith.constant 0 : i32
      %dma_start3A_111 = arith.constant 0 : i32
      %dma_start3A_112 = tpu.memref_slice %arg7[%dma_start3A_110, %dma_start3A_111] : memref<102400x8xf32, #tpu.memory_space<vmem_shared>> -> memref<102400x8xf32, #tpu.memory_space<vmem_shared>>
      tpu.enqueue_indirect_dma source(%dma_start3A_106 : memref<256x8xf32, #tpu.memory_space<vmem>>) target(%dma_start3A_112 : memref<102400x8xf32, #tpu.memory_space<vmem_shared>>) offsets(%dma_start3A_109 : memref<256xi32, #tpu.memory_space<vmem>>) semaphore(%arg12 : memref<!tpu.dma_semaphore, #tpu.memory_space<semaphore_mem>>) {add = true}
      %dma_wait3A_113 = arith.constant 1 : i32
      %dma_wait3A_114 = arith.constant 256 : i32
      %dma_wait3A_115 = arith.constant 0 : i32
      %dma_wait3A_116 = tpu.memref_slice %arg10[%dma_wait3A_114, %dma_wait3A_115] : memref<2048x8xf32, #tpu.memory_space<vmem>> -> memref<256x8xf32, #tpu.memory_space<vmem>>
      %dma_wait3A_117 = arith.constant 0 : i32
      %dma_wait3A_118 = tpu.memref_slice %arg8[%dma_wait3A_113, %dma_wait3A_117] : memref<8x256xi32, #tpu.memory_space<vmem>> -> memref<1x256xi32, #tpu.memory_space<vmem>>
      %dma_wait3A_119 = tpu.memref_squeeze %dma_wait3A_118 : memref<1x256xi32, #tpu.memory_space<vmem>> -> memref<256xi32, #tpu.memory_space<vmem>>
      %dma_wait3A_120 = arith.constant 0 : i32
      %dma_wait3A_121 = arith.constant 0 : i32
      %dma_wait3A_122 = tpu.memref_slice %arg6[%dma_wait3A_120, %dma_wait3A_121] : memref<102400x8xf32, #tpu.memory_space<vmem_shared>> -> memref<102400x8xf32, #tpu.memory_space<vmem_shared>>
      tpu.wait_indirect_dma semaphore(%arg11 : memref<!tpu.dma_semaphore, #tpu.memory_space<semaphore_mem>>) src(%dma_wait3A_122 : memref<102400x8xf32, #tpu.memory_space<vmem_shared>>) dst(%dma_wait3A_116 : memref<256x8xf32, #tpu.memory_space<vmem>>)
      %dma_start3A_123 = arith.constant 1 : i32
      %dma_start3A_124 = arith.constant 256 : i32
      %dma_start3A_125 = arith.constant 0 : i32
      %dma_start3A_126 = tpu.memref_slice %arg10[%dma_start3A_124, %dma_start3A_125] : memref<2048x8xf32, #tpu.memory_space<vmem>> -> memref<256x8xf32, #tpu.memory_space<vmem>>
      %dma_start3A_127 = arith.constant 0 : i32
      %dma_start3A_128 = tpu.memref_slice %arg9[%dma_start3A_123, %dma_start3A_127] : memref<8x256xi32, #tpu.memory_space<vmem>> -> memref<1x256xi32, #tpu.memory_space<vmem>>
      %dma_start3A_129 = tpu.memref_squeeze %dma_start3A_128 : memref<1x256xi32, #tpu.memory_space<vmem>> -> memref<256xi32, #tpu.memory_space<vmem>>
      %dma_start3A_130 = arith.constant 0 : i32
      %dma_start3A_131 = arith.constant 0 : i32
      %dma_start3A_132 = tpu.memref_slice %arg7[%dma_start3A_130, %dma_start3A_131] : memref<102400x8xf32, #tpu.memory_space<vmem_shared>> -> memref<102400x8xf32, #tpu.memory_space<vmem_shared>>
      tpu.enqueue_indirect_dma source(%dma_start3A_126 : memref<256x8xf32, #tpu.memory_space<vmem>>) target(%dma_start3A_132 : memref<102400x8xf32, #tpu.memory_space<vmem_shared>>) offsets(%dma_start3A_129 : memref<256xi32, #tpu.memory_space<vmem>>) semaphore(%arg12 : memref<!tpu.dma_semaphore, #tpu.memory_space<semaphore_mem>>) {add = true}
      %dma_wait3A_133 = arith.constant 2 : i32
      %dma_wait3A_134 = arith.constant 512 : i32
      %dma_wait3A_135 = arith.constant 0 : i32
      %dma_wait3A_136 = tpu.memref_slice %arg10[%dma_wait3A_134, %dma_wait3A_135] : memref<2048x8xf32, #tpu.memory_space<vmem>> -> memref<256x8xf32, #tpu.memory_space<vmem>>
      %dma_wait3A_137 = arith.constant 0 : i32
      %dma_wait3A_138 = tpu.memref_slice %arg8[%dma_wait3A_133, %dma_wait3A_137] : memref<8x256xi32, #tpu.memory_space<vmem>> -> memref<1x256xi32, #tpu.memory_space<vmem>>
      %dma_wait3A_139 = tpu.memref_squeeze %dma_wait3A_138 : memref<1x256xi32, #tpu.memory_space<vmem>> -> memref<256xi32, #tpu.memory_space<vmem>>
      %dma_wait3A_140 = arith.constant 0 : i32
      %dma_wait3A_141 = arith.constant 0 : i32
      %dma_wait3A_142 = tpu.memref_slice %arg6[%dma_wait3A_140, %dma_wait3A_141] : memref<102400x8xf32, #tpu.memory_space<vmem_shared>> -> memref<102400x8xf32, #tpu.memory_space<vmem_shared>>
      tpu.wait_indirect_dma semaphore(%arg11 : memref<!tpu.dma_semaphore, #tpu.memory_space<semaphore_mem>>) src(%dma_wait3A_142 : memref<102400x8xf32, #tpu.memory_space<vmem_shared>>) dst(%dma_wait3A_136 : memref<256x8xf32, #tpu.memory_space<vmem>>)
      %dma_start3A_143 = arith.constant 2 : i32
      %dma_start3A_144 = arith.constant 512 : i32
      %dma_start3A_145 = arith.constant 0 : i32
      %dma_start3A_146 = tpu.memref_slice %arg10[%dma_start3A_144, %dma_start3A_145] : memref<2048x8xf32, #tpu.memory_space<vmem>> -> memref<256x8xf32, #tpu.memory_space<vmem>>
      %dma_start3A_147 = arith.constant 0 : i32
      %dma_start3A_148 = tpu.memref_slice %arg9[%dma_start3A_143, %dma_start3A_147] : memref<8x256xi32, #tpu.memory_space<vmem>> -> memref<1x256xi32, #tpu.memory_space<vmem>>
      %dma_start3A_149 = tpu.memref_squeeze %dma_start3A_148 : memref<1x256xi32, #tpu.memory_space<vmem>> -> memref<256xi32, #tpu.memory_space<vmem>>
      %dma_start3A_150 = arith.constant 0 : i32
      %dma_start3A_151 = arith.constant 0 : i32
      %dma_start3A_152 = tpu.memref_slice %arg7[%dma_start3A_150, %dma_start3A_151] : memref<102400x8xf32, #tpu.memory_space<vmem_shared>> -> memref<102400x8xf32, #tpu.memory_space<vmem_shared>>
      tpu.enqueue_indirect_dma source(%dma_start3A_146 : memref<256x8xf32, #tpu.memory_space<vmem>>) target(%dma_start3A_152 : memref<102400x8xf32, #tpu.memory_space<vmem_shared>>) offsets(%dma_start3A_149 : memref<256xi32, #tpu.memory_space<vmem>>) semaphore(%arg12 : memref<!tpu.dma_semaphore, #tpu.memory_space<semaphore_mem>>) {add = true}
      %dma_wait3A_153 = arith.constant 3 : i32
      %dma_wait3A_154 = arith.constant 768 : i32
      %dma_wait3A_155 = arith.constant 0 : i32
      %dma_wait3A_156 = tpu.memref_slice %arg10[%dma_wait3A_154, %dma_wait3A_155] : memref<2048x8xf32, #tpu.memory_space<vmem>> -> memref<256x8xf32, #tpu.memory_space<vmem>>
      %dma_wait3A_157 = arith.constant 0 : i32
      %dma_wait3A_158 = tpu.memref_slice %arg8[%dma_wait3A_153, %dma_wait3A_157] : memref<8x256xi32, #tpu.memory_space<vmem>> -> memref<1x256xi32, #tpu.memory_space<vmem>>
      %dma_wait3A_159 = tpu.memref_squeeze %dma_wait3A_158 : memref<1x256xi32, #tpu.memory_space<vmem>> -> memref<256xi32, #tpu.memory_space<vmem>>
      %dma_wait3A_160 = arith.constant 0 : i32
      %dma_wait3A_161 = arith.constant 0 : i32
      %dma_wait3A_162 = tpu.memref_slice %arg6[%dma_wait3A_160, %dma_wait3A_161] : memref<102400x8xf32, #tpu.memory_space<vmem_shared>> -> memref<102400x8xf32, #tpu.memory_space<vmem_shared>>
      tpu.wait_indirect_dma semaphore(%arg11 : memref<!tpu.dma_semaphore, #tpu.memory_space<semaphore_mem>>) src(%dma_wait3A_162 : memref<102400x8xf32, #tpu.memory_space<vmem_shared>>) dst(%dma_wait3A_156 : memref<256x8xf32, #tpu.memory_space<vmem>>)
      %dma_start3A_163 = arith.constant 3 : i32
      %dma_start3A_164 = arith.constant 768 : i32
      %dma_start3A_165 = arith.constant 0 : i32
      %dma_start3A_166 = tpu.memref_slice %arg10[%dma_start3A_164, %dma_start3A_165] : memref<2048x8xf32, #tpu.memory_space<vmem>> -> memref<256x8xf32, #tpu.memory_space<vmem>>
      %dma_start3A_167 = arith.constant 0 : i32
      %dma_start3A_168 = tpu.memref_slice %arg9[%dma_start3A_163, %dma_start3A_167] : memref<8x256xi32, #tpu.memory_space<vmem>> -> memref<1x256xi32, #tpu.memory_space<vmem>>
      %dma_start3A_169 = tpu.memref_squeeze %dma_start3A_168 : memref<1x256xi32, #tpu.memory_space<vmem>> -> memref<256xi32, #tpu.memory_space<vmem>>
      %dma_start3A_170 = arith.constant 0 : i32
      %dma_start3A_171 = arith.constant 0 : i32
      %dma_start3A_172 = tpu.memref_slice %arg7[%dma_start3A_170, %dma_start3A_171] : memref<102400x8xf32, #tpu.memory_space<vmem_shared>> -> memref<102400x8xf32, #tpu.memory_space<vmem_shared>>
      tpu.enqueue_indirect_dma source(%dma_start3A_166 : memref<256x8xf32, #tpu.memory_space<vmem>>) target(%dma_start3A_172 : memref<102400x8xf32, #tpu.memory_space<vmem_shared>>) offsets(%dma_start3A_169 : memref<256xi32, #tpu.memory_space<vmem>>) semaphore(%arg12 : memref<!tpu.dma_semaphore, #tpu.memory_space<semaphore_mem>>) {add = true}
      %dma_wait3A_173 = arith.constant 4 : i32
      %dma_wait3A_174 = arith.constant 1024 : i32
      %dma_wait3A_175 = arith.constant 0 : i32
      %dma_wait3A_176 = tpu.memref_slice %arg10[%dma_wait3A_174, %dma_wait3A_175] : memref<2048x8xf32, #tpu.memory_space<vmem>> -> memref<256x8xf32, #tpu.memory_space<vmem>>
      %dma_wait3A_177 = arith.constant 0 : i32
      %dma_wait3A_178 = tpu.memref_slice %arg8[%dma_wait3A_173, %dma_wait3A_177] : memref<8x256xi32, #tpu.memory_space<vmem>> -> memref<1x256xi32, #tpu.memory_space<vmem>>
      %dma_wait3A_179 = tpu.memref_squeeze %dma_wait3A_178 : memref<1x256xi32, #tpu.memory_space<vmem>> -> memref<256xi32, #tpu.memory_space<vmem>>
      %dma_wait3A_180 = arith.constant 0 : i32
      %dma_wait3A_181 = arith.constant 0 : i32
      %dma_wait3A_182 = tpu.memref_slice %arg6[%dma_wait3A_180, %dma_wait3A_181] : memref<102400x8xf32, #tpu.memory_space<vmem_shared>> -> memref<102400x8xf32, #tpu.memory_space<vmem_shared>>
      tpu.wait_indirect_dma semaphore(%arg11 : memref<!tpu.dma_semaphore, #tpu.memory_space<semaphore_mem>>) src(%dma_wait3A_182 : memref<102400x8xf32, #tpu.memory_space<vmem_shared>>) dst(%dma_wait3A_176 : memref<256x8xf32, #tpu.memory_space<vmem>>)
      %dma_start3A_183 = arith.constant 4 : i32
      %dma_start3A_184 = arith.constant 1024 : i32
      %dma_start3A_185 = arith.constant 0 : i32
      %dma_start3A_186 = tpu.memref_slice %arg10[%dma_start3A_184, %dma_start3A_185] : memref<2048x8xf32, #tpu.memory_space<vmem>> -> memref<256x8xf32, #tpu.memory_space<vmem>>
      %dma_start3A_187 = arith.constant 0 : i32
      %dma_start3A_188 = tpu.memref_slice %arg9[%dma_start3A_183, %dma_start3A_187] : memref<8x256xi32, #tpu.memory_space<vmem>> -> memref<1x256xi32, #tpu.memory_space<vmem>>
      %dma_start3A_189 = tpu.memref_squeeze %dma_start3A_188 : memref<1x256xi32, #tpu.memory_space<vmem>> -> memref<256xi32, #tpu.memory_space<vmem>>
      %dma_start3A_190 = arith.constant 0 : i32
      %dma_start3A_191 = arith.constant 0 : i32
      %dma_start3A_192 = tpu.memref_slice %arg7[%dma_start3A_190, %dma_start3A_191] : memref<102400x8xf32, #tpu.memory_space<vmem_shared>> -> memref<102400x8xf32, #tpu.memory_space<vmem_shared>>
      tpu.enqueue_indirect_dma source(%dma_start3A_186 : memref<256x8xf32, #tpu.memory_space<vmem>>) target(%dma_start3A_192 : memref<102400x8xf32, #tpu.memory_space<vmem_shared>>) offsets(%dma_start3A_189 : memref<256xi32, #tpu.memory_space<vmem>>) semaphore(%arg12 : memref<!tpu.dma_semaphore, #tpu.memory_space<semaphore_mem>>) {add = true}
      %dma_wait3A_193 = arith.constant 5 : i32
      %dma_wait3A_194 = arith.constant 1280 : i32
      %dma_wait3A_195 = arith.constant 0 : i32
      %dma_wait3A_196 = tpu.memref_slice %arg10[%dma_wait3A_194, %dma_wait3A_195] : memref<2048x8xf32, #tpu.memory_space<vmem>> -> memref<256x8xf32, #tpu.memory_space<vmem>>
      %dma_wait3A_197 = arith.constant 0 : i32
      %dma_wait3A_198 = tpu.memref_slice %arg8[%dma_wait3A_193, %dma_wait3A_197] : memref<8x256xi32, #tpu.memory_space<vmem>> -> memref<1x256xi32, #tpu.memory_space<vmem>>
      %dma_wait3A_199 = tpu.memref_squeeze %dma_wait3A_198 : memref<1x256xi32, #tpu.memory_space<vmem>> -> memref<256xi32, #tpu.memory_space<vmem>>
      %dma_wait3A_200 = arith.constant 0 : i32
      %dma_wait3A_201 = arith.constant 0 : i32
      %dma_wait3A_202 = tpu.memref_slice %arg6[%dma_wait3A_200, %dma_wait3A_201] : memref<102400x8xf32, #tpu.memory_space<vmem_shared>> -> memref<102400x8xf32, #tpu.memory_space<vmem_shared>>
      tpu.wait_indirect_dma semaphore(%arg11 : memref<!tpu.dma_semaphore, #tpu.memory_space<semaphore_mem>>) src(%dma_wait3A_202 : memref<102400x8xf32, #tpu.memory_space<vmem_shared>>) dst(%dma_wait3A_196 : memref<256x8xf32, #tpu.memory_space<vmem>>)
      %dma_start3A_203 = arith.constant 5 : i32
      %dma_start3A_204 = arith.constant 1280 : i32
      %dma_start3A_205 = arith.constant 0 : i32
      %dma_start3A_206 = tpu.memref_slice %arg10[%dma_start3A_204, %dma_start3A_205] : memref<2048x8xf32, #tpu.memory_space<vmem>> -> memref<256x8xf32, #tpu.memory_space<vmem>>
      %dma_start3A_207 = arith.constant 0 : i32
      %dma_start3A_208 = tpu.memref_slice %arg9[%dma_start3A_203, %dma_start3A_207] : memref<8x256xi32, #tpu.memory_space<vmem>> -> memref<1x256xi32, #tpu.memory_space<vmem>>
      %dma_start3A_209 = tpu.memref_squeeze %dma_start3A_208 : memref<1x256xi32, #tpu.memory_space<vmem>> -> memref<256xi32, #tpu.memory_space<vmem>>
      %dma_start3A_210 = arith.constant 0 : i32
      %dma_start3A_211 = arith.constant 0 : i32
      %dma_start3A_212 = tpu.memref_slice %arg7[%dma_start3A_210, %dma_start3A_211] : memref<102400x8xf32, #tpu.memory_space<vmem_shared>> -> memref<102400x8xf32, #tpu.memory_space<vmem_shared>>
      tpu.enqueue_indirect_dma source(%dma_start3A_206 : memref<256x8xf32, #tpu.memory_space<vmem>>) target(%dma_start3A_212 : memref<102400x8xf32, #tpu.memory_space<vmem_shared>>) offsets(%dma_start3A_209 : memref<256xi32, #tpu.memory_space<vmem>>) semaphore(%arg12 : memref<!tpu.dma_semaphore, #tpu.memory_space<semaphore_mem>>) {add = true}
      %dma_wait3A_213 = arith.constant 6 : i32
      %dma_wait3A_214 = arith.constant 1536 : i32
      %dma_wait3A_215 = arith.constant 0 : i32
      %dma_wait3A_216 = tpu.memref_slice %arg10[%dma_wait3A_214, %dma_wait3A_215] : memref<2048x8xf32, #tpu.memory_space<vmem>> -> memref<256x8xf32, #tpu.memory_space<vmem>>
      %dma_wait3A_217 = arith.constant 0 : i32
      %dma_wait3A_218 = tpu.memref_slice %arg8[%dma_wait3A_213, %dma_wait3A_217] : memref<8x256xi32, #tpu.memory_space<vmem>> -> memref<1x256xi32, #tpu.memory_space<vmem>>
      %dma_wait3A_219 = tpu.memref_squeeze %dma_wait3A_218 : memref<1x256xi32, #tpu.memory_space<vmem>> -> memref<256xi32, #tpu.memory_space<vmem>>
      %dma_wait3A_220 = arith.constant 0 : i32
      %dma_wait3A_221 = arith.constant 0 : i32
      %dma_wait3A_222 = tpu.memref_slice %arg6[%dma_wait3A_220, %dma_wait3A_221] : memref<102400x8xf32, #tpu.memory_space<vmem_shared>> -> memref<102400x8xf32, #tpu.memory_space<vmem_shared>>
      tpu.wait_indirect_dma semaphore(%arg11 : memref<!tpu.dma_semaphore, #tpu.memory_space<semaphore_mem>>) src(%dma_wait3A_222 : memref<102400x8xf32, #tpu.memory_space<vmem_shared>>) dst(%dma_wait3A_216 : memref<256x8xf32, #tpu.memory_space<vmem>>)
      %dma_start3A_223 = arith.constant 6 : i32
      %dma_start3A_224 = arith.constant 1536 : i32
      %dma_start3A_225 = arith.constant 0 : i32
      %dma_start3A_226 = tpu.memref_slice %arg10[%dma_start3A_224, %dma_start3A_225] : memref<2048x8xf32, #tpu.memory_space<vmem>> -> memref<256x8xf32, #tpu.memory_space<vmem>>
      %dma_start3A_227 = arith.constant 0 : i32
      %dma_start3A_228 = tpu.memref_slice %arg9[%dma_start3A_223, %dma_start3A_227] : memref<8x256xi32, #tpu.memory_space<vmem>> -> memref<1x256xi32, #tpu.memory_space<vmem>>
      %dma_start3A_229 = tpu.memref_squeeze %dma_start3A_228 : memref<1x256xi32, #tpu.memory_space<vmem>> -> memref<256xi32, #tpu.memory_space<vmem>>
      %dma_start3A_230 = arith.constant 0 : i32
      %dma_start3A_231 = arith.constant 0 : i32
      %dma_start3A_232 = tpu.memref_slice %arg7[%dma_start3A_230, %dma_start3A_231] : memref<102400x8xf32, #tpu.memory_space<vmem_shared>> -> memref<102400x8xf32, #tpu.memory_space<vmem_shared>>
      tpu.enqueue_indirect_dma source(%dma_start3A_226 : memref<256x8xf32, #tpu.memory_space<vmem>>) target(%dma_start3A_232 : memref<102400x8xf32, #tpu.memory_space<vmem_shared>>) offsets(%dma_start3A_229 : memref<256xi32, #tpu.memory_space<vmem>>) semaphore(%arg12 : memref<!tpu.dma_semaphore, #tpu.memory_space<semaphore_mem>>) {add = true}
      %dma_wait3A_233 = arith.constant 7 : i32
      %dma_wait3A_234 = arith.constant 1792 : i32
      %dma_wait3A_235 = arith.constant 0 : i32
      %dma_wait3A_236 = tpu.memref_slice %arg10[%dma_wait3A_234, %dma_wait3A_235] : memref<2048x8xf32, #tpu.memory_space<vmem>> -> memref<256x8xf32, #tpu.memory_space<vmem>>
      %dma_wait3A_237 = arith.constant 0 : i32
      %dma_wait3A_238 = tpu.memref_slice %arg8[%dma_wait3A_233, %dma_wait3A_237] : memref<8x256xi32, #tpu.memory_space<vmem>> -> memref<1x256xi32, #tpu.memory_space<vmem>>
      %dma_wait3A_239 = tpu.memref_squeeze %dma_wait3A_238 : memref<1x256xi32, #tpu.memory_space<vmem>> -> memref<256xi32, #tpu.memory_space<vmem>>
      %dma_wait3A_240 = arith.constant 0 : i32
      %dma_wait3A_241 = arith.constant 0 : i32
      %dma_wait3A_242 = tpu.memref_slice %arg6[%dma_wait3A_240, %dma_wait3A_241] : memref<102400x8xf32, #tpu.memory_space<vmem_shared>> -> memref<102400x8xf32, #tpu.memory_space<vmem_shared>>
      tpu.wait_indirect_dma semaphore(%arg11 : memref<!tpu.dma_semaphore, #tpu.memory_space<semaphore_mem>>) src(%dma_wait3A_242 : memref<102400x8xf32, #tpu.memory_space<vmem_shared>>) dst(%dma_wait3A_236 : memref<256x8xf32, #tpu.memory_space<vmem>>)
      %dma_start3A_243 = arith.constant 7 : i32
      %dma_start3A_244 = arith.constant 1792 : i32
      %dma_start3A_245 = arith.constant 0 : i32
      %dma_start3A_246 = tpu.memref_slice %arg10[%dma_start3A_244, %dma_start3A_245] : memref<2048x8xf32, #tpu.memory_space<vmem>> -> memref<256x8xf32, #tpu.memory_space<vmem>>
      %dma_start3A_247 = arith.constant 0 : i32
      %dma_start3A_248 = tpu.memref_slice %arg9[%dma_start3A_243, %dma_start3A_247] : memref<8x256xi32, #tpu.memory_space<vmem>> -> memref<1x256xi32, #tpu.memory_space<vmem>>
      %dma_start3A_249 = tpu.memref_squeeze %dma_start3A_248 : memref<1x256xi32, #tpu.memory_space<vmem>> -> memref<256xi32, #tpu.memory_space<vmem>>
      %dma_start3A_250 = arith.constant 0 : i32
      %dma_start3A_251 = arith.constant 0 : i32
      %dma_start3A_252 = tpu.memref_slice %arg7[%dma_start3A_250, %dma_start3A_251] : memref<102400x8xf32, #tpu.memory_space<vmem_shared>> -> memref<102400x8xf32, #tpu.memory_space<vmem_shared>>
      tpu.enqueue_indirect_dma source(%dma_start3A_246 : memref<256x8xf32, #tpu.memory_space<vmem>>) target(%dma_start3A_252 : memref<102400x8xf32, #tpu.memory_space<vmem_shared>>) offsets(%dma_start3A_249 : memref<256xi32, #tpu.memory_space<vmem>>) semaphore(%arg12 : memref<!tpu.dma_semaphore, #tpu.memory_space<semaphore_mem>>) {add = true}
      %dma_wait3A_253 = arith.constant 0 : i32
      %dma_wait3A_254 = arith.constant 0 : i32
      %dma_wait3A_255 = arith.constant 0 : i32
      %dma_wait3A_256 = tpu.memref_slice %arg10[%dma_wait3A_254, %dma_wait3A_255] : memref<2048x8xf32, #tpu.memory_space<vmem>> -> memref<256x8xf32, #tpu.memory_space<vmem>>
      %dma_wait3A_257 = arith.constant 0 : i32
      %dma_wait3A_258 = tpu.memref_slice %arg9[%dma_wait3A_253, %dma_wait3A_257] : memref<8x256xi32, #tpu.memory_space<vmem>> -> memref<1x256xi32, #tpu.memory_space<vmem>>
      %dma_wait3A_259 = tpu.memref_squeeze %dma_wait3A_258 : memref<1x256xi32, #tpu.memory_space<vmem>> -> memref<256xi32, #tpu.memory_space<vmem>>
      %dma_wait3A_260 = arith.constant 0 : i32
      %dma_wait3A_261 = arith.constant 0 : i32
      %dma_wait3A_262 = tpu.memref_slice %arg7[%dma_wait3A_260, %dma_wait3A_261] : memref<102400x8xf32, #tpu.memory_space<vmem_shared>> -> memref<102400x8xf32, #tpu.memory_space<vmem_shared>>
      tpu.wait_indirect_dma semaphore(%arg12 : memref<!tpu.dma_semaphore, #tpu.memory_space<semaphore_mem>>) src(%dma_wait3A_256 : memref<256x8xf32, #tpu.memory_space<vmem>>) dst(%dma_wait3A_262 : memref<102400x8xf32, #tpu.memory_space<vmem_shared>>)
      %dma_wait3A_263 = arith.constant 1 : i32
      %dma_wait3A_264 = arith.constant 256 : i32
      %dma_wait3A_265 = arith.constant 0 : i32
      %dma_wait3A_266 = tpu.memref_slice %arg10[%dma_wait3A_264, %dma_wait3A_265] : memref<2048x8xf32, #tpu.memory_space<vmem>> -> memref<256x8xf32, #tpu.memory_space<vmem>>
      %dma_wait3A_267 = arith.constant 0 : i32
      %dma_wait3A_268 = tpu.memref_slice %arg9[%dma_wait3A_263, %dma_wait3A_267] : memref<8x256xi32, #tpu.memory_space<vmem>> -> memref<1x256xi32, #tpu.memory_space<vmem>>
      %dma_wait3A_269 = tpu.memref_squeeze %dma_wait3A_268 : memref<1x256xi32, #tpu.memory_space<vmem>> -> memref<256xi32, #tpu.memory_space<vmem>>
      %dma_wait3A_270 = arith.constant 0 : i32
      %dma_wait3A_271 = arith.constant 0 : i32
      %dma_wait3A_272 = tpu.memref_slice %arg7[%dma_wait3A_270, %dma_wait3A_271] : memref<102400x8xf32, #tpu.memory_space<vmem_shared>> -> memref<102400x8xf32, #tpu.memory_space<vmem_shared>>
      tpu.wait_indirect_dma semaphore(%arg12 : memref<!tpu.dma_semaphore, #tpu.memory_space<semaphore_mem>>) src(%dma_wait3A_266 : memref<256x8xf32, #tpu.memory_space<vmem>>) dst(%dma_wait3A_272 : memref<102400x8xf32, #tpu.memory_space<vmem_shared>>)
      %dma_wait3A_273 = arith.constant 2 : i32
      %dma_wait3A_274 = arith.constant 512 : i32
      %dma_wait3A_275 = arith.constant 0 : i32
      %dma_wait3A_276 = tpu.memref_slice %arg10[%dma_wait3A_274, %dma_wait3A_275] : memref<2048x8xf32, #tpu.memory_space<vmem>> -> memref<256x8xf32, #tpu.memory_space<vmem>>
      %dma_wait3A_277 = arith.constant 0 : i32
      %dma_wait3A_278 = tpu.memref_slice %arg9[%dma_wait3A_273, %dma_wait3A_277] : memref<8x256xi32, #tpu.memory_space<vmem>> -> memref<1x256xi32, #tpu.memory_space<vmem>>
      %dma_wait3A_279 = tpu.memref_squeeze %dma_wait3A_278 : memref<1x256xi32, #tpu.memory_space<vmem>> -> memref<256xi32, #tpu.memory_space<vmem>>
      %dma_wait3A_280 = arith.constant 0 : i32
      %dma_wait3A_281 = arith.constant 0 : i32
      %dma_wait3A_282 = tpu.memref_slice %arg7[%dma_wait3A_280, %dma_wait3A_281] : memref<102400x8xf32, #tpu.memory_space<vmem_shared>> -> memref<102400x8xf32, #tpu.memory_space<vmem_shared>>
      tpu.wait_indirect_dma semaphore(%arg12 : memref<!tpu.dma_semaphore, #tpu.memory_space<semaphore_mem>>) src(%dma_wait3A_276 : memref<256x8xf32, #tpu.memory_space<vmem>>) dst(%dma_wait3A_282 : memref<102400x8xf32, #tpu.memory_space<vmem_shared>>)
      %dma_wait3A_283 = arith.constant 3 : i32
      %dma_wait3A_284 = arith.constant 768 : i32
      %dma_wait3A_285 = arith.constant 0 : i32
      %dma_wait3A_286 = tpu.memref_slice %arg10[%dma_wait3A_284, %dma_wait3A_285] : memref<2048x8xf32, #tpu.memory_space<vmem>> -> memref<256x8xf32, #tpu.memory_space<vmem>>
      %dma_wait3A_287 = arith.constant 0 : i32
      %dma_wait3A_288 = tpu.memref_slice %arg9[%dma_wait3A_283, %dma_wait3A_287] : memref<8x256xi32, #tpu.memory_space<vmem>> -> memref<1x256xi32, #tpu.memory_space<vmem>>
      %dma_wait3A_289 = tpu.memref_squeeze %dma_wait3A_288 : memref<1x256xi32, #tpu.memory_space<vmem>> -> memref<256xi32, #tpu.memory_space<vmem>>
      %dma_wait3A_290 = arith.constant 0 : i32
      %dma_wait3A_291 = arith.constant 0 : i32
      %dma_wait3A_292 = tpu.memref_slice %arg7[%dma_wait3A_290, %dma_wait3A_291] : memref<102400x8xf32, #tpu.memory_space<vmem_shared>> -> memref<102400x8xf32, #tpu.memory_space<vmem_shared>>
      tpu.wait_indirect_dma semaphore(%arg12 : memref<!tpu.dma_semaphore, #tpu.memory_space<semaphore_mem>>) src(%dma_wait3A_286 : memref<256x8xf32, #tpu.memory_space<vmem>>) dst(%dma_wait3A_292 : memref<102400x8xf32, #tpu.memory_space<vmem_shared>>)
      %dma_wait3A_293 = arith.constant 4 : i32
      %dma_wait3A_294 = arith.constant 1024 : i32
      %dma_wait3A_295 = arith.constant 0 : i32
      %dma_wait3A_296 = tpu.memref_slice %arg10[%dma_wait3A_294, %dma_wait3A_295] : memref<2048x8xf32, #tpu.memory_space<vmem>> -> memref<256x8xf32, #tpu.memory_space<vmem>>
      %dma_wait3A_297 = arith.constant 0 : i32
      %dma_wait3A_298 = tpu.memref_slice %arg9[%dma_wait3A_293, %dma_wait3A_297] : memref<8x256xi32, #tpu.memory_space<vmem>> -> memref<1x256xi32, #tpu.memory_space<vmem>>
      %dma_wait3A_299 = tpu.memref_squeeze %dma_wait3A_298 : memref<1x256xi32, #tpu.memory_space<vmem>> -> memref<256xi32, #tpu.memory_space<vmem>>
      %dma_wait3A_300 = arith.constant 0 : i32
      %dma_wait3A_301 = arith.constant 0 : i32
      %dma_wait3A_302 = tpu.memref_slice %arg7[%dma_wait3A_300, %dma_wait3A_301] : memref<102400x8xf32, #tpu.memory_space<vmem_shared>> -> memref<102400x8xf32, #tpu.memory_space<vmem_shared>>
      tpu.wait_indirect_dma semaphore(%arg12 : memref<!tpu.dma_semaphore, #tpu.memory_space<semaphore_mem>>) src(%dma_wait3A_296 : memref<256x8xf32, #tpu.memory_space<vmem>>) dst(%dma_wait3A_302 : memref<102400x8xf32, #tpu.memory_space<vmem_shared>>)
      %dma_wait3A_303 = arith.constant 5 : i32
      %dma_wait3A_304 = arith.constant 1280 : i32
      %dma_wait3A_305 = arith.constant 0 : i32
      %dma_wait3A_306 = tpu.memref_slice %arg10[%dma_wait3A_304, %dma_wait3A_305] : memref<2048x8xf32, #tpu.memory_space<vmem>> -> memref<256x8xf32, #tpu.memory_space<vmem>>
      %dma_wait3A_307 = arith.constant 0 : i32
      %dma_wait3A_308 = tpu.memref_slice %arg9[%dma_wait3A_303, %dma_wait3A_307] : memref<8x256xi32, #tpu.memory_space<vmem>> -> memref<1x256xi32, #tpu.memory_space<vmem>>
      %dma_wait3A_309 = tpu.memref_squeeze %dma_wait3A_308 : memref<1x256xi32, #tpu.memory_space<vmem>> -> memref<256xi32, #tpu.memory_space<vmem>>
      %dma_wait3A_310 = arith.constant 0 : i32
      %dma_wait3A_311 = arith.constant 0 : i32
      %dma_wait3A_312 = tpu.memref_slice %arg7[%dma_wait3A_310, %dma_wait3A_311] : memref<102400x8xf32, #tpu.memory_space<vmem_shared>> -> memref<102400x8xf32, #tpu.memory_space<vmem_shared>>
      tpu.wait_indirect_dma semaphore(%arg12 : memref<!tpu.dma_semaphore, #tpu.memory_space<semaphore_mem>>) src(%dma_wait3A_306 : memref<256x8xf32, #tpu.memory_space<vmem>>) dst(%dma_wait3A_312 : memref<102400x8xf32, #tpu.memory_space<vmem_shared>>)
      %dma_wait3A_313 = arith.constant 6 : i32
      %dma_wait3A_314 = arith.constant 1536 : i32
      %dma_wait3A_315 = arith.constant 0 : i32
      %dma_wait3A_316 = tpu.memref_slice %arg10[%dma_wait3A_314, %dma_wait3A_315] : memref<2048x8xf32, #tpu.memory_space<vmem>> -> memref<256x8xf32, #tpu.memory_space<vmem>>
      %dma_wait3A_317 = arith.constant 0 : i32
      %dma_wait3A_318 = tpu.memref_slice %arg9[%dma_wait3A_313, %dma_wait3A_317] : memref<8x256xi32, #tpu.memory_space<vmem>> -> memref<1x256xi32, #tpu.memory_space<vmem>>
      %dma_wait3A_319 = tpu.memref_squeeze %dma_wait3A_318 : memref<1x256xi32, #tpu.memory_space<vmem>> -> memref<256xi32, #tpu.memory_space<vmem>>
      %dma_wait3A_320 = arith.constant 0 : i32
      %dma_wait3A_321 = arith.constant 0 : i32
      %dma_wait3A_322 = tpu.memref_slice %arg7[%dma_wait3A_320, %dma_wait3A_321] : memref<102400x8xf32, #tpu.memory_space<vmem_shared>> -> memref<102400x8xf32, #tpu.memory_space<vmem_shared>>
      tpu.wait_indirect_dma semaphore(%arg12 : memref<!tpu.dma_semaphore, #tpu.memory_space<semaphore_mem>>) src(%dma_wait3A_316 : memref<256x8xf32, #tpu.memory_space<vmem>>) dst(%dma_wait3A_322 : memref<102400x8xf32, #tpu.memory_space<vmem_shared>>)
      %dma_wait3A_323 = arith.constant 7 : i32
      %dma_wait3A_324 = arith.constant 1792 : i32
      %dma_wait3A_325 = arith.constant 0 : i32
      %dma_wait3A_326 = tpu.memref_slice %arg10[%dma_wait3A_324, %dma_wait3A_325] : memref<2048x8xf32, #tpu.memory_space<vmem>> -> memref<256x8xf32, #tpu.memory_space<vmem>>
      %dma_wait3A_327 = arith.constant 0 : i32
      %dma_wait3A_328 = tpu.memref_slice %arg9[%dma_wait3A_323, %dma_wait3A_327] : memref<8x256xi32, #tpu.memory_space<vmem>> -> memref<1x256xi32, #tpu.memory_space<vmem>>
      %dma_wait3A_329 = tpu.memref_squeeze %dma_wait3A_328 : memref<1x256xi32, #tpu.memory_space<vmem>> -> memref<256xi32, #tpu.memory_space<vmem>>
      %dma_wait3A_330 = arith.constant 0 : i32
      %dma_wait3A_331 = arith.constant 0 : i32
      %dma_wait3A_332 = tpu.memref_slice %arg7[%dma_wait3A_330, %dma_wait3A_331] : memref<102400x8xf32, #tpu.memory_space<vmem_shared>> -> memref<102400x8xf32, #tpu.memory_space<vmem_shared>>
      tpu.wait_indirect_dma semaphore(%arg12 : memref<!tpu.dma_semaphore, #tpu.memory_space<semaphore_mem>>) src(%dma_wait3A_326 : memref<256x8xf32, #tpu.memory_space<vmem>>) dst(%dma_wait3A_332 : memref<102400x8xf32, #tpu.memory_space<vmem_shared>>)
    }
    %scan3A_9 = arith.constant 50 : i32
    %barrier3A_10 = arith.constant 0 : index
    tpu.barrier barrier_id(%barrier3A_10)
    "tpu.region"() ({
      %run_scoped3A = tpu.sem_alloc : memref<!tpu.dma_semaphore, #tpu.memory_space<semaphore_mem>>
      %dma_start3A = arith.constant 0 : i32
      %dma_start3A_11 = tpu.memref_slice %arg5[%arg0, %mul3A_0, %dma_start3A] : memref<2x102400x8xf32, #tpu.memory_space<hbm>> -> memref<1x6400x8xf32, #tpu.memory_space<hbm>>
      %dma_start3A_12 = tpu.memref_squeeze %dma_start3A_11 : memref<1x6400x8xf32, #tpu.memory_space<hbm>> -> memref<6400x8xf32, #tpu.memory_space<hbm>>
      %dma_start3A_13 = arith.constant 0 : i32
      %dma_start3A_14 = tpu.memref_slice %arg7[%mul3A_0, %dma_start3A_13] : memref<102400x8xf32, #tpu.memory_space<vmem_shared>> -> memref<6400x8xf32, #tpu.memory_space<vmem_shared>>
      tpu.enqueue_dma source(%dma_start3A_14 : memref<6400x8xf32, #tpu.memory_space<vmem_shared>>) target(%dma_start3A_12 : memref<6400x8xf32, #tpu.memory_space<hbm>>) target_semaphore(%run_scoped3A : memref<!tpu.dma_semaphore, #tpu.memory_space<semaphore_mem>>)
      %dma_wait3A = arith.constant 0 : i32
      %dma_wait3A_15 = tpu.memref_slice %arg5[%arg0, %mul3A_0, %dma_wait3A] : memref<2x102400x8xf32, #tpu.memory_space<hbm>> -> memref<1x6400x8xf32, #tpu.memory_space<hbm>>
      %dma_wait3A_16 = tpu.memref_squeeze %dma_wait3A_15 : memref<1x6400x8xf32, #tpu.memory_space<hbm>> -> memref<6400x8xf32, #tpu.memory_space<hbm>>
      %dma_wait3A_17 = arith.constant 0 : i32
      %dma_wait3A_18 = tpu.memref_slice %arg7[%mul3A_0, %dma_wait3A_17] : memref<102400x8xf32, #tpu.memory_space<vmem_shared>> -> memref<6400x8xf32, #tpu.memory_space<vmem_shared>>
      tpu.wait_dma2 semaphore(%run_scoped3A : memref<!tpu.dma_semaphore, #tpu.memory_space<semaphore_mem>>) src(%dma_wait3A_18 : memref<6400x8xf32, #tpu.memory_space<vmem_shared>>) dst(%dma_wait3A_16 : memref<6400x8xf32, #tpu.memory_space<hbm>>)
      tpu.yield
    }) : () -> ()
    return
  }
}

module attributes {stable_mosaic.version = 14 : i64} {
  func.func @_tc1_body(%arg0: i32, %arg1: memref<2048x2xf32, #tpu.memory_space<vmem>>, %arg2: memref<2048x7xf32, #tpu.memory_space<vmem>>, %arg3: memref<7x16xf32, #tpu.memory_space<vmem>>, %arg4: memref<2x2048x8xf32, #tpu.memory_space<vmem>>) attributes {dimension_semantics = [#tpu.dimension_semantics<arbitrary>], iteration_bounds = array<i64: 50>, scalar_prefetch = 0 : i64, scratch_operands = 0 : i64, tpu.core_type = #tpu.core_type<tc>, window_params = [{transform_indices = @transform_0, window_bounds = array<i64: 2048, 2>}, {transform_indices = @transform_1, window_bounds = array<i64: 2048, 7>}, {pipeline_mode = #tpu.pipeline_mode<synchronous>, transform_indices = @transform_2, window_bounds = array<i64: 7, 16>}, {transform_indices = @transform_3, window_bounds = array<i64: 2, 2048, 8>}]} {
    %get3A = arith.constant 0 : index
    %get3A_0 = arith.constant 0 : index
    %get3A_1 = vector.load %arg1[%get3A, %get3A_0] : memref<2048x2xf32, #tpu.memory_space<vmem>>, vector<2048x1xf32>
    %get3A_2 = arith.constant 0 : index
    %get3A_3 = arith.constant 1 : index
    %get3A_4 = vector.load %arg1[%get3A_2, %get3A_3] : memref<2048x2xf32, #tpu.memory_space<vmem>>, vector<2048x1xf32>
    %add3A = arith.addf %get3A_1, %get3A_4 : vector<2048x1xf32>
    %add3A_5 = arith.constant 1.000000e+00 : f32
    %add3A_6 = vector.broadcast %add3A_5 : f32 to vector<2048x1xf32>
    %add3A_7 = arith.addf %add3A, %add3A_6 : vector<2048x1xf32>
    %rsqrt3A = math.rsqrt %add3A_7 : vector<2048x1xf32>
    %get3A_8 = arith.constant 0 : index
    %get3A_9 = arith.constant 0 : index
    %get3A_10 = vector.load %arg2[%get3A_8, %get3A_9] : memref<2048x7xf32, #tpu.memory_space<vmem>>, vector<2048x7xf32>
    %get3A_11 = arith.constant 0 : index
    %get3A_12 = arith.constant 0 : index
    %get3A_13 = vector.load %arg3[%get3A_11, %get3A_12] : memref<7x16xf32, #tpu.memory_space<vmem>>, vector<7x16xf32>
    %dot_general3A = arith.constant dense<0.000000e+00> : vector<2048x16xf32>
    %dot_general3A_14 = tpu.matmul %get3A_10, %get3A_13, %dot_general3A {dimension_numbers = #tpu.dot_dimension_numbers<[1], [0], [0], [1], [0, 0, 1, 1], [], []>, transpose_lhs_hint = false} : vector<2048x7xf32>, vector<7x16xf32>, vector<2048x16xf32> -> vector<2048x16xf32>
    %mul3A = vector.broadcast %rsqrt3A : vector<2048x1xf32> to vector<2048x16xf32>
    %mul3A_15 = arith.mulf %dot_general3A_14, %mul3A : vector<2048x16xf32>
    %slice3A = vector.extract_strided_slice %mul3A_15 {offsets = [0, 0], sizes = [2048, 8], strides = [1, 1]} : vector<2048x16xf32> to vector<2048x8xf32>
    %swap3A = arith.constant 0 : index
    %swap3A_16 = arith.constant 0 : index
    %swap3A_17 = arith.constant 0 : index
    %swap3A_18 = vector.load %arg4[%swap3A, %swap3A_16, %swap3A_17] : memref<2x2048x8xf32, #tpu.memory_space<vmem>>, vector<1x2048x8xf32>
    %swap3A_19 = vector.shape_cast %swap3A_18 : vector<1x2048x8xf32> to vector<2048x8xf32>
    %swap3A_20 = vector.shape_cast %slice3A : vector<2048x8xf32> to vector<1x2048x8xf32>
    tpu.vector_store %arg4[%swap3A, %swap3A_16, %swap3A_17], %swap3A_20 {strides = array<i32>} : memref<2x2048x8xf32, #tpu.memory_space<vmem>>, vector<1x2048x8xf32>,
    %slice3A_21 = vector.extract_strided_slice %mul3A_15 {offsets = [0, 8], sizes = [2048, 8], strides = [1, 1]} : vector<2048x16xf32> to vector<2048x8xf32>
    %swap3A_22 = arith.constant 1 : index
    %swap3A_23 = arith.constant 0 : index
    %swap3A_24 = arith.constant 0 : index
    %swap3A_25 = vector.load %arg4[%swap3A_22, %swap3A_23, %swap3A_24] : memref<2x2048x8xf32, #tpu.memory_space<vmem>>, vector<1x2048x8xf32>
    %swap3A_26 = vector.shape_cast %swap3A_25 : vector<1x2048x8xf32> to vector<2048x8xf32>
    %swap3A_27 = vector.shape_cast %slice3A_21 : vector<2048x8xf32> to vector<1x2048x8xf32>
    tpu.vector_store %arg4[%swap3A_22, %swap3A_23, %swap3A_24], %swap3A_27 {strides = array<i32>} : memref<2x2048x8xf32, #tpu.memory_space<vmem>>, vector<1x2048x8xf32>,
    return
  }
  func.func @transform_0(%arg0: i32) -> (i32, i32) {
    %c0_i32 = arith.constant 0 : i32
    %c0_i32_0 = arith.constant 0 : i32
    return %arg0, %c0_i32 : i32, i32
  }
  func.func @transform_1(%arg0: i32) -> (i32, i32) {
    %c0_i32 = arith.constant 0 : i32
    %c0_i32_0 = arith.constant 0 : i32
    return %arg0, %c0_i32 : i32, i32
  }
  func.func @transform_2(%arg0: i32) -> (i32, i32) {
    %c0_i32 = arith.constant 0 : i32
    %c0_i32_0 = arith.constant 0 : i32
    %c0_i32_1 = arith.constant 0 : i32
    return %c0_i32, %c0_i32_0 : i32, i32
  }
  func.func @transform_3(%arg0: i32) -> (i32, i32, i32) {
    %c0_i32 = arith.constant 0 : i32
    %c0_i32_0 = arith.constant 0 : i32
    %c0_i32_1 = arith.constant 0 : i32
    return %c0_i32, %arg0, %c0_i32_0 : i32, i32, i32
  }
}

module attributes {stable_mosaic.version = 14 : i64} {
  func.func @_tc2_body(%arg0: i32, %arg1: memref<2x2048x8xf32, #tpu.memory_space<vmem>>, %arg2: memref<2048x2xf32, #tpu.memory_space<vmem>>, %arg3: memref<1x16xf32, #tpu.memory_space<vmem>>, %arg4: memref<16x8xf32, #tpu.memory_space<vmem>>, %arg5: memref<2048x8xf32, #tpu.memory_space<vmem>>) attributes {dimension_semantics = [#tpu.dimension_semantics<arbitrary>], iteration_bounds = array<i64: 50>, scalar_prefetch = 0 : i64, scratch_operands = 0 : i64, tpu.core_type = #tpu.core_type<tc>, window_params = [{transform_indices = @transform_0, window_bounds = array<i64: 2, 2048, 8>}, {transform_indices = @transform_1, window_bounds = array<i64: 2048, 2>}, {pipeline_mode = #tpu.pipeline_mode<synchronous>, transform_indices = @transform_2, window_bounds = array<i64: 1, 16>}, {pipeline_mode = #tpu.pipeline_mode<synchronous>, transform_indices = @transform_3, window_bounds = array<i64: 16, 8>}, {transform_indices = @transform_4, window_bounds = array<i64: 2048, 8>}]} {
    %get3A = arith.constant 0 : index
    %get3A_0 = arith.constant 0 : index
    %get3A_1 = vector.load %arg2[%get3A, %get3A_0] : memref<2048x2xf32, #tpu.memory_space<vmem>>, vector<2048x1xf32>
    %get3A_2 = arith.constant 0 : index
    %get3A_3 = arith.constant 1 : index
    %get3A_4 = vector.load %arg2[%get3A_2, %get3A_3] : memref<2048x2xf32, #tpu.memory_space<vmem>>, vector<2048x1xf32>
    %add3A = arith.addf %get3A_1, %get3A_4 : vector<2048x1xf32>
    %add3A_5 = arith.constant 1.000000e+00 : f32
    %add3A_6 = vector.broadcast %add3A_5 : f32 to vector<2048x1xf32>
    %add3A_7 = arith.addf %add3A, %add3A_6 : vector<2048x1xf32>
    %rsqrt3A = math.rsqrt %add3A_7 : vector<2048x1xf32>
    %get3A_8 = arith.constant 0 : index
    %get3A_9 = arith.constant 0 : index
    %get3A_10 = arith.constant 0 : index
    %get3A_11 = vector.load %arg1[%get3A_8, %get3A_9, %get3A_10] : memref<2x2048x8xf32, #tpu.memory_space<vmem>>, vector<1x2048x8xf32>
    %get3A_12 = vector.shape_cast %get3A_11 : vector<1x2048x8xf32> to vector<2048x8xf32>
    %get3A_13 = arith.constant 1 : index
    %get3A_14 = arith.constant 0 : index
    %get3A_15 = arith.constant 0 : index
    %get3A_16 = vector.load %arg1[%get3A_13, %get3A_14, %get3A_15] : memref<2x2048x8xf32, #tpu.memory_space<vmem>>, vector<1x2048x8xf32>
    %get3A_17 = vector.shape_cast %get3A_16 : vector<1x2048x8xf32> to vector<2048x8xf32>
    %concatenate3A = tpu.concatenate %get3A_12, %get3A_17 in 1 : vector<2048x8xf32>, vector<2048x8xf32> -> vector<2048x16xf32>
    %mul3A = vector.broadcast %rsqrt3A : vector<2048x1xf32> to vector<2048x16xf32>
    %mul3A_18 = arith.mulf %concatenate3A, %mul3A : vector<2048x16xf32>
    %get3A_19 = arith.constant 0 : index
    %get3A_20 = arith.constant 0 : index
    %get3A_21 = vector.load %arg3[%get3A_19, %get3A_20] : memref<1x16xf32, #tpu.memory_space<vmem>>, vector<1x16xf32>
    %add3A_22 = vector.broadcast %get3A_21 : vector<1x16xf32> to vector<2048x16xf32>
    %add3A_23 = arith.addf %mul3A_18, %add3A_22 : vector<2048x16xf32>
    %max3A = arith.constant 0.000000e+00 : f32
    %max3A_24 = vector.broadcast %max3A : f32 to vector<2048x16xf32>
    %max3A_25 = arith.maximumf %add3A_23, %max3A_24 : vector<2048x16xf32>
    %get3A_26 = arith.constant 0 : index
    %get3A_27 = arith.constant 0 : index
    %get3A_28 = vector.load %arg4[%get3A_26, %get3A_27] : memref<16x8xf32, #tpu.memory_space<vmem>>, vector<16x8xf32>
    %dot_general3A = arith.constant dense<0.000000e+00> : vector<2048x8xf32>
    %dot_general3A_29 = tpu.matmul %max3A_25, %get3A_28, %dot_general3A {dimension_numbers = #tpu.dot_dimension_numbers<[1], [0], [0], [1], [0, 0, 1, 1], [], []>, transpose_lhs_hint = false} : vector<2048x16xf32>, vector<16x8xf32>, vector<2048x8xf32> -> vector<2048x8xf32>
    %mul3A_30 = vector.broadcast %rsqrt3A : vector<2048x1xf32> to vector<2048x8xf32>
    %mul3A_31 = arith.mulf %dot_general3A_29, %mul3A_30 : vector<2048x8xf32>
    %swap3A = arith.constant 0 : index
    %swap3A_32 = arith.constant 0 : index
    %swap3A_33 = vector.load %arg5[%swap3A, %swap3A_32] : memref<2048x8xf32, #tpu.memory_space<vmem>>, vector<2048x8xf32>
    tpu.vector_store %arg5[%swap3A, %swap3A_32], %mul3A_31 {strides = array<i32>} : memref<2048x8xf32, #tpu.memory_space<vmem>>, vector<2048x8xf32>,
    return
  }
  func.func @transform_0(%arg0: i32) -> (i32, i32, i32) {
    %c0_i32 = arith.constant 0 : i32
    %c0_i32_0 = arith.constant 0 : i32
    %c0_i32_1 = arith.constant 0 : i32
    return %c0_i32, %arg0, %c0_i32_0 : i32, i32, i32
  }
  func.func @transform_1(%arg0: i32) -> (i32, i32) {
    %c0_i32 = arith.constant 0 : i32
    %c0_i32_0 = arith.constant 0 : i32
    return %arg0, %c0_i32 : i32, i32
  }
  func.func @transform_2(%arg0: i32) -> (i32, i32) {
    %c0_i32 = arith.constant 0 : i32
    %c0_i32_0 = arith.constant 0 : i32
    %c0_i32_1 = arith.constant 0 : i32
    return %c0_i32, %c0_i32_0 : i32, i32
  }
  func.func @transform_3(%arg0: i32) -> (i32, i32) {
    %c0_i32 = arith.constant 0 : i32
    %c0_i32_0 = arith.constant 0 : i32
    %c0_i32_1 = arith.constant 0 : i32
    return %c0_i32, %c0_i32_0 : i32, i32
  }
  func.func @transform_4(%arg0: i32) -> (i32, i32) {
    %c0_i32 = arith.constant 0 : i32
    %c0_i32_0 = arith.constant 0 : i32
    return %arg0, %c0_i32 : i32, i32
  }
}

module attributes {stable_mosaic.version = 14 : i64} {
  func.func @_tc3_body(%arg0: i32, %arg1: memref<2x2000x8xf32, #tpu.memory_space<vmem>>, %arg2: memref<2000x8xf32, #tpu.memory_space<vmem>>, %arg3: memref<2000x2xf32, #tpu.memory_space<vmem>>, %arg4: memref<1x8xf32, #tpu.memory_space<vmem>>, %arg5: memref<2000x5xf32, #tpu.memory_space<vmem>>) attributes {dimension_semantics = [#tpu.dimension_semantics<arbitrary>], iteration_bounds = array<i64: 50>, scalar_prefetch = 0 : i64, scratch_operands = 0 : i64, tpu.core_type = #tpu.core_type<tc>, window_params = [{transform_indices = @transform_0, window_bounds = array<i64: 2, 2000, 8>}, {transform_indices = @transform_1, window_bounds = array<i64: 2000, 8>}, {transform_indices = @transform_2, window_bounds = array<i64: 2000, 2>}, {pipeline_mode = #tpu.pipeline_mode<synchronous>, transform_indices = @transform_3, window_bounds = array<i64: 1, 8>}, {transform_indices = @transform_4, window_bounds = array<i64: 2000, 5>}]} {
    %get3A = arith.constant 0 : index
    %get3A_0 = arith.constant 0 : index
    %get3A_1 = vector.load %arg3[%get3A, %get3A_0] : memref<2000x2xf32, #tpu.memory_space<vmem>>, vector<2000x1xf32>
    %get3A_2 = arith.constant 0 : index
    %get3A_3 = arith.constant 1 : index
    %get3A_4 = vector.load %arg3[%get3A_2, %get3A_3] : memref<2000x2xf32, #tpu.memory_space<vmem>>, vector<2000x1xf32>
    %add3A = arith.addf %get3A_1, %get3A_4 : vector<2000x1xf32>
    %add3A_5 = arith.constant 1.000000e+00 : f32
    %add3A_6 = vector.broadcast %add3A_5 : f32 to vector<2000x1xf32>
    %add3A_7 = arith.addf %add3A, %add3A_6 : vector<2000x1xf32>
    %rsqrt3A = math.rsqrt %add3A_7 : vector<2000x1xf32>
    %get3A_8 = arith.constant 0 : index
    %get3A_9 = arith.constant 0 : index
    %get3A_10 = arith.constant 0 : index
    %get3A_11 = vector.load %arg1[%get3A_8, %get3A_9, %get3A_10] : memref<2x2000x8xf32, #tpu.memory_space<vmem>>, vector<1x2000x8xf32>
    %get3A_12 = vector.shape_cast %get3A_11 : vector<1x2000x8xf32> to vector<2000x8xf32>
    %get3A_13 = arith.constant 1 : index
    %get3A_14 = arith.constant 0 : index
    %get3A_15 = arith.constant 0 : index
    %get3A_16 = vector.load %arg1[%get3A_13, %get3A_14, %get3A_15] : memref<2x2000x8xf32, #tpu.memory_space<vmem>>, vector<1x2000x8xf32>
    %get3A_17 = vector.shape_cast %get3A_16 : vector<1x2000x8xf32> to vector<2000x8xf32>
    %add3A_18 = arith.addf %get3A_12, %get3A_17 : vector<2000x8xf32>
    %get3A_19 = arith.constant 0 : index
    %get3A_20 = arith.constant 0 : index
    %get3A_21 = vector.load %arg2[%get3A_19, %get3A_20] : memref<2000x8xf32, #tpu.memory_space<vmem>>, vector<2000x8xf32>
    %sub3A = arith.subf %add3A_18, %get3A_21 : vector<2000x8xf32>
    %mul3A = vector.broadcast %rsqrt3A : vector<2000x1xf32> to vector<2000x8xf32>
    %mul3A_22 = arith.mulf %sub3A, %mul3A : vector<2000x8xf32>
    %get3A_23 = arith.constant 0 : index
    %get3A_24 = arith.constant 0 : index
    %get3A_25 = vector.load %arg4[%get3A_23, %get3A_24] : memref<1x8xf32, #tpu.memory_space<vmem>>, vector<1x8xf32>
    %add3A_26 = vector.broadcast %get3A_25 : vector<1x8xf32> to vector<2000x8xf32>
    %add3A_27 = arith.addf %mul3A_22, %add3A_26 : vector<2000x8xf32>
    %slice3A = vector.extract_strided_slice %add3A_27 {offsets = [0, 0], sizes = [2000, 5], strides = [1, 1]} : vector<2000x8xf32> to vector<2000x5xf32>
    %reduce_max3A = arith.constant dense<0xFF800000> : vector<2000xf32>
    %reduce_max3A_28 = vector.multi_reduction <maximumf>, %slice3A, %reduce_max3A [1] : vector<2000x5xf32> to vector<2000xf32>
    %broadcast_in_dim3A = vector.shape_cast %reduce_max3A_28 : vector<2000xf32> to vector<2000x1xf32>
    %sub3A_29 = vector.broadcast %broadcast_in_dim3A : vector<2000x1xf32> to vector<2000x5xf32>
    %sub3A_30 = arith.subf %slice3A, %sub3A_29 : vector<2000x5xf32>
    %exp3A = math.exp %sub3A_30 : vector<2000x5xf32>
    %reduce_sum3A = arith.constant dense<0.000000e+00> : vector<2000xf32>
    %reduce_sum3A_31 = vector.multi_reduction <add>, %exp3A, %reduce_sum3A [1] : vector<2000x5xf32> to vector<2000xf32>
    %broadcast_in_dim3A_32 = vector.shape_cast %reduce_sum3A_31 : vector<2000xf32> to vector<2000x1xf32>
    %log3A = math.log %broadcast_in_dim3A_32 : vector<2000x1xf32>
    %add3A_33 = arith.addf %broadcast_in_dim3A, %log3A : vector<2000x1xf32>
    %sub3A_34 = vector.broadcast %add3A_33 : vector<2000x1xf32> to vector<2000x5xf32>
    %sub3A_35 = arith.subf %slice3A, %sub3A_34 : vector<2000x5xf32>
    %swap3A = arith.constant 0 : index
    %swap3A_36 = arith.constant 0 : index
    %swap3A_37 = vector.load %arg5[%swap3A, %swap3A_36] : memref<2000x5xf32, #tpu.memory_space<vmem>>, vector<2000x5xf32>
    tpu.vector_store %arg5[%swap3A, %swap3A_36], %sub3A_35 {strides = array<i32>} : memref<2000x5xf32, #tpu.memory_space<vmem>>, vector<2000x5xf32>,
    return
  }
  func.func @transform_0(%arg0: i32) -> (i32, i32, i32) {
    %c0_i32 = arith.constant 0 : i32
    %c0_i32_0 = arith.constant 0 : i32
    %c0_i32_1 = arith.constant 0 : i32
    return %c0_i32, %arg0, %c0_i32_0 : i32, i32, i32
  }
  func.func @transform_1(%arg0: i32) -> (i32, i32) {
    %c0_i32 = arith.constant 0 : i32
    %c0_i32_0 = arith.constant 0 : i32
    return %arg0, %c0_i32 : i32, i32
  }
  func.func @transform_2(%arg0: i32) -> (i32, i32) {
    %c0_i32 = arith.constant 0 : i32
    %c0_i32_0 = arith.constant 0 : i32
    return %arg0, %c0_i32 : i32, i32
  }
  func.func @transform_3(%arg0: i32) -> (i32, i32) {
    %c0_i32 = arith.constant 0 : i32
    %c0_i32_0 = arith.constant 0 : i32
    %c0_i32_1 = arith.constant 0 : i32
    return %c0_i32, %c0_i32_0 : i32, i32
  }
  func.func @transform_4(%arg0: i32) -> (i32, i32) {
    %c0_i32 = arith.constant 0 : i32
    %c0_i32_0 = arith.constant 0 : i32
    return %arg0, %c0_i32 : i32, i32
  }
}

</mosaic_0001>

<sc_bundles>
// kernel: kernel.11.cloned.1.call-start
scs
__scs_entry_jumppad:
0x0: {  	(pc) =	sbr.rel $0x88, $3  }
0x1: {  	(tag) =	ssettag $0x0;
	lr =	simm.s32 $0x1  }
0x2: {  	[smem:$0x3F9B] =	sst lr;
	_ =	strace $0xD0000000  }
0x3: {  	_ = 	snop  }
0x4: {  	_ = 	snop  }
0x5: {  	_ = 	snop  }
0x6: {  	_ = 	snop  }
0x7: {  	_ = 	snop  }
__scs_overlays_trampoline_lowered:
0x8: {  	[smem:$0x3FAA] =	sst s0  }
0x9: {  	[smem:$0x3FAB] =	sst s1  }
0xa: {  	[smem:$0x3FAC] =	sst s2  }
0xb: {  	[smem:$0x3FAD] =	sst s3  }
0xc: {  	[smem:$0x3FAE] =	sst s4  }
0xd: {  	[smem:$0x3FAF] =	sst s5  }
0xe: {  	[smem:$0x3FB0] =	sst s6  }
0xf: {  	[smem:$0x3FB1] =	sst s7  }
0x10: {  	[smem:$0x3FB2] =	sst s8  }
0x11: {  	[smem:$0x3FB3] =	sst s9;
	s0 =	simm.s32 @!p0 $0x0  }
0x12: {  	s1 =	sld [smem:$0x3F99];
	s0 =	simm.s32 @p0 $0x1  }
0x13: {  	[smem:$0x3FB4] =	sst s0;
	s0 =	simm.s32 @!p1 $0x0  }
0x14: {  	s2 =	sld [smem:$0x3F98];
	s0 =	simm.s32 @p1 $0x1  }
0x15: {  	[smem:$0x3FB5] =	sst s0;
	s0 =	simm.s32 @!p2 $0x0  }
0x16: {  	s3 =	sld [smem:$0x3FDB];
	s0 =	simm.s32 @p2 $0x1  }
0x17: {  	s4 =	simm.s32 $0x1BF5;
	[smem:$0x3FB7] =	sst s0  }
0x18: {  	s0 =	sld [smem:$0x3F9A];
	_ =	swait.ge [sflag:s4], $0x0  }
0x19: {  	s7 =	sld [smem:$0x3F9B]  }
0x1a: {  	s8 =	sadd.s32 $0xFFFFE003, lr  }
0x1b: {  	s9 =	sadd.s32 $0xFFFFFEF7, lr;
	s5 =	simm.s32 $0xFFFFFFFF;
	p2 =	slt.u32 s8, $0xFFFFF086  }
0x1c: {  	p1 =	slt.u32 s9, $0xF7A;
	s5 =	simm.s32 @!p2 $0x0  }
0x1d: {  	s5 =	simm.s32 @p1 $0x1;
	p0 =	seq.s32 s7, s2  }
0x1e: {  	s7 =	smul.u32 @!p0 $0xF7A, s2;
	p2 =	seq.s32 @!p0 s5, $0x0  }
0x1f: {  	s9 =	smul.u32 $0xF7A, s1;
	s8 =	simm.s32 @!p0 $0x1BF5;
	p2 =	por !p2, p0  }
0x20: {  	[sflag:s8] =	ssyncset.s32 @!p0 $0xFFFFF086;
	s6 =	sadd.s32 @!p0 s3, s7;
	s7 =	simm.s32 @!p0 $0x108  }
0x21: {  	s3 =	sadd.s32 s3, s9;
	s6 =	sadd.s32 @!p0 $0x88, s6;
	s7 =	simm.s32 @p2 $0x1082  }
0x22: {  	[simem:s7], [sflag:s8] =	dma.local @!p0 [hbm:s6], $0xF7A  }
0x23: {  	s9 =	sor.u32 $0xD0000000, s2;
	s6 =	simm.s32 $0x108;
	_ =	swait.ge @!p0 [sflag:s8], $0x0  }
0x24: {  	s3 =	sadd.s32 $0x88, s3;
	s6 =	simm.s32 @!p1 $0x1082;
	[sflag:s4] =	ssyncset.s32 $0xFFFFF086  }
0x25: {  	[simem:s6], [sflag:s4] =	dma.local [hbm:s3], $0xF7A  }
0x26: {  	[smem:$0x3F9B] =	sst s1;
	(tag) =	ssettag s2;
	_ =	strace s9  }
0x27: {  	s1 =	sld [smem:$0x3FAB]  }
0x28: {  	s2 =	sld [smem:$0x3FAC]  }
0x29: {  	s4 =	sld [smem:$0x3FAE]  }
0x2a: {  	p0 =	seq.s32 s5, $0x0;
	s5 =	sld [smem:$0x3FAF]  }
0x2b: {  	s6 =	sld [smem:$0x3FB0]  }
0x2c: {  	s7 =	sld [smem:$0x3FB1]  }
0x2d: {  	s3 =	simm.s32 $0x108;
	s8 =	sld [smem:$0x3FB2]  }
0x2e: {  	s3 =	simm.s32 @!p0 $0x1082;
	s9 =	sld [smem:$0x3FB3]  }
0x2f: {  	lr =	sadd.s32 s0, s3;
	s0 =	sld [smem:$0x3FAA]  }
0x30: {  	s3 =	sld [smem:$0x3FAD]  }
0x31: {  	[smem:$0x3FB6] =	sst s10  }
0x32: {  	s10 =	sld [smem:$0x3FB4];
	_ =	sdelay $0x3  }
0x33: {  	p0 =	seq.s32 s10, $0x1;
	s10 =	sld [smem:$0x3FB6];
	_ =	sdelay $0x3  }
0x34: {  	[smem:$0x3FB6] =	sst s10  }
0x35: {  	s10 =	sld [smem:$0x3FB5];
	_ =	sdelay $0x3  }
0x36: {  	p1 =	seq.s32 s10, $0x1;
	s10 =	sld [smem:$0x3FB6];
	_ =	sdelay $0x3  }
0x37: {  	[smem:$0x3FB6] =	sst s10  }
0x38: {  	s10 =	sld [smem:$0x3FB7]  }
0x39: {  	_ = 	snop;
	(pc) =	sbr.ind lr, $3  }
0x3a: {  	_ = 	snop  }
0x3b: {  	_ = 	snop  }
0x3c: {  	p2 =	seq.s32 s10, $0x1;
	s10 =	sld [smem:$0x3FB6]  }
0x3d: {  	_ =	shalt  }
0x3e: {  	_ =	shalt  }
0x3f: {  	_ =	shalt  }
0x40: {  	_ =	shalt  }
0x41: {  	_ =	shalt  }
0x42: {  	_ =	shalt  }
0x43: {  	_ =	shalt  }
0x44: {  	_ =	shalt  }
0x45: {  	_ =	shalt  }
0x46: {  	_ =	shalt  }
0x47: {  	_ =	shalt  }
0x48: {  	_ =	shalt  }
0x49: {  	_ =	shalt  }
0x4a: {  	_ =	shalt  }
0x4b: {  	_ =	shalt  }
0x4c: {  	_ =	shalt  }
0x4d: {  	_ =	shalt  }
0x4e: {  	_ =	shalt  }
0x4f: {  	_ =	shalt  }
0x50: {  	_ =	shalt  }
0x51: {  	_ =	shalt  }
0x52: {  	_ =	shalt  }
0x53: {  	_ =	shalt  }
0x54: {  	_ =	shalt  }
0x55: {  	_ =	shalt  }
0x56: {  	_ =	shalt  }
0x57: {  	_ =	shalt  }
0x58: {  	_ =	shalt  }
0x59: {  	_ =	shalt  }
0x5a: {  	_ =	shalt  }
0x5b: {  	_ =	shalt  }
0x5c: {  	_ =	shalt  }
0x5d: {  	_ =	shalt  }
0x5e: {  	_ =	shalt  }
0x5f: {  	_ =	shalt  }
0x60: {  	_ =	shalt  }
0x61: {  	_ =	shalt  }
0x62: {  	_ =	shalt  }
0x63: {  	_ =	shalt  }
0x64: {  	_ =	shalt  }
0x65: {  	_ =	shalt  }
0x66: {  	_ =	shalt  }
0x67: {  	_ =	shalt  }
0x68: {  	_ =	shalt  }
0x69: {  	_ =	shalt  }
0x6a: {  	_ =	shalt  }
0x6b: {  	_ =	shalt  }
0x6c: {  	_ =	shalt  }
0x6d: {  	_ =	shalt  }
0x6e: {  	_ =	shalt  }
0x6f: {  	_ =	shalt  }
0x70: {  	_ =	shalt  }
0x71: {  	_ =	shalt  }
0x72: {  	_ =	shalt  }
0x73: {  	_ =	shalt  }
0x74: {  	_ =	shalt  }
0x75: {  	_ =	shalt  }
0x76: {  	_ =	shalt  }
0x77: {  	_ =	shalt  }
0x78: {  	_ =	shalt  }
0x79: {  	_ =	shalt  }
0x7a: {  	_ =	shalt  }
0x7b: {  	_ =	shalt  }
0x7c: {  	_ =	shalt  }
0x7d: {  	_ =	shalt  }
0x7e: {  	_ =	shalt  }
0x7f: {  	_ =	shalt  }
0x80: {  	_ =	shalt  }
0x81: {  	_ =	shalt  }
0x82: {  	_ =	shalt  }
0x83: {  	_ =	shalt  }
0x84: {  	_ =	shalt  }
0x85: {  	_ =	shalt  }
0x86: {  	_ =	shalt  }
0x87: {  	_ =	shalt  }
.Lfunc_end0:
.L_simem_size_0:
called_computation.1_lowered:
.L_overlay_start_0:
0x88: {  	s2 =	sld [smem:$0x3FD9]  }
0x89: {  	s3 =	sld [smem:$0x3FFE];
	_ =	sdelay $0x1  }
0x8a: {  	s1 =	srdreg.scid  }
0x8b: {  	s0 =	sand.u32 $0x1, s1  }
0x8c: {  	s16 =	sshll.u32 s0, $0xA;
	s2 =	sadd.s32 s3, s2  }
0x8d: {  	s2 =	sadd.s32 s2, s16  }
0x8e: {  	[smem:$0x3FC2] =	sst s2  }
0x8f: {  	_ = 	snop  }
0x90: {  	(tm) =	ssettm $0x1  }
0x91: {  	s17 =	sld [smem:$0x3FFB];
	_ =	sdelay $0x3  }
0x92: {  	_ =	strace s17  }
0x93: {  	s2 =	sld [smem:$0x3FFC];
	_ =	sdelay $0x3  }
0x94: {  	_ =	strace s2  }
0x95: {  	s2 =	sld [smem:$0x3FFD];
	_ =	sdelay $0x3  }
0x96: {  	_ =	strace s2  }
0x97: {  	_ =	strace $0x8FFFFFFF  }
0x98: {  	s18 =	sld [smem:$0x3FDB];
	_ =	sdelay $0x1  }
0x99: {  	s19 =	simm.s32 $_scs_section_size  }
0x9a: {  	s4 =	simm.s32 $_size__tile_overlayer_lowered;
	s5 =	simm.s32 $_tile_overlayer_lowered  }
0x9b: {  	s22 =	simm.s32 $0x1BFF;
	s21 =	sshll.u32 s5, $0x1;
	s2 =	sadd.s32 s19, s18  }
0x9c: {  	s6 =	simm.s32 $0x0;
	s20 =	sshll.u32 s4, $0x1;
	s4 =	sadd.s32 s21, s2  }
0x9d: {  	[timem:s6], [sflag:s22] =	dma.local [hbm:s4], s20  }
0x9e: {  	_ =	swait.ge [sflag:s22], s20  }
0x9f: {  	s3 =	ssub.s32 $0x0, s20;
	[sflag:s22] =	ssyncset.done $0x0  }
0xa0: {  	[sflag:s22] =	ssyncadd.s32 s3;
	_ =	sdelay $0x1  }
0xa1: {  	s23 =	simm.s32 $0x1B8B  }
0xa2: {  	_ =	swait.ge [sflag:s23], $0x1  }
0xa3: {  	[sflag:s23] =	ssyncset.done $0x0  }
0xa4: {  	s25 =	simm.s32 $0x1B8E;
	s24 =	sld [smem:$0x3FFE];
	[sflag:s23] =	ssyncadd.s32 $0xFFFFFFFF  }
0xa5: {  	s26 =	simm.s32 $execute0_lowered;
	[smem:$0x3FD2] =	sst s25  }
0xa6: {  	s4 =	sshll.u32 s26, $0x1;
	_ =	strace $0x80000049;
	[dreg:$0x1] =	wrdreg $0xFFFFFFFF  }
0xa7: {  	s28 =	simm.s32 $_size_execute0_lowered;
	s2 =	sadd.s32 s2, s4;
	[dreg:$0x0] =	wrdreg $0x0  }
0xa8: {  	s4 =	sshll.u32 s28, $0x1;
	[dreg:$0x2] =	wrdreg s2  }
0xa9: {  	[dreg:$0x3] =	wrdreg s4  }
0xaa: {  	[dreg:$0x4] =	wrdreg $0xC0  }
0xab: {  	_ =	task [dreg:s6], $0x5FFFF  }
0xac: {  	[dreg:$0x1] =	wrdreg $0xFFFFFFFF  }
0xad: {  	[dreg:$0x0] =	wrdreg $0x60  }
0xae: {  	[dreg:$0x2] =	wrdreg s24  }
0xaf: {  	[dreg:$0x3] =	wrdreg $0x0  }
0xb0: {  	[dreg:$0x4] =	wrdreg $0xC8000  }
0xb1: {  	[dreg:$0x5] =	wrdreg $0x9  }
0xb2: {  	_ =	task.clear_ibuf [dreg:s6], $0x6FFFF;
	_ =	strace $0x90000049  }
0xb3: {  	s29 =	simm.s32 $0x9;
	_ =	strace $0x8000004B  }
0xb4: {  	_ =	swait.ge [sflag:s29], $0x1  }
0xb5: {  	[sflag:s29] =	ssyncadd.s32 $0xFFFFFFFF  }
0xb6: {  	_ =	strace $0x9000004B  }
0xb7: {  	_ =	sfence  }
0xb8: {  	s30 =	sld [smem:$0x0];
	_ =	sdelay $0x2  }
0xb9: {  	s31 =	sshll.u32 s1, $0xD;
	s1 =	sshrl.u32 s1, $0x2  }
0xba: {  	s3 =	sand.u32 $0x4000, s31;
	s1 =	sadd.s32 s1, s30  }
0xbb: {  	s0 =	sor.u32 s3, s0;
	s1 =	sshll.u32 s1, $0x11  }
0xbc: {  	s0 =	sor.u32 s1, s0  }
0xbd: {  	s0 =	sadd.s32 $0x8F2B, s0  }
0xbe: {  	[sflag:s0] =	ssyncadd.remote.s32 $0x1  }
0xbf: {  	_ =	sfence.sel $0xFFFF  }
0xc0: {  	[dreg:$0x0] =	wrdreg $0xFFFFFFFF;
	(pc) =	sbr.abs _section_cstart, $3  }
0xc1: {  	[dreg:$0x1] =	wrdreg $0xFFFFFFFF  }
0xc2: {  	_ =	task.clear_ibuf [dreg:s6], $0x2FFFF;
	_ =	strace $0x9FFFFFFF  }
0xc3: {  	(tm) =	ssettm $0x7FFFFFFF  }
tec
execute0_lowered:
.L_overlay_start_1:
0x0: {  	(tag) =	ssettag $0x1  }
0x1: {  	s0 =	rddreg [dreg:$0x0]  }
0x2: {  	s1 =	rddreg [dreg:$0x1];
	s2 =	srdreg.scid  }
0x3: {  	s3 =	rddreg [dreg:$0x2];
	s10 =	stileid.u32;
	s4 =	simm.s32 $0x0  }
0x4: {  	s12 =	simm.s32 $0x19000;
	s13 =	simm.s32 $0x19800;
	s14 =	simm.s32 $0x100  }
0x5: {  	s23 =	simm.s32 $0x19100;
	s24 =	simm.s32 $0x19200;
	s25 =	simm.s32 $0x19300  }
0x6: {  	s26 =	simm.s32 $0x19400;
	s28 =	simm.s32 $0x19900;
	s29 =	simm.s32 $0x19A00  }
0x7: {  	s30 =	simm.s32 $0x19B00;
	s31 =	simm.s32 $0x19C00;
	s6 =	smul.u32 $0xC800, s10  }
0x8: {  	s2 =	sand.u32 $0x1, s2;
	[smem:$0x7FF] =	sst s4;
	s8 =	smul.u32 $0x6400, s10  }
0x9: {  	s17 =	sshll.u32 s10, $0x6;
	_ =	strace $0x8000004A;
	[dreg:$0x6] =	wrdreg s23  }
0xa: {  	s10 =	simm.s32 $0x3;
	s5 =	smul.u32 $0xC8000, s2;
	[dreg:$0x7] =	wrdreg s24  }
0xb: {  	s2 =	ssub.s32 $0x2, s2;
	s11 =	sor.u32 $0x1C03, s17;
	[dreg:$0x8] =	wrdreg s25  }
0xc: {  	s17 =	simm.s32 $0x1B000;
	[dreg:$0x9] =	wrdreg s26;
	s23 =	simm.s32 $0x1D000  }
0xd: {  	s24 =	simm.s32 $0x19700;
	s25 =	simm.s32 $0x1D800;
	s26 =	simm.s32 $0x1  }
0xe: {  	s8 =	sadd.s32 s8, s0;
	s15 =	sshrl.u32 s2, $0x1;
	s9 =	sshrl.u32 s6, $0x3  }
0xf: {  	s18 =	sadd.s32 s6, s1;
	s19 =	sadd.s32 s6, s3;
	[dreg:$0xb] =	wrdreg s11  }
0x10: {  	s7 =	sshrl.u32 s5, $0x3;
	s5 =	sadd.s32 s6, s5;
	s2 =	ssub.s32 s2, s15  }
0x11: {  	s20 =	sadd.s32 $0x65A00, s8;
	s21 =	sadd.s32 $0x1A00, s8;
	s22 =	sshrl.u32 s18, $0x3  }
0x12: {  	s15 =	simm.s32 $0x1A000;
	s18 =	simm.s32 $0x1B800;
	s8 =	simm.s32 $0x2  }
0x13: {  	s6 =	simm.s32 $0x0;
	s7 =	sadd.s32 s7, s0;
	[dreg:$0x4] =	wrdreg s20  }
0x14: {  	s5 =	sshrl.u32 s5, $0x3;
	s2 =	smax.u32 s2, $0x1;
	[dreg:$0x5] =	wrdreg s21  }
0x15: {  	[dreg:$0xe] =	wrdreg s22;
	s20 =	simm.s32 $0x19500;
	s21 =	simm.s32 $0x1C800  }
0x16: {  	s22 =	simm.s32 $0x19600;
	s0 =	sadd.s32 s5, s0;
	s16 =	sadd.s32 s9, s7  }
0x17: {  	[dreg:$0xd] =	wrdreg s2;
	s9 =	sshrl.u32 s19, $0x3;
	s19 =	simm.s32 $0x1C000  }
0x18: {  	s2 =	simm.s32 $0x19E00;
	s5 =	sadd.s32 $0xC9A00, s16;
	[dreg:$0xf] =	wrdreg s9  }
0x19: {  	s7 =	simm.s32 $0x19F00;
	s0 =	sadd.s32 $0xFBA00, s0;
	[dreg:$0xa] =	wrdreg s5  }
0x1a: {  	s16 =	simm.s32 $0x1A800;
	[dreg:$0xc] =	wrdreg s0;
	s0 =	simm.s32 $0x19D00  }
.LBB2_1:
0x1b: {  	[dreg:$0x10] =	wrdreg s6  }
0x1c: {  	s5 =	rddreg [dreg:$0xa]  }
0x1d: {  	s6 =	rddreg [dreg:$0xe]  }
0x1e: {  	[spmem:s6], [sflag:s11] =	dma.local [hbm:s5], $0x1900  }
0x1f: {  	_ =	swait.ge [sflag:s10], $0x1900  }
0x20: {  	[sflag:s10] =	ssyncset.done $0x0  }
0x21: {  	[sflag:s10] =	ssyncadd.s32 $0xFFFFE700  }
0x22: {  	[spmem:s9], [sflag:s11] =	dma.local [hbm:s5], $0x1900  }
0x23: {  	_ =	swait.ge [sflag:s10], $0x1900  }
0x24: {  	[sflag:s10] =	ssyncset.done $0x0  }
0x25: {  	[sflag:s10] =	ssyncadd.s32 $0xFFFFE700  }
0x26: {  	[bflag:$0x0] =	sbarrier.arrive $0xFFFF  }
0x27: {  	s11 =	rddreg [dreg:$0x5]  }
0x28: {  	s5 =	sadd.s32 $0x0, s11  }
0x29: {  	[tilespmem:s12], [sflag:$0x3] =	stream.linear.gather [hbm4b:s5+s4], $0x800, $0x38;
	[tilespmem:$0x1E000] =	vst v63  }
0x2a: {  	_ =	swait.ge [sflag:s10], $0x800  }
0x2b: {  	s6 =	rddreg [dreg:$0x4];
	[sflag:s10] =	ssyncset.done $0x0  }
0x2c: {  	[sflag:s10] =	ssyncadd.s32 $0xFFFFF800;
	s5 =	sadd.s32 $0x0, s6  }
0x2d: {  	[tilespmem:s13], [sflag:$0x3] =	stream.linear.gather [hbm4b:s5+s4], $0x800, $0x38;
	[tilespmem:$0x1E000] =	vst v63  }
0x2e: {  	_ =	swait.ge [sflag:s10], $0x800  }
0x2f: {  	[sflag:s10] =	ssyncset.done $0x0  }
0x30: {  	[sflag:s10] =	ssyncadd.s32 $0xFFFFF800  }
0x31: {  	[tilespmem:s15], [sflag:$0x1] =	stream.indirect.gather [spmem:s1], $0x8, s12, s14, $0xb8;
	[tilespmem:$0x1E000] =	vst v63  }
0x32: {  	s9 =	rddreg [dreg:$0x6]  }
0x33: {  	[tilespmem:s16], [sflag:$0x1] =	stream.indirect.gather [spmem:s1], $0x8, s9, s14, $0xb8;
	[tilespmem:$0x1E000] =	vst v63  }
0x34: {  	s11 =	rddreg [dreg:$0x7]  }
0x35: {  	[tilespmem:s17], [sflag:$0x1] =	stream.indirect.gather [spmem:s1], $0x8, s11, s14, $0xb8;
	[tilespmem:$0x1E000] =	vst v63  }
0x36: {  	s9 =	rddreg [dreg:$0x8]  }
0x37: {  	[tilespmem:s18], [sflag:$0x1] =	stream.indirect.gather [spmem:s1], $0x8, s9, s14, $0xb8;
	[tilespmem:$0x1E000] =	vst v63  }
0x38: {  	s11 =	rddreg [dreg:$0x9]  }
0x39: {  	[tilespmem:s19], [sflag:$0x1] =	stream.indirect.gather [spmem:s1], $0x8, s11, s14, $0xb8;
	[tilespmem:$0x1E000] =	vst v63  }
0x3a: {  	_ = 	snop  }
0x3b: {  	[tilespmem:s21], [sflag:$0x1] =	stream.indirect.gather [spmem:s1], $0x8, s20, s14, $0xb8;
	[tilespmem:$0x1E000] =	vst v63  }
0x3c: {  	_ = 	snop  }
0x3d: {  	[tilespmem:s23], [sflag:$0x1] =	stream.indirect.gather [spmem:s1], $0x8, s22, s14, $0xb8;
	[tilespmem:$0x1E000] =	vst v63  }
0x3e: {  	_ = 	snop  }
0x3f: {  	[tilespmem:s25], [sflag:$0x1] =	stream.indirect.gather [spmem:s1], $0x8, s24, s14, $0xb8;
	[tilespmem:$0x1E000] =	vst v63  }
0x40: {  	_ =	swait.ge [sflag:s26], $0x800  }
0x41: {  	[sflag:s26] =	ssyncset.done $0x0  }
0x42: {  	[sflag:s26] =	ssyncadd.s32 $0xFFFFF800  }
0x43: {  	[spmem:s3] =	stream.indirect.scatter.add.f32 [tilespmem:s15], [sflag:$0x2], $0x8, s13, s14, $0xb8;
	[tilespmem:$0x1E000] =	vst v63  }
0x44: {  	_ =	swait.ge [sflag:s26], $0x800  }
0x45: {  	[sflag:s26] =	ssyncset.done $0x0  }
0x46: {  	[sflag:s26] =	ssyncadd.s32 $0xFFFFF800  }
0x47: {  	[spmem:s3] =	stream.indirect.scatter.add.f32 [tilespmem:s16], [sflag:$0x2], $0x8, s28, s14, $0xb8;
	[tilespmem:$0x1E000] =	vst v63  }
0x48: {  	_ =	swait.ge [sflag:s26], $0x800  }
0x49: {  	[sflag:s26] =	ssyncset.done $0x0  }
0x4a: {  	[sflag:s26] =	ssyncadd.s32 $0xFFFFF800  }
0x4b: {  	[spmem:s3] =	stream.indirect.scatter.add.f32 [tilespmem:s17], [sflag:$0x2], $0x8, s29, s14, $0xb8;
	[tilespmem:$0x1E000] =	vst v63  }
0x4c: {  	_ =	swait.ge [sflag:s26], $0x800  }
0x4d: {  	[sflag:s26] =	ssyncset.done $0x0  }
0x4e: {  	[sflag:s26] =	ssyncadd.s32 $0xFFFFF800  }
0x4f: {  	[spmem:s3] =	stream.indirect.scatter.add.f32 [tilespmem:s18], [sflag:$0x2], $0x8, s30, s14, $0xb8;
	[tilespmem:$0x1E000] =	vst v63  }
0x50: {  	_ =	swait.ge [sflag:s26], $0x800  }
0x51: {  	[sflag:s26] =	ssyncset.done $0x0  }
0x52: {  	[sflag:s26] =	ssyncadd.s32 $0xFFFFF800  }
0x53: {  	[spmem:s3] =	stream.indirect.scatter.add.f32 [tilespmem:s19], [sflag:$0x2], $0x8, s31, s14, $0xb8;
	[tilespmem:$0x1E000] =	vst v63  }
0x54: {  	_ =	swait.ge [sflag:s26], $0x800  }
0x55: {  	[sflag:s26] =	ssyncset.done $0x0  }
0x56: {  	[sflag:s26] =	ssyncadd.s32 $0xFFFFF800  }
0x57: {  	[spmem:s3] =	stream.indirect.scatter.add.f32 [tilespmem:s21], [sflag:$0x2], $0x8, s0, s14, $0xb8;
	[tilespmem:$0x1E000] =	vst v63  }
0x58: {  	_ =	swait.ge [sflag:s26], $0x800  }
0x59: {  	[sflag:s26] =	ssyncset.done $0x0  }
0x5a: {  	[sflag:s26] =	ssyncadd.s32 $0xFFFFF800  }
0x5b: {  	[spmem:s3] =	stream.indirect.scatter.add.f32 [tilespmem:s23], [sflag:$0x2], $0x8, s2, s14, $0xb8;
	[tilespmem:$0x1E000] =	vst v63  }
0x5c: {  	_ =	swait.ge [sflag:s26], $0x800  }
0x5d: {  	[sflag:s26] =	ssyncset.done $0x0  }
0x5e: {  	[sflag:s26] =	ssyncadd.s32 $0xFFFFF800  }
0x5f: {  	[spmem:s3] =	stream.indirect.scatter.add.f32 [tilespmem:s25], [sflag:$0x2], $0x8, s7, s14, $0xb8;
	[tilespmem:$0x1E000] =	vst v63  }
0x60: {  	_ =	swait.ge [sflag:s8], $0x800  }
0x61: {  	[sflag:s8] =	ssyncset.done $0x0  }
0x62: {  	[sflag:s8] =	ssyncadd.s32 $0xFFFFF800  }
0x63: {  	_ =	swait.ge [sflag:s8], $0x800  }
0x64: {  	[sflag:s8] =	ssyncset.done $0x0  }
0x65: {  	[sflag:s8] =	ssyncadd.s32 $0xFFFFF800  }
0x66: {  	_ =	swait.ge [sflag:s8], $0x800  }
0x67: {  	[sflag:s8] =	ssyncset.done $0x0  }
0x68: {  	[sflag:s8] =	ssyncadd.s32 $0xFFFFF800  }
0x69: {  	_ =	swait.ge [sflag:s8], $0x800  }
0x6a: {  	[sflag:s8] =	ssyncset.done $0x0  }
0x6b: {  	[sflag:s8] =	ssyncadd.s32 $0xFFFFF800  }
0x6c: {  	_ =	swait.ge [sflag:s8], $0x800  }
0x6d: {  	[sflag:s8] =	ssyncset.done $0x0  }
0x6e: {  	[sflag:s8] =	ssyncadd.s32 $0xFFFFF800  }
0x6f: {  	_ =	swait.ge [sflag:s8], $0x800  }
0x70: {  	[sflag:s8] =	ssyncset.done $0x0  }
0x71: {  	[sflag:s8] =	ssyncadd.s32 $0xFFFFF800  }
0x72: {  	_ =	swait.ge [sflag:s8], $0x800  }
0x73: {  	[sflag:s8] =	ssyncset.done $0x0  }
0x74: {  	[sflag:s8] =	ssyncadd.s32 $0xFFFFF800  }
0x75: {  	s5 =	simm.s32 $0x100;
	_ =	swait.ge [sflag:s8], $0x800  }
0x76: {  	s11 =	simm.s32 $0x200;
	s6 =	rddreg [dreg:$0x5];
	[sflag:s8] =	ssyncset.done $0x0  }
.LBB2_2:
0x77: {  	[sflag:s8] =	ssyncadd.s32 $0xFFFFF800;
	s6 =	sadd.s32 s5, s6  }
0x78: {  	[tilespmem:s12], [sflag:$0x3] =	stream.linear.gather [hbm4b:s6+s4], $0x800, $0x38;
	[tilespmem:$0x1E000] =	vst v63  }
0x79: {  	_ =	swait.ge [sflag:s10], $0x800  }
0x7a: {  	s6 =	rddreg [dreg:$0x4];
	[sflag:s10] =	ssyncset.done $0x0  }
0x7b: {  	[sflag:s10] =	ssyncadd.s32 $0xFFFFF800;
	s6 =	sadd.s32 s5, s6  }
0x7c: {  	[tilespmem:s13], [sflag:$0x3] =	stream.linear.gather [hbm4b:s6+s4], $0x800, $0x38;
	[tilespmem:$0x1E000] =	vst v63  }
0x7d: {  	_ =	swait.ge [sflag:s10], $0x800  }
0x7e: {  	[sflag:s10] =	ssyncset.done $0x0  }
0x7f: {  	[sflag:s10] =	ssyncadd.s32 $0xFFFFF800  }
0x80: {  	[tilespmem:s15], [sflag:$0x1] =	stream.indirect.gather [spmem:s1], $0x8, s12, s14, $0xb8;
	[tilespmem:$0x1E000] =	vst v63  }
0x81: {  	s9 =	smov.u32 s11;
	s6 =	rddreg [dreg:$0x6]  }
0x82: {  	[tilespmem:s16], [sflag:$0x1] =	stream.indirect.gather [spmem:s1], $0x8, s6, s14, $0xb8;
	[tilespmem:$0x1E000] =	vst v63  }
0x83: {  	s5 =	smov.u32 s9;
	s9 =	rddreg [dreg:$0x7]  }
0x84: {  	[tilespmem:s17], [sflag:$0x1] =	stream.indirect.gather [spmem:s1], $0x8, s9, s14, $0xb8;
	[tilespmem:$0x1E000] =	vst v63  }
0x85: {  	s6 =	rddreg [dreg:$0x8]  }
0x86: {  	[tilespmem:s18], [sflag:$0x1] =	stream.indirect.gather [spmem:s1], $0x8, s6, s14, $0xb8;
	[tilespmem:$0x1E000] =	vst v63  }
0x87: {  	s9 =	rddreg [dreg:$0x9]  }
0x88: {  	[tilespmem:s19], [sflag:$0x1] =	stream.indirect.gather [spmem:s1], $0x8, s9, s14, $0xb8;
	[tilespmem:$0x1E000] =	vst v63  }
0x89: {  	_ = 	snop  }
0x8a: {  	[tilespmem:s21], [sflag:$0x1] =	stream.indirect.gather [spmem:s1], $0x8, s20, s14, $0xb8;
	[tilespmem:$0x1E000] =	vst v63  }
0x8b: {  	_ = 	snop  }
0x8c: {  	[tilespmem:s23], [sflag:$0x1] =	stream.indirect.gather [spmem:s1], $0x8, s22, s14, $0xb8;
	[tilespmem:$0x1E000] =	vst v63  }
0x8d: {  	_ = 	snop  }
0x8e: {  	[tilespmem:s25], [sflag:$0x1] =	stream.indirect.gather [spmem:s1], $0x8, s24, s14, $0xb8;
	[tilespmem:$0x1E000] =	vst v63  }
0x8f: {  	_ =	swait.ge [sflag:s26], $0x800  }
0x90: {  	[sflag:s26] =	ssyncset.done $0x0  }
0x91: {  	[sflag:s26] =	ssyncadd.s32 $0xFFFFF800  }
0x92: {  	[spmem:s3] =	stream.indirect.scatter.add.f32 [tilespmem:s15], [sflag:$0x2], $0x8, s13, s14, $0xb8;
	[tilespmem:$0x1E000] =	vst v63  }
0x93: {  	_ =	swait.ge [sflag:s26], $0x800  }
0x94: {  	[sflag:s26] =	ssyncset.done $0x0  }
0x95: {  	[sflag:s26] =	ssyncadd.s32 $0xFFFFF800  }
0x96: {  	[spmem:s3] =	stream.indirect.scatter.add.f32 [tilespmem:s16], [sflag:$0x2], $0x8, s28, s14, $0xb8;
	[tilespmem:$0x1E000] =	vst v63  }
0x97: {  	_ =	swait.ge [sflag:s26], $0x800  }
0x98: {  	[sflag:s26] =	ssyncset.done $0x0  }
0x99: {  	[sflag:s26] =	ssyncadd.s32 $0xFFFFF800  }
0x9a: {  	[spmem:s3] =	stream.indirect.scatter.add.f32 [tilespmem:s17], [sflag:$0x2], $0x8, s29, s14, $0xb8;
	[tilespmem:$0x1E000] =	vst v63  }
0x9b: {  	_ =	swait.ge [sflag:s26], $0x800  }
0x9c: {  	[sflag:s26] =	ssyncset.done $0x0  }
0x9d: {  	[sflag:s26] =	ssyncadd.s32 $0xFFFFF800  }
0x9e: {  	[spmem:s3] =	stream.indirect.scatter.add.f32 [tilespmem:s18], [sflag:$0x2], $0x8, s30, s14, $0xb8;
	[tilespmem:$0x1E000] =	vst v63  }
0x9f: {  	_ =	swait.ge [sflag:s26], $0x800  }
0xa0: {  	[sflag:s26] =	ssyncset.done $0x0  }
0xa1: {  	[sflag:s26] =	ssyncadd.s32 $0xFFFFF800  }
0xa2: {  	[spmem:s3] =	stream.indirect.scatter.add.f32 [tilespmem:s19], [sflag:$0x2], $0x8, s31, s14, $0xb8;
	[tilespmem:$0x1E000] =	vst v63  }
0xa3: {  	_ =	swait.ge [sflag:s26], $0x800  }
0xa4: {  	[sflag:s26] =	ssyncset.done $0x0  }
0xa5: {  	[sflag:s26] =	ssyncadd.s32 $0xFFFFF800  }
0xa6: {  	[spmem:s3] =	stream.indirect.scatter.add.f32 [tilespmem:s21], [sflag:$0x2], $0x8, s0, s14, $0xb8;
	[tilespmem:$0x1E000] =	vst v63  }
0xa7: {  	_ =	swait.ge [sflag:s26], $0x800  }
0xa8: {  	[sflag:s26] =	ssyncset.done $0x0  }
0xa9: {  	[sflag:s26] =	ssyncadd.s32 $0xFFFFF800  }
0xaa: {  	[spmem:s3] =	stream.indirect.scatter.add.f32 [tilespmem:s23], [sflag:$0x2], $0x8, s2, s14, $0xb8;
	[tilespmem:$0x1E000] =	vst v63  }
0xab: {  	_ =	swait.ge [sflag:s26], $0x800  }
0xac: {  	[sflag:s26] =	ssyncset.done $0x0  }
0xad: {  	[sflag:s26] =	ssyncadd.s32 $0xFFFFF800  }
0xae: {  	[spmem:s3] =	stream.indirect.scatter.add.f32 [tilespmem:s25], [sflag:$0x2], $0x8, s7, s14, $0xb8;
	[tilespmem:$0x1E000] =	vst v63  }
0xaf: {  	_ =	swait.ge [sflag:s8], $0x800  }
0xb0: {  	[sflag:s8] =	ssyncset.done $0x0  }
0xb1: {  	[sflag:s8] =	ssyncadd.s32 $0xFFFFF800  }
0xb2: {  	_ =	swait.ge [sflag:s8], $0x800  }
0xb3: {  	[sflag:s8] =	ssyncset.done $0x0  }
0xb4: {  	[sflag:s8] =	ssyncadd.s32 $0xFFFFF800  }
0xb5: {  	_ =	swait.ge [sflag:s8], $0x800  }
0xb6: {  	[sflag:s8] =	ssyncset.done $0x0  }
0xb7: {  	[sflag:s8] =	ssyncadd.s32 $0xFFFFF800  }
0xb8: {  	_ =	swait.ge [sflag:s8], $0x800  }
0xb9: {  	[sflag:s8] =	ssyncset.done $0x0  }
0xba: {  	[sflag:s8] =	ssyncadd.s32 $0xFFFFF800  }
0xbb: {  	_ =	swait.ge [sflag:s8], $0x800  }
0xbc: {  	[sflag:s8] =	ssyncset.done $0x0  }
0xbd: {  	[sflag:s8] =	ssyncadd.s32 $0xFFFFF800  }
0xbe: {  	_ =	swait.ge [sflag:s8], $0x800  }
0xbf: {  	[sflag:s8] =	ssyncset.done $0x0  }
0xc0: {  	p0 =	sne.s32 s11, $0x6300;
	[sflag:s8] =	ssyncadd.s32 $0xFFFFF800  }
.Ltmp0:
0xc1: {  	_ =	swait.ge [sflag:s8], $0x800;
	(pc) =	sbr.rel @p0 .LBB2_2-.Ltmp0, $4  }
0xc2: {  	[sflag:s8] =	ssyncset.done $0x0  }
0xc3: {  	[sflag:s8] =	ssyncadd.s32 $0xFFFFF800  }
0xc4: {  	_ =	swait.ge [sflag:s8], $0x800  }
0xc5: {  	s11 =	sadd.s32 $0x100, s11;
	s6 =	rddreg [dreg:$0x5];
	[sflag:s8] =	ssyncset.done $0x0  }
0xc6: {  	[sflag:s8] =	ssyncadd.s32 $0xFFFFF800;
	s6 =	sadd.s32 s5, s6  }
0xc7: {  	[tilespmem:s12], [sflag:$0x3] =	stream.linear.gather [hbm4b:s6+s4], $0x800, $0x38;
	[tilespmem:$0x1E000] =	vst v63  }
0xc8: {  	_ =	swait.ge [sflag:s10], $0x800  }
0xc9: {  	s11 =	rddreg [dreg:$0x4];
	[sflag:s10] =	ssyncset.done $0x0  }
0xca: {  	[sflag:s10] =	ssyncadd.s32 $0xFFFFF800;
	s6 =	sadd.s32 s5, s11  }
0xcb: {  	[tilespmem:s13], [sflag:$0x3] =	stream.linear.gather [hbm4b:s6+s4], $0x800, $0x38;
	[tilespmem:$0x1E000] =	vst v63  }
0xcc: {  	_ =	swait.ge [sflag:s10], $0x800  }
0xcd: {  	[sflag:s10] =	ssyncset.done $0x0  }
0xce: {  	[sflag:s10] =	ssyncadd.s32 $0xFFFFF800  }
0xcf: {  	[tilespmem:s15], [sflag:$0x1] =	stream.indirect.gather [spmem:s1], $0x8, s12, s14, $0xb8;
	[tilespmem:$0x1E000] =	vst v63  }
0xd0: {  	s9 =	rddreg [dreg:$0x6]  }
0xd1: {  	[tilespmem:s16], [sflag:$0x1] =	stream.indirect.gather [spmem:s1], $0x8, s9, s14, $0xb8;
	[tilespmem:$0x1E000] =	vst v63  }
0xd2: {  	s11 =	rddreg [dreg:$0x7]  }
0xd3: {  	[tilespmem:s17], [sflag:$0x1] =	stream.indirect.gather [spmem:s1], $0x8, s11, s14, $0xb8;
	[tilespmem:$0x1E000] =	vst v63  }
0xd4: {  	s9 =	rddreg [dreg:$0x8]  }
0xd5: {  	[tilespmem:s18], [sflag:$0x1] =	stream.indirect.gather [spmem:s1], $0x8, s9, s14, $0xb8;
	[tilespmem:$0x1E000] =	vst v63  }
0xd6: {  	s11 =	rddreg [dreg:$0x9]  }
0xd7: {  	[tilespmem:s19], [sflag:$0x1] =	stream.indirect.gather [spmem:s1], $0x8, s11, s14, $0xb8;
	[tilespmem:$0x1E000] =	vst v63  }
0xd8: {  	_ = 	snop  }
0xd9: {  	[tilespmem:s21], [sflag:$0x1] =	stream.indirect.gather [spmem:s1], $0x8, s20, s14, $0xb8;
	[tilespmem:$0x1E000] =	vst v63  }
0xda: {  	_ = 	snop  }
0xdb: {  	[tilespmem:s23], [sflag:$0x1] =	stream.indirect.gather [spmem:s1], $0x8, s22, s14, $0xb8;
	[tilespmem:$0x1E000] =	vst v63  }
0xdc: {  	_ = 	snop  }
0xdd: {  	[tilespmem:s25], [sflag:$0x1] =	stream.indirect.gather [spmem:s1], $0x8, s24, s14, $0xb8;
	[tilespmem:$0x1E000] =	vst v63  }
0xde: {  	_ =	swait.ge [sflag:s26], $0x800  }
0xdf: {  	[sflag:s26] =	ssyncset.done $0x0  }
0xe0: {  	[sflag:s26] =	ssyncadd.s32 $0xFFFFF800  }
0xe1: {  	[spmem:s3] =	stream.indirect.scatter.add.f32 [tilespmem:s15], [sflag:$0x2], $0x8, s13, s14, $0xb8;
	[tilespmem:$0x1E000] =	vst v63  }
0xe2: {  	_ =	swait.ge [sflag:s26], $0x800  }
0xe3: {  	[sflag:s26] =	ssyncset.done $0x0  }
0xe4: {  	[sflag:s26] =	ssyncadd.s32 $0xFFFFF800  }
0xe5: {  	[spmem:s3] =	stream.indirect.scatter.add.f32 [tilespmem:s16], [sflag:$0x2], $0x8, s28, s14, $0xb8;
	[tilespmem:$0x1E000] =	vst v63  }
0xe6: {  	_ =	swait.ge [sflag:s26], $0x800  }
0xe7: {  	[sflag:s26] =	ssyncset.done $0x0  }
0xe8: {  	[sflag:s26] =	ssyncadd.s32 $0xFFFFF800  }
0xe9: {  	[spmem:s3] =	stream.indirect.scatter.add.f32 [tilespmem:s17], [sflag:$0x2], $0x8, s29, s14, $0xb8;
	[tilespmem:$0x1E000] =	vst v63  }
0xea: {  	_ =	swait.ge [sflag:s26], $0x800  }
0xeb: {  	[sflag:s26] =	ssyncset.done $0x0  }
0xec: {  	[sflag:s26] =	ssyncadd.s32 $0xFFFFF800  }
0xed: {  	[spmem:s3] =	stream.indirect.scatter.add.f32 [tilespmem:s18], [sflag:$0x2], $0x8, s30, s14, $0xb8;
	[tilespmem:$0x1E000] =	vst v63  }
0xee: {  	_ =	swait.ge [sflag:s26], $0x800  }
0xef: {  	[sflag:s26] =	ssyncset.done $0x0  }
0xf0: {  	[sflag:s26] =	ssyncadd.s32 $0xFFFFF800  }
0xf1: {  	[spmem:s3] =	stream.indirect.scatter.add.f32 [tilespmem:s19], [sflag:$0x2], $0x8, s31, s14, $0xb8;
	[tilespmem:$0x1E000] =	vst v63  }
0xf2: {  	_ =	swait.ge [sflag:s26], $0x800  }
0xf3: {  	[sflag:s26] =	ssyncset.done $0x0  }
0xf4: {  	[sflag:s26] =	ssyncadd.s32 $0xFFFFF800  }
0xf5: {  	[spmem:s3] =	stream.indirect.scatter.add.f32 [tilespmem:s21], [sflag:$0x2], $0x8, s0, s14, $0xb8;
	[tilespmem:$0x1E000] =	vst v63  }
0xf6: {  	_ =	swait.ge [sflag:s26], $0x800  }
0xf7: {  	[sflag:s26] =	ssyncset.done $0x0  }
0xf8: {  	[sflag:s26] =	ssyncadd.s32 $0xFFFFF800  }
0xf9: {  	[spmem:s3] =	stream.indirect.scatter.add.f32 [tilespmem:s23], [sflag:$0x2], $0x8, s2, s14, $0xb8;
	[tilespmem:$0x1E000] =	vst v63  }
0xfa: {  	_ =	swait.ge [sflag:s26], $0x800  }
0xfb: {  	[sflag:s26] =	ssyncset.done $0x0  }
0xfc: {  	[sflag:s26] =	ssyncadd.s32 $0xFFFFF800  }
0xfd: {  	[spmem:s3] =	stream.indirect.scatter.add.f32 [tilespmem:s25], [sflag:$0x2], $0x8, s7, s14, $0xb8;
	[tilespmem:$0x1E000] =	vst v63  }
0xfe: {  	_ =	swait.ge [sflag:s8], $0x800  }
0xff: {  	[sflag:s8] =	ssyncset.done $0x0  }
0x100: {  	[sflag:s8] =	ssyncadd.s32 $0xFFFFF800  }
0x101: {  	_ =	swait.ge [sflag:s8], $0x800  }
0x102: {  	[sflag:s8] =	ssyncset.done $0x0  }
0x103: {  	[sflag:s8] =	ssyncadd.s32 $0xFFFFF800  }
0x104: {  	_ =	swait.ge [sflag:s8], $0x800  }
0x105: {  	[sflag:s8] =	ssyncset.done $0x0  }
0x106: {  	[sflag:s8] =	ssyncadd.s32 $0xFFFFF800  }
0x107: {  	_ =	swait.ge [sflag:s8], $0x800  }
0x108: {  	[sflag:s8] =	ssyncset.done $0x0  }
0x109: {  	[sflag:s8] =	ssyncadd.s32 $0xFFFFF800  }
0x10a: {  	_ =	swait.ge [sflag:s8], $0x800  }
0x10b: {  	[sflag:s8] =	ssyncset.done $0x0  }
0x10c: {  	[sflag:s8] =	ssyncadd.s32 $0xFFFFF800  }
0x10d: {  	_ =	swait.ge [sflag:s8], $0x800  }
0x10e: {  	[sflag:s8] =	ssyncset.done $0x0  }
0x10f: {  	[sflag:s8] =	ssyncadd.s32 $0xFFFFF800  }
0x110: {  	_ =	swait.ge [sflag:s8], $0x800  }
0x111: {  	[sflag:s8] =	ssyncset.done $0x0  }
0x112: {  	[sflag:s8] =	ssyncadd.s32 $0xFFFFF800  }
0x113: {  	_ =	swait.ge [sflag:s8], $0x800  }
0x114: {  	[sflag:s8] =	ssyncset.done $0x0  }
0x115: {  	[sflag:s8] =	ssyncadd.s32 $0xFFFFF800  }
0x116: {  	[bflag:$0x0] =	sbarrier.arrive $0xFFFF  }
0x117: {  	s11 =	rddreg [dreg:$0xb]  }
0x118: {  	s6 =	rddreg [dreg:$0xc]  }
0x119: {  	s9 =	rddreg [dreg:$0xf]  }
0x11a: {  	[hbm:s6], [sflag:s11] =	dma.local [spmem:s9], $0x1900  }
0x11b: {  	_ =	swait.ge [sflag:s10], $0x1900  }
0x11c: {  	s5 =	rddreg [dreg:$0x10]  }
0x11d: {  	s6 =	sadd.s32 $0x1, s5;
	s5 =	rddreg [dreg:$0xd]  }
0x11e: {  	p0 =	sne.s32 s6, s5  }
.Ltmp1:
0x11f: {  	_ = 	snop;
	(pc) =	sbr.rel @p0 .LBB2_1-.Ltmp1, $3  }
0x120: {  	_ =	sdelay $0x1  }
0x121: {  	[sflag:s10] =	ssyncset.done $0x0  }
0x122: {  	[sflag:s10] =	ssyncadd.s32 $0xFFFFE700  }
0x123: {  	_ =	sfence.sel $0x180000  }
0x124: {  	[bflag:$0x0] =	sbarrier.arrive $0xFFFF  }
0x125: {  	_ =	strace $0x9000004A  }
0x126: {  	s0 =	stileid.u32;
	[bflag:$0x2] =	sbarrier.arrive $0xFFFF  }
0x127: {  	p0 =	sne.s32 s0, $0x0;
	s0 =	rddreg [dreg:$0x3]  }
0x128: {  	s0 =	sadd.s32 @!p0 $0x100000, s0  }
0x129: {  	[sflag:s0] =	ssyncadd.tile.s32 @!p0 $0x1;
	_ =	shalt  }
.Lfunc_end2:
_tile_overlayer_lowered:
.L_overlay_start_2:
0x12a: {  	(tag) =	ssettag $0x2  }
0x12b: {  	s0 =	rddreg [dreg:$0x0];
	s2 =	stileid.u32  }
0x12c: {  	s1 =	rddreg [dreg:$0x1];
	p0 =	sne.s32 s2, $0x0  }
0x12d: {  	s3 =	rddreg [dreg:$0x2];
	[bflag:$0x3] =	sbarrier.arrive $0xFFFF;
	s2 =	simm.s32 @!p0 $0x1C03  }
0x12e: {  	[timem:s3], [sflag:s2] =	dma.local @!p0 [hbm:s0], s1  }
0x12f: {  	s0 =	simm.s32 @!p0 $0x3  }
0x130: {  	_ =	swait.ge @!p0 [sflag:s0], s1  }
0x131: {  	s1 =	ssub.s32 @!p0 $0x0, s1;
	[sflag:s0] =	ssyncset.done @!p0 $0x0  }
0x132: {  	[sflag:s0] =	ssyncadd.s32 @!p0 s1  }
0x133: {  	[bflag:$0x3] =	sbarrier.arrive $0xFFFF  }
0x134: {  	_ =	shalt  }

// kernel: kernel.14.cloned.1.call-start
scs
__scs_entry_jumppad:
0x0: {  	(pc) =	sbr.rel $0x88, $3  }
0x1: {  	(tag) =	ssettag $0x0;
	lr =	simm.s32 $0x1  }
0x2: {  	[smem:$0x3F9B] =	sst lr;
	_ =	strace $0xD0000000  }
0x3: {  	_ = 	snop  }
0x4: {  	_ = 	snop  }
0x5: {  	_ = 	snop  }
0x6: {  	_ = 	snop  }
0x7: {  	_ = 	snop  }
__scs_overlays_trampoline_lowered:
0x8: {  	[smem:$0x3FAA] =	sst s0  }
0x9: {  	[smem:$0x3FAB] =	sst s1  }
0xa: {  	[smem:$0x3FAC] =	sst s2  }
0xb: {  	[smem:$0x3FAD] =	sst s3  }
0xc: {  	[smem:$0x3FAE] =	sst s4  }
0xd: {  	[smem:$0x3FAF] =	sst s5  }
0xe: {  	[smem:$0x3FB0] =	sst s6  }
0xf: {  	[smem:$0x3FB1] =	sst s7  }
0x10: {  	[smem:$0x3FB2] =	sst s8  }
0x11: {  	[smem:$0x3FB3] =	sst s9;
	s0 =	simm.s32 @!p0 $0x0  }
0x12: {  	s1 =	sld [smem:$0x3F99];
	s0 =	simm.s32 @p0 $0x1  }
0x13: {  	[smem:$0x3FB4] =	sst s0;
	s0 =	simm.s32 @!p1 $0x0  }
0x14: {  	s2 =	sld [smem:$0x3F98];
	s0 =	simm.s32 @p1 $0x1  }
0x15: {  	[smem:$0x3FB5] =	sst s0;
	s0 =	simm.s32 @!p2 $0x0  }
0x16: {  	s3 =	sld [smem:$0x3FDB];
	s0 =	simm.s32 @p2 $0x1  }
0x17: {  	s4 =	simm.s32 $0x1BF5;
	[smem:$0x3FB7] =	sst s0  }
0x18: {  	s0 =	sld [smem:$0x3F9A];
	_ =	swait.ge [sflag:s4], $0x0  }
0x19: {  	s7 =	sld [smem:$0x3F9B]  }
0x1a: {  	s8 =	sadd.s32 $0xFFFFE003, lr  }
0x1b: {  	s9 =	sadd.s32 $0xFFFFFEF7, lr;
	s5 =	simm.s32 $0xFFFFFFFF;
	p2 =	slt.u32 s8, $0xFFFFF086  }
0x1c: {  	p1 =	slt.u32 s9, $0xF7A;
	s5 =	simm.s32 @!p2 $0x0  }
0x1d: {  	s5 =	simm.s32 @p1 $0x1;
	p0 =	seq.s32 s7, s2  }
0x1e: {  	s7 =	smul.u32 @!p0 $0xF7A, s2;
	p2 =	seq.s32 @!p0 s5, $0x0  }
0x1f: {  	s9 =	smul.u32 $0xF7A, s1;
	s8 =	simm.s32 @!p0 $0x1BF5;
	p2 =	por !p2, p0  }
0x20: {  	[sflag:s8] =	ssyncset.s32 @!p0 $0xFFFFF086;
	s6 =	sadd.s32 @!p0 s3, s7;
	s7 =	simm.s32 @!p0 $0x108  }
0x21: {  	s3 =	sadd.s32 s3, s9;
	s6 =	sadd.s32 @!p0 $0x88, s6;
	s7 =	simm.s32 @p2 $0x1082  }
0x22: {  	[simem:s7], [sflag:s8] =	dma.local @!p0 [hbm:s6], $0xF7A  }
0x23: {  	s9 =	sor.u32 $0xD0000000, s2;
	s6 =	simm.s32 $0x108;
	_ =	swait.ge @!p0 [sflag:s8], $0x0  }
0x24: {  	s3 =	sadd.s32 $0x88, s3;
	s6 =	simm.s32 @!p1 $0x1082;
	[sflag:s4] =	ssyncset.s32 $0xFFFFF086  }
0x25: {  	[simem:s6], [sflag:s4] =	dma.local [hbm:s3], $0xF7A  }
0x26: {  	[smem:$0x3F9B] =	sst s1;
	(tag) =	ssettag s2;
	_ =	strace s9  }
0x27: {  	s1 =	sld [smem:$0x3FAB]  }
0x28: {  	s2 =	sld [smem:$0x3FAC]  }
0x29: {  	s4 =	sld [smem:$0x3FAE]  }
0x2a: {  	p0 =	seq.s32 s5, $0x0;
	s5 =	sld [smem:$0x3FAF]  }
0x2b: {  	s6 =	sld [smem:$0x3FB0]  }
0x2c: {  	s7 =	sld [smem:$0x3FB1]  }
0x2d: {  	s3 =	simm.s32 $0x108;
	s8 =	sld [smem:$0x3FB2]  }
0x2e: {  	s3 =	simm.s32 @!p0 $0x1082;
	s9 =	sld [smem:$0x3FB3]  }
0x2f: {  	lr =	sadd.s32 s0, s3;
	s0 =	sld [smem:$0x3FAA]  }
0x30: {  	s3 =	sld [smem:$0x3FAD]  }
0x31: {  	[smem:$0x3FB6] =	sst s10  }
0x32: {  	s10 =	sld [smem:$0x3FB4];
	_ =	sdelay $0x3  }
0x33: {  	p0 =	seq.s32 s10, $0x1;
	s10 =	sld [smem:$0x3FB6];
	_ =	sdelay $0x3  }
0x34: {  	[smem:$0x3FB6] =	sst s10  }
0x35: {  	s10 =	sld [smem:$0x3FB5];
	_ =	sdelay $0x3  }
0x36: {  	p1 =	seq.s32 s10, $0x1;
	s10 =	sld [smem:$0x3FB6];
	_ =	sdelay $0x3  }
0x37: {  	[smem:$0x3FB6] =	sst s10  }
0x38: {  	s10 =	sld [smem:$0x3FB7]  }
0x39: {  	_ = 	snop;
	(pc) =	sbr.ind lr, $3  }
0x3a: {  	_ = 	snop  }
0x3b: {  	_ = 	snop  }
0x3c: {  	p2 =	seq.s32 s10, $0x1;
	s10 =	sld [smem:$0x3FB6]  }
0x3d: {  	_ =	shalt  }
0x3e: {  	_ =	shalt  }
0x3f: {  	_ =	shalt  }
0x40: {  	_ =	shalt  }
0x41: {  	_ =	shalt  }
0x42: {  	_ =	shalt  }
0x43: {  	_ =	shalt  }
0x44: {  	_ =	shalt  }
0x45: {  	_ =	shalt  }
0x46: {  	_ =	shalt  }
0x47: {  	_ =	shalt  }
0x48: {  	_ =	shalt  }
0x49: {  	_ =	shalt  }
0x4a: {  	_ =	shalt  }
0x4b: {  	_ =	shalt  }
0x4c: {  	_ =	shalt  }
0x4d: {  	_ =	shalt  }
0x4e: {  	_ =	shalt  }
0x4f: {  	_ =	shalt  }
0x50: {  	_ =	shalt  }
0x51: {  	_ =	shalt  }
0x52: {  	_ =	shalt  }
0x53: {  	_ =	shalt  }
0x54: {  	_ =	shalt  }
0x55: {  	_ =	shalt  }
0x56: {  	_ =	shalt  }
0x57: {  	_ =	shalt  }
0x58: {  	_ =	shalt  }
0x59: {  	_ =	shalt  }
0x5a: {  	_ =	shalt  }
0x5b: {  	_ =	shalt  }
0x5c: {  	_ =	shalt  }
0x5d: {  	_ =	shalt  }
0x5e: {  	_ =	shalt  }
0x5f: {  	_ =	shalt  }
0x60: {  	_ =	shalt  }
0x61: {  	_ =	shalt  }
0x62: {  	_ =	shalt  }
0x63: {  	_ =	shalt  }
0x64: {  	_ =	shalt  }
0x65: {  	_ =	shalt  }
0x66: {  	_ =	shalt  }
0x67: {  	_ =	shalt  }
0x68: {  	_ =	shalt  }
0x69: {  	_ =	shalt  }
0x6a: {  	_ =	shalt  }
0x6b: {  	_ =	shalt  }
0x6c: {  	_ =	shalt  }
0x6d: {  	_ =	shalt  }
0x6e: {  	_ =	shalt  }
0x6f: {  	_ =	shalt  }
0x70: {  	_ =	shalt  }
0x71: {  	_ =	shalt  }
0x72: {  	_ =	shalt  }
0x73: {  	_ =	shalt  }
0x74: {  	_ =	shalt  }
0x75: {  	_ =	shalt  }
0x76: {  	_ =	shalt  }
0x77: {  	_ =	shalt  }
0x78: {  	_ =	shalt  }
0x79: {  	_ =	shalt  }
0x7a: {  	_ =	shalt  }
0x7b: {  	_ =	shalt  }
0x7c: {  	_ =	shalt  }
0x7d: {  	_ =	shalt  }
0x7e: {  	_ =	shalt  }
0x7f: {  	_ =	shalt  }
0x80: {  	_ =	shalt  }
0x81: {  	_ =	shalt  }
0x82: {  	_ =	shalt  }
0x83: {  	_ =	shalt  }
0x84: {  	_ =	shalt  }
0x85: {  	_ =	shalt  }
0x86: {  	_ =	shalt  }
0x87: {  	_ =	shalt  }
.Lfunc_end0:
.L_simem_size_0:
called_computation.2_lowered:
.L_overlay_start_0:
0x88: {  	s2 =	sld [smem:$0x3FD9]  }
0x89: {  	s3 =	sld [smem:$0x3FFE];
	_ =	sdelay $0x1  }
0x8a: {  	s1 =	srdreg.scid  }
0x8b: {  	s0 =	sand.u32 $0x1, s1  }
0x8c: {  	s16 =	sshll.u32 s0, $0xA;
	s2 =	sadd.s32 s3, s2  }
0x8d: {  	s2 =	sadd.s32 s2, s16  }
0x8e: {  	[smem:$0x3FC2] =	sst s2  }
0x8f: {  	_ = 	snop  }
0x90: {  	(tm) =	ssettm $0x1  }
0x91: {  	s17 =	sld [smem:$0x3FFB];
	_ =	sdelay $0x3  }
0x92: {  	_ =	strace s17  }
0x93: {  	s2 =	sld [smem:$0x3FFC];
	_ =	sdelay $0x3  }
0x94: {  	_ =	strace s2  }
0x95: {  	s2 =	sld [smem:$0x3FFD];
	_ =	sdelay $0x3  }
0x96: {  	_ =	strace s2  }
0x97: {  	_ =	strace $0x8FFFFFFF  }
0x98: {  	s18 =	sld [smem:$0x3FDB];
	_ =	sdelay $0x1  }
0x99: {  	s19 =	simm.s32 $_scs_section_size  }
0x9a: {  	s4 =	simm.s32 $_size__tile_overlayer_lowered;
	s5 =	simm.s32 $_tile_overlayer_lowered  }
0x9b: {  	s22 =	simm.s32 $0x1BFF;
	s21 =	sshll.u32 s5, $0x1;
	s2 =	sadd.s32 s19, s18  }
0x9c: {  	s6 =	simm.s32 $0x0;
	s20 =	sshll.u32 s4, $0x1;
	s4 =	sadd.s32 s21, s2  }
0x9d: {  	[timem:s6], [sflag:s22] =	dma.local [hbm:s4], s20  }
0x9e: {  	_ =	swait.ge [sflag:s22], s20  }
0x9f: {  	s3 =	ssub.s32 $0x0, s20;
	[sflag:s22] =	ssyncset.done $0x0  }
0xa0: {  	[sflag:s22] =	ssyncadd.s32 s3;
	_ =	sdelay $0x1  }
0xa1: {  	s23 =	simm.s32 $0x1B8B  }
0xa2: {  	_ =	swait.ge [sflag:s23], $0x1  }
0xa3: {  	[sflag:s23] =	ssyncset.done $0x0  }
0xa4: {  	s25 =	simm.s32 $0x1B8E;
	s24 =	sld [smem:$0x3FFE];
	[sflag:s23] =	ssyncadd.s32 $0xFFFFFFFF  }
0xa5: {  	s26 =	simm.s32 $execute0_lowered;
	[smem:$0x3FD2] =	sst s25  }
0xa6: {  	s4 =	sshll.u32 s26, $0x1;
	_ =	strace $0x8000004C;
	[dreg:$0x1] =	wrdreg $0xFFFFFFFF  }
0xa7: {  	s28 =	simm.s32 $_size_execute0_lowered;
	s2 =	sadd.s32 s2, s4;
	[dreg:$0x0] =	wrdreg $0x0  }
0xa8: {  	s4 =	sshll.u32 s28, $0x1;
	[dreg:$0x2] =	wrdreg s2  }
0xa9: {  	[dreg:$0x3] =	wrdreg s4  }
0xaa: {  	[dreg:$0x4] =	wrdreg $0xC0  }
0xab: {  	_ =	task [dreg:s6], $0x5FFFF  }
0xac: {  	[dreg:$0x1] =	wrdreg $0xFFFFFFFF  }
0xad: {  	[dreg:$0x0] =	wrdreg $0x60  }
0xae: {  	[dreg:$0x2] =	wrdreg s24  }
0xaf: {  	[dreg:$0x3] =	wrdreg $0x0  }
0xb0: {  	[dreg:$0x4] =	wrdreg $0xC8000  }
0xb1: {  	[dreg:$0x5] =	wrdreg $0x9  }
0xb2: {  	_ =	task.clear_ibuf [dreg:s6], $0x6FFFF;
	_ =	strace $0x9000004C  }
0xb3: {  	s29 =	simm.s32 $0x9;
	_ =	strace $0x8000004E  }
0xb4: {  	_ =	swait.ge [sflag:s29], $0x1  }
0xb5: {  	[sflag:s29] =	ssyncadd.s32 $0xFFFFFFFF  }
0xb6: {  	_ =	strace $0x9000004E  }
0xb7: {  	_ =	sfence  }
0xb8: {  	s30 =	sld [smem:$0x0];
	_ =	sdelay $0x2  }
0xb9: {  	s31 =	sshll.u32 s1, $0xD;
	s1 =	sshrl.u32 s1, $0x2  }
0xba: {  	s3 =	sand.u32 $0x4000, s31;
	s1 =	sadd.s32 s1, s30  }
0xbb: {  	s0 =	sor.u32 s3, s0;
	s1 =	sshll.u32 s1, $0x11  }
0xbc: {  	s0 =	sor.u32 s1, s0  }
0xbd: {  	s0 =	sadd.s32 $0x8F2B, s0  }
0xbe: {  	[sflag:s0] =	ssyncadd.remote.s32 $0x1  }
0xbf: {  	_ =	sfence.sel $0xFFFF  }
0xc0: {  	[dreg:$0x0] =	wrdreg $0xFFFFFFFF;
	(pc) =	sbr.abs _section_cstart, $3  }
0xc1: {  	[dreg:$0x1] =	wrdreg $0xFFFFFFFF  }
0xc2: {  	_ =	task.clear_ibuf [dreg:s6], $0x2FFFF;
	_ =	strace $0x9FFFFFFF  }
0xc3: {  	(tm) =	ssettm $0x7FFFFFFF  }
tec
execute0_lowered:
.L_overlay_start_1:
0x0: {  	(tag) =	ssettag $0x1  }
0x1: {  	s0 =	rddreg [dreg:$0x0]  }
0x2: {  	s2 =	rddreg [dreg:$0x1];
	s10 =	stileid.u32  }
0x3: {  	s1 =	srdreg.scid;
	s3 =	rddreg [dreg:$0x2];
	s4 =	simm.s32 $0x0  }
0x4: {  	s12 =	simm.s32 $0x19000;
	s13 =	simm.s32 $0x19800;
	s14 =	simm.s32 $0x100  }
0x5: {  	s15 =	simm.s32 $0x1A000;
	s23 =	simm.s32 $0x19100;
	s16 =	simm.s32 $0x1A800  }
0x6: {  	s24 =	simm.s32 $0x19200;
	s25 =	simm.s32 $0x19300;
	s26 =	simm.s32 $0x19400  }
0x7: {  	s28 =	simm.s32 $0x19900;
	s29 =	simm.s32 $0x19A00;
	s30 =	simm.s32 $0x19B00  }
0x8: {  	s31 =	simm.s32 $0x19C00;
	s5 =	smul.u32 $0xC800, s10;
	s1 =	sand.u32 $0x1, s1  }
0x9: {  	[smem:$0x7FF] =	sst s4;
	s9 =	smul.u32 $0x3200, s10;
	s10 =	sshll.u32 s10, $0x6  }
0xa: {  	s6 =	smul.u32 $0xC8000, s1;
	_ =	strace $0x8000004D;
	[dreg:$0x6] =	wrdreg s23  }
0xb: {  	s8 =	smul.u32 $0x32000, s1;
	s1 =	ssub.s32 $0x2, s1;
	[dreg:$0x7] =	wrdreg s24  }
0xc: {  	s11 =	sor.u32 $0x1C03, s10;
	s10 =	simm.s32 $0x3;
	[dreg:$0x8] =	wrdreg s25  }
0xd: {  	[dreg:$0x9] =	wrdreg s26;
	s23 =	simm.s32 $0x1D000;
	s24 =	simm.s32 $0x19700  }
0xe: {  	s25 =	simm.s32 $0x1D800;
	s26 =	simm.s32 $0x1;
	s7 =	sshrl.u32 s5, $0x3  }
0xf: {  	s17 =	sshrl.u32 s1, $0x1;
	s18 =	sadd.s32 s5, s2;
	[dreg:$0xb] =	wrdreg s11  }
0x10: {  	s7 =	sadd.s32 s7, s0;
	s6 =	sadd.s32 s5, s6;
	s8 =	sadd.s32 s8, s0  }
0x11: {  	s1 =	ssub.s32 s1, s17;
	s5 =	sadd.s32 s5, s3;
	s22 =	sshrl.u32 s18, $0x3  }
0x12: {  	s17 =	simm.s32 $0x1B000;
	s18 =	simm.s32 $0x1B800;
	s6 =	sshrl.u32 s6, $0x3  }
0x13: {  	s7 =	sadd.s32 $0x259A00, s7;
	s19 =	sadd.s32 s9, s8;
	s1 =	smax.u32 s1, $0x1  }
0x14: {  	[dreg:$0xe] =	wrdreg s22;
	s9 =	sshrl.u32 s5, $0x3;
	s22 =	simm.s32 $0x19600  }
0x15: {  	s8 =	simm.s32 $0x2;
	s0 =	sadd.s32 s6, s0;
	[dreg:$0xa] =	wrdreg s7  }
0x16: {  	s20 =	sadd.s32 $0x1A00, s19;
	[dreg:$0xd] =	wrdreg s1;
	s21 =	sadd.s32 $0x65A00, s19  }
0x17: {  	s19 =	simm.s32 $0x1C000;
	s1 =	simm.s32 $0x19D00;
	[dreg:$0xf] =	wrdreg s9  }
0x18: {  	s7 =	simm.s32 $0x19F00;
	s6 =	simm.s32 $0x0;
	[dreg:$0x4] =	wrdreg s20  }
0x19: {  	s0 =	sadd.s32 $0x272A00, s0;
	[dreg:$0x5] =	wrdreg s21;
	s20 =	simm.s32 $0x19500  }
0x1a: {  	s21 =	simm.s32 $0x1C800;
	[dreg:$0xc] =	wrdreg s0;
	s0 =	simm.s32 $0x19E00  }
.LBB2_1:
0x1b: {  	[dreg:$0x10] =	wrdreg s6  }
0x1c: {  	s5 =	rddreg [dreg:$0xa]  }
0x1d: {  	s6 =	rddreg [dreg:$0xe]  }
0x1e: {  	[spmem:s6], [sflag:s11] =	dma.local [hbm:s5], $0x1900  }
0x1f: {  	_ =	swait.ge [sflag:s10], $0x1900  }
0x20: {  	[sflag:s10] =	ssyncset.done $0x0  }
0x21: {  	[sflag:s10] =	ssyncadd.s32 $0xFFFFE700  }
0x22: {  	[spmem:s9], [sflag:s11] =	dma.local [hbm:s5], $0x1900  }
0x23: {  	_ =	swait.ge [sflag:s10], $0x1900  }
0x24: {  	[sflag:s10] =	ssyncset.done $0x0  }
0x25: {  	[sflag:s10] =	ssyncadd.s32 $0xFFFFE700  }
0x26: {  	[bflag:$0x0] =	sbarrier.arrive $0xFFFF  }
0x27: {  	s11 =	rddreg [dreg:$0x4]  }
0x28: {  	s5 =	sadd.s32 $0x0, s11  }
0x29: {  	[tilespmem:s12], [sflag:$0x3] =	stream.linear.gather [hbm4b:s5+s4], $0x800, $0x38;
	[tilespmem:$0x1E000] =	vst v63  }
0x2a: {  	_ =	swait.ge [sflag:s10], $0x800  }
0x2b: {  	s6 =	rddreg [dreg:$0x5];
	[sflag:s10] =	ssyncset.done $0x0  }
0x2c: {  	[sflag:s10] =	ssyncadd.s32 $0xFFFFF800;
	s5 =	sadd.s32 $0x0, s6  }
0x2d: {  	[tilespmem:s13], [sflag:$0x3] =	stream.linear.gather [hbm4b:s5+s4], $0x800, $0x38;
	[tilespmem:$0x1E000] =	vst v63  }
0x2e: {  	_ =	swait.ge [sflag:s10], $0x800  }
0x2f: {  	[sflag:s10] =	ssyncset.done $0x0  }
0x30: {  	[sflag:s10] =	ssyncadd.s32 $0xFFFFF800  }
0x31: {  	[tilespmem:s15], [sflag:$0x1] =	stream.indirect.gather [spmem:s2], $0x8, s12, s14, $0xb8;
	[tilespmem:$0x1E000] =	vst v63  }
0x32: {  	s9 =	rddreg [dreg:$0x6]  }
0x33: {  	[tilespmem:s16], [sflag:$0x1] =	stream.indirect.gather [spmem:s2], $0x8, s9, s14, $0xb8;
	[tilespmem:$0x1E000] =	vst v63  }
0x34: {  	s11 =	rddreg [dreg:$0x7]  }
0x35: {  	[tilespmem:s17], [sflag:$0x1] =	stream.indirect.gather [spmem:s2], $0x8, s11, s14, $0xb8;
	[tilespmem:$0x1E000] =	vst v63  }
0x36: {  	s9 =	rddreg [dreg:$0x8]  }
0x37: {  	[tilespmem:s18], [sflag:$0x1] =	stream.indirect.gather [spmem:s2], $0x8, s9, s14, $0xb8;
	[tilespmem:$0x1E000] =	vst v63  }
0x38: {  	s11 =	rddreg [dreg:$0x9]  }
0x39: {  	[tilespmem:s19], [sflag:$0x1] =	stream.indirect.gather [spmem:s2], $0x8, s11, s14, $0xb8;
	[tilespmem:$0x1E000] =	vst v63  }
0x3a: {  	_ = 	snop  }
0x3b: {  	[tilespmem:s21], [sflag:$0x1] =	stream.indirect.gather [spmem:s2], $0x8, s20, s14, $0xb8;
	[tilespmem:$0x1E000] =	vst v63  }
0x3c: {  	_ = 	snop  }
0x3d: {  	[tilespmem:s23], [sflag:$0x1] =	stream.indirect.gather [spmem:s2], $0x8, s22, s14, $0xb8;
	[tilespmem:$0x1E000] =	vst v63  }
0x3e: {  	_ = 	snop  }
0x3f: {  	[tilespmem:s25], [sflag:$0x1] =	stream.indirect.gather [spmem:s2], $0x8, s24, s14, $0xb8;
	[tilespmem:$0x1E000] =	vst v63  }
0x40: {  	_ =	swait.ge [sflag:s26], $0x800  }
0x41: {  	[sflag:s26] =	ssyncset.done $0x0  }
0x42: {  	[sflag:s26] =	ssyncadd.s32 $0xFFFFF800  }
0x43: {  	[spmem:s3] =	stream.indirect.scatter.add.f32 [tilespmem:s15], [sflag:$0x2], $0x8, s13, s14, $0xb8;
	[tilespmem:$0x1E000] =	vst v63  }
0x44: {  	_ =	swait.ge [sflag:s26], $0x800  }
0x45: {  	[sflag:s26] =	ssyncset.done $0x0  }
0x46: {  	[sflag:s26] =	ssyncadd.s32 $0xFFFFF800  }
0x47: {  	[spmem:s3] =	stream.indirect.scatter.add.f32 [tilespmem:s16], [sflag:$0x2], $0x8, s28, s14, $0xb8;
	[tilespmem:$0x1E000] =	vst v63  }
0x48: {  	_ =	swait.ge [sflag:s26], $0x800  }
0x49: {  	[sflag:s26] =	ssyncset.done $0x0  }
0x4a: {  	[sflag:s26] =	ssyncadd.s32 $0xFFFFF800  }
0x4b: {  	[spmem:s3] =	stream.indirect.scatter.add.f32 [tilespmem:s17], [sflag:$0x2], $0x8, s29, s14, $0xb8;
	[tilespmem:$0x1E000] =	vst v63  }
0x4c: {  	_ =	swait.ge [sflag:s26], $0x800  }
0x4d: {  	[sflag:s26] =	ssyncset.done $0x0  }
0x4e: {  	[sflag:s26] =	ssyncadd.s32 $0xFFFFF800  }
0x4f: {  	[spmem:s3] =	stream.indirect.scatter.add.f32 [tilespmem:s18], [sflag:$0x2], $0x8, s30, s14, $0xb8;
	[tilespmem:$0x1E000] =	vst v63  }
0x50: {  	_ =	swait.ge [sflag:s26], $0x800  }
0x51: {  	[sflag:s26] =	ssyncset.done $0x0  }
0x52: {  	[sflag:s26] =	ssyncadd.s32 $0xFFFFF800  }
0x53: {  	[spmem:s3] =	stream.indirect.scatter.add.f32 [tilespmem:s19], [sflag:$0x2], $0x8, s31, s14, $0xb8;
	[tilespmem:$0x1E000] =	vst v63  }
0x54: {  	_ =	swait.ge [sflag:s26], $0x800  }
0x55: {  	[sflag:s26] =	ssyncset.done $0x0  }
0x56: {  	[sflag:s26] =	ssyncadd.s32 $0xFFFFF800  }
0x57: {  	[spmem:s3] =	stream.indirect.scatter.add.f32 [tilespmem:s21], [sflag:$0x2], $0x8, s1, s14, $0xb8;
	[tilespmem:$0x1E000] =	vst v63  }
0x58: {  	_ =	swait.ge [sflag:s26], $0x800  }
0x59: {  	[sflag:s26] =	ssyncset.done $0x0  }
0x5a: {  	[sflag:s26] =	ssyncadd.s32 $0xFFFFF800  }
0x5b: {  	[spmem:s3] =	stream.indirect.scatter.add.f32 [tilespmem:s23], [sflag:$0x2], $0x8, s0, s14, $0xb8;
	[tilespmem:$0x1E000] =	vst v63  }
0x5c: {  	_ =	swait.ge [sflag:s26], $0x800  }
0x5d: {  	[sflag:s26] =	ssyncset.done $0x0  }
0x5e: {  	[sflag:s26] =	ssyncadd.s32 $0xFFFFF800  }
0x5f: {  	[spmem:s3] =	stream.indirect.scatter.add.f32 [tilespmem:s25], [sflag:$0x2], $0x8, s7, s14, $0xb8;
	[tilespmem:$0x1E000] =	vst v63  }
0x60: {  	_ =	swait.ge [sflag:s8], $0x800  }
0x61: {  	[sflag:s8] =	ssyncset.done $0x0  }
0x62: {  	[sflag:s8] =	ssyncadd.s32 $0xFFFFF800  }
0x63: {  	_ =	swait.ge [sflag:s8], $0x800  }
0x64: {  	[sflag:s8] =	ssyncset.done $0x0  }
0x65: {  	[sflag:s8] =	ssyncadd.s32 $0xFFFFF800  }
0x66: {  	_ =	swait.ge [sflag:s8], $0x800  }
0x67: {  	[sflag:s8] =	ssyncset.done $0x0  }
0x68: {  	[sflag:s8] =	ssyncadd.s32 $0xFFFFF800  }
0x69: {  	_ =	swait.ge [sflag:s8], $0x800  }
0x6a: {  	[sflag:s8] =	ssyncset.done $0x0  }
0x6b: {  	[sflag:s8] =	ssyncadd.s32 $0xFFFFF800  }
0x6c: {  	_ =	swait.ge [sflag:s8], $0x800  }
0x6d: {  	[sflag:s8] =	ssyncset.done $0x0  }
0x6e: {  	[sflag:s8] =	ssyncadd.s32 $0xFFFFF800  }
0x6f: {  	_ =	swait.ge [sflag:s8], $0x800  }
0x70: {  	[sflag:s8] =	ssyncset.done $0x0  }
0x71: {  	[sflag:s8] =	ssyncadd.s32 $0xFFFFF800  }
0x72: {  	_ =	swait.ge [sflag:s8], $0x800  }
0x73: {  	[sflag:s8] =	ssyncset.done $0x0  }
0x74: {  	[sflag:s8] =	ssyncadd.s32 $0xFFFFF800  }
0x75: {  	s5 =	simm.s32 $0x100;
	_ =	swait.ge [sflag:s8], $0x800  }
0x76: {  	s11 =	simm.s32 $0x200;
	s6 =	rddreg [dreg:$0x4];
	[sflag:s8] =	ssyncset.done $0x0  }
.LBB2_2:
0x77: {  	[sflag:s8] =	ssyncadd.s32 $0xFFFFF800;
	s6 =	sadd.s32 s5, s6  }
0x78: {  	[tilespmem:s12], [sflag:$0x3] =	stream.linear.gather [hbm4b:s6+s4], $0x800, $0x38;
	[tilespmem:$0x1E000] =	vst v63  }
0x79: {  	_ =	swait.ge [sflag:s10], $0x800  }
0x7a: {  	s6 =	rddreg [dreg:$0x5];
	[sflag:s10] =	ssyncset.done $0x0  }
0x7b: {  	[sflag:s10] =	ssyncadd.s32 $0xFFFFF800;
	s6 =	sadd.s32 s5, s6  }
0x7c: {  	[tilespmem:s13], [sflag:$0x3] =	stream.linear.gather [hbm4b:s6+s4], $0x800, $0x38;
	[tilespmem:$0x1E000] =	vst v63  }
0x7d: {  	_ =	swait.ge [sflag:s10], $0x800  }
0x7e: {  	[sflag:s10] =	ssyncset.done $0x0  }
0x7f: {  	[sflag:s10] =	ssyncadd.s32 $0xFFFFF800  }
0x80: {  	[tilespmem:s15], [sflag:$0x1] =	stream.indirect.gather [spmem:s2], $0x8, s12, s14, $0xb8;
	[tilespmem:$0x1E000] =	vst v63  }
0x81: {  	s9 =	smov.u32 s11;
	s6 =	rddreg [dreg:$0x6]  }
0x82: {  	[tilespmem:s16], [sflag:$0x1] =	stream.indirect.gather [spmem:s2], $0x8, s6, s14, $0xb8;
	[tilespmem:$0x1E000] =	vst v63  }
0x83: {  	s5 =	smov.u32 s9;
	s9 =	rddreg [dreg:$0x7]  }
0x84: {  	[tilespmem:s17], [sflag:$0x1] =	stream.indirect.gather [spmem:s2], $0x8, s9, s14, $0xb8;
	[tilespmem:$0x1E000] =	vst v63  }
0x85: {  	s6 =	rddreg [dreg:$0x8]  }
0x86: {  	[tilespmem:s18], [sflag:$0x1] =	stream.indirect.gather [spmem:s2], $0x8, s6, s14, $0xb8;
	[tilespmem:$0x1E000] =	vst v63  }
0x87: {  	s9 =	rddreg [dreg:$0x9]  }
0x88: {  	[tilespmem:s19], [sflag:$0x1] =	stream.indirect.gather [spmem:s2], $0x8, s9, s14, $0xb8;
	[tilespmem:$0x1E000] =	vst v63  }
0x89: {  	_ = 	snop  }
0x8a: {  	[tilespmem:s21], [sflag:$0x1] =	stream.indirect.gather [spmem:s2], $0x8, s20, s14, $0xb8;
	[tilespmem:$0x1E000] =	vst v63  }
0x8b: {  	_ = 	snop  }
0x8c: {  	[tilespmem:s23], [sflag:$0x1] =	stream.indirect.gather [spmem:s2], $0x8, s22, s14, $0xb8;
	[tilespmem:$0x1E000] =	vst v63  }
0x8d: {  	_ = 	snop  }
0x8e: {  	[tilespmem:s25], [sflag:$0x1] =	stream.indirect.gather [spmem:s2], $0x8, s24, s14, $0xb8;
	[tilespmem:$0x1E000] =	vst v63  }
0x8f: {  	_ =	swait.ge [sflag:s26], $0x800  }
0x90: {  	[sflag:s26] =	ssyncset.done $0x0  }
0x91: {  	[sflag:s26] =	ssyncadd.s32 $0xFFFFF800  }
0x92: {  	[spmem:s3] =	stream.indirect.scatter.add.f32 [tilespmem:s15], [sflag:$0x2], $0x8, s13, s14, $0xb8;
	[tilespmem:$0x1E000] =	vst v63  }
0x93: {  	_ =	swait.ge [sflag:s26], $0x800  }
0x94: {  	[sflag:s26] =	ssyncset.done $0x0  }
0x95: {  	[sflag:s26] =	ssyncadd.s32 $0xFFFFF800  }
0x96: {  	[spmem:s3] =	stream.indirect.scatter.add.f32 [tilespmem:s16], [sflag:$0x2], $0x8, s28, s14, $0xb8;
	[tilespmem:$0x1E000] =	vst v63  }
0x97: {  	_ =	swait.ge [sflag:s26], $0x800  }
0x98: {  	[sflag:s26] =	ssyncset.done $0x0  }
0x99: {  	[sflag:s26] =	ssyncadd.s32 $0xFFFFF800  }
0x9a: {  	[spmem:s3] =	stream.indirect.scatter.add.f32 [tilespmem:s17], [sflag:$0x2], $0x8, s29, s14, $0xb8;
	[tilespmem:$0x1E000] =	vst v63  }
0x9b: {  	_ =	swait.ge [sflag:s26], $0x800  }
0x9c: {  	[sflag:s26] =	ssyncset.done $0x0  }
0x9d: {  	[sflag:s26] =	ssyncadd.s32 $0xFFFFF800  }
0x9e: {  	[spmem:s3] =	stream.indirect.scatter.add.f32 [tilespmem:s18], [sflag:$0x2], $0x8, s30, s14, $0xb8;
	[tilespmem:$0x1E000] =	vst v63  }
0x9f: {  	_ =	swait.ge [sflag:s26], $0x800  }
0xa0: {  	[sflag:s26] =	ssyncset.done $0x0  }
0xa1: {  	[sflag:s26] =	ssyncadd.s32 $0xFFFFF800  }
0xa2: {  	[spmem:s3] =	stream.indirect.scatter.add.f32 [tilespmem:s19], [sflag:$0x2], $0x8, s31, s14, $0xb8;
	[tilespmem:$0x1E000] =	vst v63  }
0xa3: {  	_ =	swait.ge [sflag:s26], $0x800  }
0xa4: {  	[sflag:s26] =	ssyncset.done $0x0  }
0xa5: {  	[sflag:s26] =	ssyncadd.s32 $0xFFFFF800  }
0xa6: {  	[spmem:s3] =	stream.indirect.scatter.add.f32 [tilespmem:s21], [sflag:$0x2], $0x8, s1, s14, $0xb8;
	[tilespmem:$0x1E000] =	vst v63  }
0xa7: {  	_ =	swait.ge [sflag:s26], $0x800  }
0xa8: {  	[sflag:s26] =	ssyncset.done $0x0  }
0xa9: {  	[sflag:s26] =	ssyncadd.s32 $0xFFFFF800  }
0xaa: {  	[spmem:s3] =	stream.indirect.scatter.add.f32 [tilespmem:s23], [sflag:$0x2], $0x8, s0, s14, $0xb8;
	[tilespmem:$0x1E000] =	vst v63  }
0xab: {  	_ =	swait.ge [sflag:s26], $0x800  }
0xac: {  	[sflag:s26] =	ssyncset.done $0x0  }
0xad: {  	[sflag:s26] =	ssyncadd.s32 $0xFFFFF800  }
0xae: {  	[spmem:s3] =	stream.indirect.scatter.add.f32 [tilespmem:s25], [sflag:$0x2], $0x8, s7, s14, $0xb8;
	[tilespmem:$0x1E000] =	vst v63  }
0xaf: {  	_ =	swait.ge [sflag:s8], $0x800  }
0xb0: {  	[sflag:s8] =	ssyncset.done $0x0  }
0xb1: {  	[sflag:s8] =	ssyncadd.s32 $0xFFFFF800  }
0xb2: {  	_ =	swait.ge [sflag:s8], $0x800  }
0xb3: {  	[sflag:s8] =	ssyncset.done $0x0  }
0xb4: {  	[sflag:s8] =	ssyncadd.s32 $0xFFFFF800  }
0xb5: {  	_ =	swait.ge [sflag:s8], $0x800  }
0xb6: {  	[sflag:s8] =	ssyncset.done $0x0  }
0xb7: {  	[sflag:s8] =	ssyncadd.s32 $0xFFFFF800  }
0xb8: {  	_ =	swait.ge [sflag:s8], $0x800  }
0xb9: {  	[sflag:s8] =	ssyncset.done $0x0  }
0xba: {  	[sflag:s8] =	ssyncadd.s32 $0xFFFFF800  }
0xbb: {  	_ =	swait.ge [sflag:s8], $0x800  }
0xbc: {  	[sflag:s8] =	ssyncset.done $0x0  }
0xbd: {  	[sflag:s8] =	ssyncadd.s32 $0xFFFFF800  }
0xbe: {  	_ =	swait.ge [sflag:s8], $0x800  }
0xbf: {  	[sflag:s8] =	ssyncset.done $0x0  }
0xc0: {  	p0 =	sne.s32 s11, $0x3100;
	[sflag:s8] =	ssyncadd.s32 $0xFFFFF800  }
.Ltmp0:
0xc1: {  	_ =	swait.ge [sflag:s8], $0x800;
	(pc) =	sbr.rel @p0 .LBB2_2-.Ltmp0, $4  }
0xc2: {  	[sflag:s8] =	ssyncset.done $0x0  }
0xc3: {  	[sflag:s8] =	ssyncadd.s32 $0xFFFFF800  }
0xc4: {  	_ =	swait.ge [sflag:s8], $0x800  }
0xc5: {  	s11 =	sadd.s32 $0x100, s11;
	s6 =	rddreg [dreg:$0x4];
	[sflag:s8] =	ssyncset.done $0x0  }
0xc6: {  	[sflag:s8] =	ssyncadd.s32 $0xFFFFF800;
	s6 =	sadd.s32 s5, s6  }
0xc7: {  	[tilespmem:s12], [sflag:$0x3] =	stream.linear.gather [hbm4b:s6+s4], $0x800, $0x38;
	[tilespmem:$0x1E000] =	vst v63  }
0xc8: {  	_ =	swait.ge [sflag:s10], $0x800  }
0xc9: {  	s11 =	rddreg [dreg:$0x5];
	[sflag:s10] =	ssyncset.done $0x0  }
0xca: {  	[sflag:s10] =	ssyncadd.s32 $0xFFFFF800;
	s6 =	sadd.s32 s5, s11  }
0xcb: {  	[tilespmem:s13], [sflag:$0x3] =	stream.linear.gather [hbm4b:s6+s4], $0x800, $0x38;
	[tilespmem:$0x1E000] =	vst v63  }
0xcc: {  	_ =	swait.ge [sflag:s10], $0x800  }
0xcd: {  	[sflag:s10] =	ssyncset.done $0x0  }
0xce: {  	[sflag:s10] =	ssyncadd.s32 $0xFFFFF800  }
0xcf: {  	[tilespmem:s15], [sflag:$0x1] =	stream.indirect.gather [spmem:s2], $0x8, s12, s14, $0xb8;
	[tilespmem:$0x1E000] =	vst v63  }
0xd0: {  	s9 =	rddreg [dreg:$0x6]  }
0xd1: {  	[tilespmem:s16], [sflag:$0x1] =	stream.indirect.gather [spmem:s2], $0x8, s9, s14, $0xb8;
	[tilespmem:$0x1E000] =	vst v63  }
0xd2: {  	s11 =	rddreg [dreg:$0x7]  }
0xd3: {  	[tilespmem:s17], [sflag:$0x1] =	stream.indirect.gather [spmem:s2], $0x8, s11, s14, $0xb8;
	[tilespmem:$0x1E000] =	vst v63  }
0xd4: {  	s9 =	rddreg [dreg:$0x8]  }
0xd5: {  	[tilespmem:s18], [sflag:$0x1] =	stream.indirect.gather [spmem:s2], $0x8, s9, s14, $0xb8;
	[tilespmem:$0x1E000] =	vst v63  }
0xd6: {  	s11 =	rddreg [dreg:$0x9]  }
0xd7: {  	[tilespmem:s19], [sflag:$0x1] =	stream.indirect.gather [spmem:s2], $0x8, s11, s14, $0xb8;
	[tilespmem:$0x1E000] =	vst v63  }
0xd8: {  	_ = 	snop  }
0xd9: {  	[tilespmem:s21], [sflag:$0x1] =	stream.indirect.gather [spmem:s2], $0x8, s20, s14, $0xb8;
	[tilespmem:$0x1E000] =	vst v63  }
0xda: {  	_ = 	snop  }
0xdb: {  	[tilespmem:s23], [sflag:$0x1] =	stream.indirect.gather [spmem:s2], $0x8, s22, s14, $0xb8;
	[tilespmem:$0x1E000] =	vst v63  }
0xdc: {  	_ = 	snop  }
0xdd: {  	[tilespmem:s25], [sflag:$0x1] =	stream.indirect.gather [spmem:s2], $0x8, s24, s14, $0xb8;
	[tilespmem:$0x1E000] =	vst v63  }
0xde: {  	_ =	swait.ge [sflag:s26], $0x800  }
0xdf: {  	[sflag:s26] =	ssyncset.done $0x0  }
0xe0: {  	[sflag:s26] =	ssyncadd.s32 $0xFFFFF800  }
0xe1: {  	[spmem:s3] =	stream.indirect.scatter.add.f32 [tilespmem:s15], [sflag:$0x2], $0x8, s13, s14, $0xb8;
	[tilespmem:$0x1E000] =	vst v63  }
0xe2: {  	_ =	swait.ge [sflag:s26], $0x800  }
0xe3: {  	[sflag:s26] =	ssyncset.done $0x0  }
0xe4: {  	[sflag:s26] =	ssyncadd.s32 $0xFFFFF800  }
0xe5: {  	[spmem:s3] =	stream.indirect.scatter.add.f32 [tilespmem:s16], [sflag:$0x2], $0x8, s28, s14, $0xb8;
	[tilespmem:$0x1E000] =	vst v63  }
0xe6: {  	_ =	swait.ge [sflag:s26], $0x800  }
0xe7: {  	[sflag:s26] =	ssyncset.done $0x0  }
0xe8: {  	[sflag:s26] =	ssyncadd.s32 $0xFFFFF800  }
0xe9: {  	[spmem:s3] =	stream.indirect.scatter.add.f32 [tilespmem:s17], [sflag:$0x2], $0x8, s29, s14, $0xb8;
	[tilespmem:$0x1E000] =	vst v63  }
0xea: {  	_ =	swait.ge [sflag:s26], $0x800  }
0xeb: {  	[sflag:s26] =	ssyncset.done $0x0  }
0xec: {  	[sflag:s26] =	ssyncadd.s32 $0xFFFFF800  }
0xed: {  	[spmem:s3] =	stream.indirect.scatter.add.f32 [tilespmem:s18], [sflag:$0x2], $0x8, s30, s14, $0xb8;
	[tilespmem:$0x1E000] =	vst v63  }
0xee: {  	_ =	swait.ge [sflag:s26], $0x800  }
0xef: {  	[sflag:s26] =	ssyncset.done $0x0  }
0xf0: {  	[sflag:s26] =	ssyncadd.s32 $0xFFFFF800  }
0xf1: {  	[spmem:s3] =	stream.indirect.scatter.add.f32 [tilespmem:s19], [sflag:$0x2], $0x8, s31, s14, $0xb8;
	[tilespmem:$0x1E000] =	vst v63  }
0xf2: {  	_ =	swait.ge [sflag:s26], $0x800  }
0xf3: {  	[sflag:s26] =	ssyncset.done $0x0  }
0xf4: {  	[sflag:s26] =	ssyncadd.s32 $0xFFFFF800  }
0xf5: {  	[spmem:s3] =	stream.indirect.scatter.add.f32 [tilespmem:s21], [sflag:$0x2], $0x8, s1, s14, $0xb8;
	[tilespmem:$0x1E000] =	vst v63  }
0xf6: {  	_ =	swait.ge [sflag:s26], $0x800  }
0xf7: {  	[sflag:s26] =	ssyncset.done $0x0  }
0xf8: {  	[sflag:s26] =	ssyncadd.s32 $0xFFFFF800  }
0xf9: {  	[spmem:s3] =	stream.indirect.scatter.add.f32 [tilespmem:s23], [sflag:$0x2], $0x8, s0, s14, $0xb8;
	[tilespmem:$0x1E000] =	vst v63  }
0xfa: {  	_ =	swait.ge [sflag:s26], $0x800  }
0xfb: {  	[sflag:s26] =	ssyncset.done $0x0  }
0xfc: {  	[sflag:s26] =	ssyncadd.s32 $0xFFFFF800  }
0xfd: {  	[spmem:s3] =	stream.indirect.scatter.add.f32 [tilespmem:s25], [sflag:$0x2], $0x8, s7, s14, $0xb8;
	[tilespmem:$0x1E000] =	vst v63  }
0xfe: {  	_ =	swait.ge [sflag:s8], $0x800  }
0xff: {  	[sflag:s8] =	ssyncset.done $0x0  }
0x100: {  	[sflag:s8] =	ssyncadd.s32 $0xFFFFF800  }
0x101: {  	_ =	swait.ge [sflag:s8], $0x800  }
0x102: {  	[sflag:s8] =	ssyncset.done $0x0  }
0x103: {  	[sflag:s8] =	ssyncadd.s32 $0xFFFFF800  }
0x104: {  	_ =	swait.ge [sflag:s8], $0x800  }
0x105: {  	[sflag:s8] =	ssyncset.done $0x0  }
0x106: {  	[sflag:s8] =	ssyncadd.s32 $0xFFFFF800  }
0x107: {  	_ =	swait.ge [sflag:s8], $0x800  }
0x108: {  	[sflag:s8] =	ssyncset.done $0x0  }
0x109: {  	[sflag:s8] =	ssyncadd.s32 $0xFFFFF800  }
0x10a: {  	_ =	swait.ge [sflag:s8], $0x800  }
0x10b: {  	[sflag:s8] =	ssyncset.done $0x0  }
0x10c: {  	[sflag:s8] =	ssyncadd.s32 $0xFFFFF800  }
0x10d: {  	_ =	swait.ge [sflag:s8], $0x800  }
0x10e: {  	[sflag:s8] =	ssyncset.done $0x0  }
0x10f: {  	[sflag:s8] =	ssyncadd.s32 $0xFFFFF800  }
0x110: {  	_ =	swait.ge [sflag:s8], $0x800  }
0x111: {  	[sflag:s8] =	ssyncset.done $0x0  }
0x112: {  	[sflag:s8] =	ssyncadd.s32 $0xFFFFF800  }
0x113: {  	_ =	swait.ge [sflag:s8], $0x800  }
0x114: {  	[sflag:s8] =	ssyncset.done $0x0  }
0x115: {  	[sflag:s8] =	ssyncadd.s32 $0xFFFFF800  }
0x116: {  	[bflag:$0x0] =	sbarrier.arrive $0xFFFF  }
0x117: {  	s11 =	rddreg [dreg:$0xb]  }
0x118: {  	s6 =	rddreg [dreg:$0xc]  }
0x119: {  	s9 =	rddreg [dreg:$0xf]  }
0x11a: {  	[hbm:s6], [sflag:s11] =	dma.local [spmem:s9], $0x1900  }
0x11b: {  	_ =	swait.ge [sflag:s10], $0x1900  }
0x11c: {  	s5 =	rddreg [dreg:$0x10]  }
0x11d: {  	s6 =	sadd.s32 $0x1, s5;
	s5 =	rddreg [dreg:$0xd]  }
0x11e: {  	p0 =	sne.s32 s6, s5  }
.Ltmp1:
0x11f: {  	_ = 	snop;
	(pc) =	sbr.rel @p0 .LBB2_1-.Ltmp1, $3  }
0x120: {  	_ =	sdelay $0x1  }
0x121: {  	[sflag:s10] =	ssyncset.done $0x0  }
0x122: {  	[sflag:s10] =	ssyncadd.s32 $0xFFFFE700  }
0x123: {  	_ =	sfence.sel $0x180000  }
0x124: {  	[bflag:$0x0] =	sbarrier.arrive $0xFFFF  }
0x125: {  	_ =	strace $0x9000004D  }
0x126: {  	s0 =	stileid.u32;
	[bflag:$0x2] =	sbarrier.arrive $0xFFFF  }
0x127: {  	p0 =	sne.s32 s0, $0x0;
	s0 =	rddreg [dreg:$0x3]  }
0x128: {  	s0 =	sadd.s32 @!p0 $0x100000, s0  }
0x129: {  	[sflag:s0] =	ssyncadd.tile.s32 @!p0 $0x1;
	_ =	shalt  }
.Lfunc_end2:
_tile_overlayer_lowered:
.L_overlay_start_2:
0x12a: {  	(tag) =	ssettag $0x2  }
0x12b: {  	s0 =	rddreg [dreg:$0x0];
	s2 =	stileid.u32  }
0x12c: {  	s1 =	rddreg [dreg:$0x1];
	p0 =	sne.s32 s2, $0x0  }
0x12d: {  	s3 =	rddreg [dreg:$0x2];
	[bflag:$0x3] =	sbarrier.arrive $0xFFFF;
	s2 =	simm.s32 @!p0 $0x1C03  }
0x12e: {  	[timem:s3], [sflag:s2] =	dma.local @!p0 [hbm:s0], s1  }
0x12f: {  	s0 =	simm.s32 @!p0 $0x3  }
0x130: {  	_ =	swait.ge @!p0 [sflag:s0], s1  }
0x131: {  	s1 =	ssub.s32 @!p0 $0x0, s1;
	[sflag:s0] =	ssyncset.done @!p0 $0x0  }
0x132: {  	[sflag:s0] =	ssyncadd.s32 @!p0 s1  }
0x133: {  	[bflag:$0x3] =	sbarrier.arrive $0xFFFF  }
0x134: {  	_ =	shalt  }

// kernel: kernel.8.cloned.1.call-start
scs
__scs_entry_jumppad:
0x0: {  	(pc) =	sbr.rel $0x88, $3  }
0x1: {  	(tag) =	ssettag $0x0;
	lr =	simm.s32 $0x1  }
0x2: {  	[smem:$0x3F9B] =	sst lr;
	_ =	strace $0xD0000000  }
0x3: {  	_ = 	snop  }
0x4: {  	_ = 	snop  }
0x5: {  	_ = 	snop  }
0x6: {  	_ = 	snop  }
0x7: {  	_ = 	snop  }
__scs_overlays_trampoline_lowered:
0x8: {  	[smem:$0x3FAA] =	sst s0  }
0x9: {  	[smem:$0x3FAB] =	sst s1  }
0xa: {  	[smem:$0x3FAC] =	sst s2  }
0xb: {  	[smem:$0x3FAD] =	sst s3  }
0xc: {  	[smem:$0x3FAE] =	sst s4  }
0xd: {  	[smem:$0x3FAF] =	sst s5  }
0xe: {  	[smem:$0x3FB0] =	sst s6  }
0xf: {  	[smem:$0x3FB1] =	sst s7  }
0x10: {  	[smem:$0x3FB2] =	sst s8  }
0x11: {  	[smem:$0x3FB3] =	sst s9;
	s0 =	simm.s32 @!p0 $0x0  }
0x12: {  	s1 =	sld [smem:$0x3F99];
	s0 =	simm.s32 @p0 $0x1  }
0x13: {  	[smem:$0x3FB4] =	sst s0;
	s0 =	simm.s32 @!p1 $0x0  }
0x14: {  	s2 =	sld [smem:$0x3F98];
	s0 =	simm.s32 @p1 $0x1  }
0x15: {  	[smem:$0x3FB5] =	sst s0;
	s0 =	simm.s32 @!p2 $0x0  }
0x16: {  	s3 =	sld [smem:$0x3FDB];
	s0 =	simm.s32 @p2 $0x1  }
0x17: {  	s4 =	simm.s32 $0x1BF5;
	[smem:$0x3FB7] =	sst s0  }
0x18: {  	s0 =	sld [smem:$0x3F9A];
	_ =	swait.ge [sflag:s4], $0x0  }
0x19: {  	s7 =	sld [smem:$0x3F9B]  }
0x1a: {  	s8 =	sadd.s32 $0xFFFFE003, lr  }
0x1b: {  	s9 =	sadd.s32 $0xFFFFFEF7, lr;
	s5 =	simm.s32 $0xFFFFFFFF;
	p2 =	slt.u32 s8, $0xFFFFF086  }
0x1c: {  	p1 =	slt.u32 s9, $0xF7A;
	s5 =	simm.s32 @!p2 $0x0  }
0x1d: {  	s5 =	simm.s32 @p1 $0x1;
	p0 =	seq.s32 s7, s2  }
0x1e: {  	s7 =	smul.u32 @!p0 $0xF7A, s2;
	p2 =	seq.s32 @!p0 s5, $0x0  }
0x1f: {  	s9 =	smul.u32 $0xF7A, s1;
	s8 =	simm.s32 @!p0 $0x1BF5;
	p2 =	por !p2, p0  }
0x20: {  	[sflag:s8] =	ssyncset.s32 @!p0 $0xFFFFF086;
	s6 =	sadd.s32 @!p0 s3, s7;
	s7 =	simm.s32 @!p0 $0x108  }
0x21: {  	s3 =	sadd.s32 s3, s9;
	s6 =	sadd.s32 @!p0 $0x88, s6;
	s7 =	simm.s32 @p2 $0x1082  }
0x22: {  	[simem:s7], [sflag:s8] =	dma.local @!p0 [hbm:s6], $0xF7A  }
0x23: {  	s9 =	sor.u32 $0xD0000000, s2;
	s6 =	simm.s32 $0x108;
	_ =	swait.ge @!p0 [sflag:s8], $0x0  }
0x24: {  	s3 =	sadd.s32 $0x88, s3;
	s6 =	simm.s32 @!p1 $0x1082;
	[sflag:s4] =	ssyncset.s32 $0xFFFFF086  }
0x25: {  	[simem:s6], [sflag:s4] =	dma.local [hbm:s3], $0xF7A  }
0x26: {  	[smem:$0x3F9B] =	sst s1;
	(tag) =	ssettag s2;
	_ =	strace s9  }
0x27: {  	s1 =	sld [smem:$0x3FAB]  }
0x28: {  	s2 =	sld [smem:$0x3FAC]  }
0x29: {  	s4 =	sld [smem:$0x3FAE]  }
0x2a: {  	p0 =	seq.s32 s5, $0x0;
	s5 =	sld [smem:$0x3FAF]  }
0x2b: {  	s6 =	sld [smem:$0x3FB0]  }
0x2c: {  	s7 =	sld [smem:$0x3FB1]  }
0x2d: {  	s3 =	simm.s32 $0x108;
	s8 =	sld [smem:$0x3FB2]  }
0x2e: {  	s3 =	simm.s32 @!p0 $0x1082;
	s9 =	sld [smem:$0x3FB3]  }
0x2f: {  	lr =	sadd.s32 s0, s3;
	s0 =	sld [smem:$0x3FAA]  }
0x30: {  	s3 =	sld [smem:$0x3FAD]  }
0x31: {  	[smem:$0x3FB6] =	sst s10  }
0x32: {  	s10 =	sld [smem:$0x3FB4];
	_ =	sdelay $0x3  }
0x33: {  	p0 =	seq.s32 s10, $0x1;
	s10 =	sld [smem:$0x3FB6];
	_ =	sdelay $0x3  }
0x34: {  	[smem:$0x3FB6] =	sst s10  }
0x35: {  	s10 =	sld [smem:$0x3FB5];
	_ =	sdelay $0x3  }
0x36: {  	p1 =	seq.s32 s10, $0x1;
	s10 =	sld [smem:$0x3FB6];
	_ =	sdelay $0x3  }
0x37: {  	[smem:$0x3FB6] =	sst s10  }
0x38: {  	s10 =	sld [smem:$0x3FB7]  }
0x39: {  	_ = 	snop;
	(pc) =	sbr.ind lr, $3  }
0x3a: {  	_ = 	snop  }
0x3b: {  	_ = 	snop  }
0x3c: {  	p2 =	seq.s32 s10, $0x1;
	s10 =	sld [smem:$0x3FB6]  }
0x3d: {  	_ =	shalt  }
0x3e: {  	_ =	shalt  }
0x3f: {  	_ =	shalt  }
0x40: {  	_ =	shalt  }
0x41: {  	_ =	shalt  }
0x42: {  	_ =	shalt  }
0x43: {  	_ =	shalt  }
0x44: {  	_ =	shalt  }
0x45: {  	_ =	shalt  }
0x46: {  	_ =	shalt  }
0x47: {  	_ =	shalt  }
0x48: {  	_ =	shalt  }
0x49: {  	_ =	shalt  }
0x4a: {  	_ =	shalt  }
0x4b: {  	_ =	shalt  }
0x4c: {  	_ =	shalt  }
0x4d: {  	_ =	shalt  }
0x4e: {  	_ =	shalt  }
0x4f: {  	_ =	shalt  }
0x50: {  	_ =	shalt  }
0x51: {  	_ =	shalt  }
0x52: {  	_ =	shalt  }
0x53: {  	_ =	shalt  }
0x54: {  	_ =	shalt  }
0x55: {  	_ =	shalt  }
0x56: {  	_ =	shalt  }
0x57: {  	_ =	shalt  }
0x58: {  	_ =	shalt  }
0x59: {  	_ =	shalt  }
0x5a: {  	_ =	shalt  }
0x5b: {  	_ =	shalt  }
0x5c: {  	_ =	shalt  }
0x5d: {  	_ =	shalt  }
0x5e: {  	_ =	shalt  }
0x5f: {  	_ =	shalt  }
0x60: {  	_ =	shalt  }
0x61: {  	_ =	shalt  }
0x62: {  	_ =	shalt  }
0x63: {  	_ =	shalt  }
0x64: {  	_ =	shalt  }
0x65: {  	_ =	shalt  }
0x66: {  	_ =	shalt  }
0x67: {  	_ =	shalt  }
0x68: {  	_ =	shalt  }
0x69: {  	_ =	shalt  }
0x6a: {  	_ =	shalt  }
0x6b: {  	_ =	shalt  }
0x6c: {  	_ =	shalt  }
0x6d: {  	_ =	shalt  }
0x6e: {  	_ =	shalt  }
0x6f: {  	_ =	shalt  }
0x70: {  	_ =	shalt  }
0x71: {  	_ =	shalt  }
0x72: {  	_ =	shalt  }
0x73: {  	_ =	shalt  }
0x74: {  	_ =	shalt  }
0x75: {  	_ =	shalt  }
0x76: {  	_ =	shalt  }
0x77: {  	_ =	shalt  }
0x78: {  	_ =	shalt  }
0x79: {  	_ =	shalt  }
0x7a: {  	_ =	shalt  }
0x7b: {  	_ =	shalt  }
0x7c: {  	_ =	shalt  }
0x7d: {  	_ =	shalt  }
0x7e: {  	_ =	shalt  }
0x7f: {  	_ =	shalt  }
0x80: {  	_ =	shalt  }
0x81: {  	_ =	shalt  }
0x82: {  	_ =	shalt  }
0x83: {  	_ =	shalt  }
0x84: {  	_ =	shalt  }
0x85: {  	_ =	shalt  }
0x86: {  	_ =	shalt  }
0x87: {  	_ =	shalt  }
.Lfunc_end0:
.L_simem_size_0:
called_computation_lowered:
.L_overlay_start_0:
0x88: {  	s2 =	sld [smem:$0x3FD9]  }
0x89: {  	s3 =	sld [smem:$0x3FFE];
	_ =	sdelay $0x1  }
0x8a: {  	s1 =	srdreg.scid  }
0x8b: {  	s0 =	sand.u32 $0x1, s1  }
0x8c: {  	s17 =	sshll.u32 s0, $0xA;
	s2 =	sadd.s32 s3, s2  }
0x8d: {  	s2 =	sadd.s32 s2, s17  }
0x8e: {  	[smem:$0x3FC2] =	sst s2  }
0x8f: {  	_ = 	snop  }
0x90: {  	s2 =	sld [smem:$0x3FD0];
	(tm) =	ssettm $0x1  }
0x91: {  	s18 =	sld [smem:$0x3FFB];
	_ =	sdelay $0x3  }
0x92: {  	_ =	strace s18  }
0x93: {  	s3 =	sld [smem:$0x3FFC];
	_ =	sdelay $0x3  }
0x94: {  	_ =	strace s3  }
0x95: {  	s3 =	sld [smem:$0x3FFD];
	_ =	sdelay $0x3  }
0x96: {  	_ =	strace s3  }
0x97: {  	_ =	strace $0x8FFFFFFF  }
0x98: {  	s19 =	sld [smem:$0x3FDB];
	_ =	sdelay $0x1  }
0x99: {  	s4 =	simm.s32 $_scs_section_size  }
0x9a: {  	s5 =	simm.s32 $_size__tile_overlayer_lowered;
	s6 =	simm.s32 $_tile_overlayer_lowered  }
0x9b: {  	s22 =	simm.s32 $0x1BFF;
	s21 =	sshll.u32 s6, $0x1;
	s3 =	sadd.s32 s4, s19  }
0x9c: {  	s7 =	simm.s32 $0x0;
	s20 =	sshll.u32 s5, $0x1;
	s5 =	sadd.s32 s21, s3  }
0x9d: {  	[timem:s7], [sflag:s22] =	dma.local [hbm:s5], s20  }
0x9e: {  	_ =	swait.ge [sflag:s22], s20  }
0x9f: {  	s4 =	ssub.s32 $0x0, s20;
	[sflag:s22] =	ssyncset.done $0x0  }
0xa0: {  	[sflag:s22] =	ssyncadd.s32 s4;
	_ =	sdelay $0x1  }
0xa1: {  	s23 =	simm.s32 $0x1B8B  }
0xa2: {  	_ =	swait.ge [sflag:s23], $0x1  }
0xa3: {  	[sflag:s23] =	ssyncset.done $0x0  }
0xa4: {  	s25 =	simm.s32 $0x1B8E;
	s24 =	sld [smem:$0x3FFE];
	[sflag:s23] =	ssyncadd.s32 $0xFFFFFFFF  }
0xa5: {  	s26 =	simm.s32 $execute0_lowered;
	[smem:$0x3FD2] =	sst s25  }
0xa6: {  	s5 =	sshll.u32 s26, $0x1;
	_ =	strace $0x80000046;
	[dreg:$0x1] =	wrdreg $0xFFFFFFFF  }
0xa7: {  	s28 =	simm.s32 $_size_execute0_lowered;
	s3 =	sadd.s32 s3, s5;
	[dreg:$0x0] =	wrdreg $0x0  }
0xa8: {  	s5 =	sshll.u32 s28, $0x1;
	[dreg:$0x2] =	wrdreg s3  }
0xa9: {  	[dreg:$0x3] =	wrdreg s5  }
0xaa: {  	[dreg:$0x4] =	wrdreg $0xC0  }
0xab: {  	_ =	task [dreg:s7], $0x5FFFF  }
0xac: {  	[dreg:$0x1] =	wrdreg $0xFFFFFFFF  }
0xad: {  	[dreg:$0x0] =	wrdreg $0x60  }
0xae: {  	[dreg:$0x2] =	wrdreg s24  }
0xaf: {  	[dreg:$0x3] =	wrdreg s2  }
0xb0: {  	[dreg:$0x4] =	wrdreg $0x0  }
0xb1: {  	[dreg:$0x5] =	wrdreg $0x9  }
0xb2: {  	_ =	task.clear_ibuf [dreg:s7], $0x6FFFF;
	_ =	strace $0x90000046  }
0xb3: {  	s29 =	simm.s32 $0x9;
	_ =	strace $0x80000048  }
0xb4: {  	_ =	swait.ge [sflag:s29], $0x1  }
0xb5: {  	[sflag:s29] =	ssyncadd.s32 $0xFFFFFFFF  }
0xb6: {  	_ =	strace $0x90000048  }
0xb7: {  	_ =	sfence  }
0xb8: {  	s30 =	sld [smem:$0x0];
	_ =	sdelay $0x2  }
0xb9: {  	s31 =	sshll.u32 s1, $0xD;
	s1 =	sshrl.u32 s1, $0x2  }
0xba: {  	s3 =	sand.u32 $0x4000, s31;
	s1 =	sadd.s32 s1, s30  }
0xbb: {  	s0 =	sor.u32 s3, s0;
	s1 =	sshll.u32 s1, $0x11  }
0xbc: {  	s0 =	sor.u32 s1, s0  }
0xbd: {  	s0 =	sadd.s32 $0x8F2B, s0  }
0xbe: {  	[sflag:s0] =	ssyncadd.remote.s32 $0x1  }
0xbf: {  	_ =	sfence.sel $0xFFFF  }
0xc0: {  	[dreg:$0x0] =	wrdreg $0xFFFFFFFF;
	(pc) =	sbr.abs _section_cstart, $3  }
0xc1: {  	[dreg:$0x1] =	wrdreg $0xFFFFFFFF  }
0xc2: {  	_ =	task.clear_ibuf [dreg:s7], $0x2FFFF;
	_ =	strace $0x9FFFFFFF  }
0xc3: {  	(tm) =	ssettm $0x7FFFFFFF  }
tec
execute0_lowered:
.L_overlay_start_1:
0x0: {  	(tag) =	ssettag $0x1  }
0x1: {  	v0 =	vlaneseq.u32  }
0x2: {  	v1 =	vimm.f32 $0.0e+00;
	v51 =	vimm.f32 $1.000000000e+00;
	v2 =	vor.u32 $0x10, v0  }
0x3: {  	v3 =	vor.u32 $0x20, v0;
	v4 =	vor.u32 $0x30, v0;
	v5 =	vor.u32 $0x40, v0  }
0x4: {  	v6 =	vor.u32 $0x50, v0;
	v7 =	vor.u32 $0x60, v0;
	v8 =	vor.u32 $0x70, v0  }
0x5: {  	s4 =	rddreg [dreg:$0x0];
	v9 =	vor.u32 $0x80, v0;
	v10 =	vor.u32 $0x90, v0;
	v11 =	vor.u32 $0xA0, v0  }
0x6: {  	s8 =	rddreg [dreg:$0x1];
	v12 =	vor.u32 $0xB0, v0;
	v13 =	vor.u32 $0xC0, v0;
	v14 =	vor.u32 $0xD0, v0  }
0x7: {  	s1 =	rddreg [dreg:$0x2];
	v15 =	vor.u32 $0xE0, v0;
	v16 =	vor.u32 $0xF0, v0;
	v17 =	vor.u32 $0x100, v0  }
0x8: {  	s0 =	rddreg [dreg:$0x3];
	s5 =	srdreg.scid;
	v18 =	vor.u32 $0x110, v0;
	v19 =	vor.u32 $0x120, v0;
	v20 =	vor.u32 $0x130, v0  }
0x9: {  	s3 =	simm.s32 $0x0;
	s2 =	stileid.u32;
	s12 =	simm.s32 $0x1A900;
	v21 =	vor.u32 $0x140, v0;
	v22 =	vor.u32 $0x150, v0;
	v23 =	vor.u32 $0x160, v0  }
0xa: {  	s13 =	simm.s32 $0x320;
	s14 =	simm.s32 $0x1D100;
	s15 =	simm.s32 $0x1;
	v24 =	vor.u32 $0x170, v0;
	v25 =	vor.u32 $0x180, v0;
	v26 =	vor.u32 $0x190, v0  }
0xb: {  	s18 =	simm.s32 $0x0;
	s5 =	sand.u32 $0x1, s5;
	[smem:$0x7FF] =	sst s3;
	v27 =	vor.u32 $0x1A0, v0;
	v28 =	vor.u32 $0x1B0, v0;
	v29 =	vor.u32 $0x1C0, v0  }
0xc: {  	s7 =	smul.u32 $0x1900, s2;
	v30 =	vor.u32 $0x1D0, v0;
	s4 =	sadd.s32 $0x65A00, s4;
	v31 =	vor.u32 $0x1E0, v0;
	v32 =	vor.u32 $0x1F0, v0;
	s16 =	sshll.u32 s2, $0x6  }
0xd: {  	v33 =	vor.u32 $0x200, v0;
	v34 =	vor.u32 $0x210, v0;
	v35 =	vor.u32 $0x220, v0;
	s6 =	ssub.s32 $0x2, s5;
	_ =	strace $0x80000047;
	s10 =	smul.u32 $0x19000, s5  }
0xe: {  	v36 =	vor.u32 $0x230, v0;
	v37 =	vor.u32 $0x240, v0;
	v38 =	vor.u32 $0x250, v0;
	s31 =	sshll.u32 s5, $0x4;
	s16 =	sor.u32 $0x1C02, s16;
	s9 =	sshrl.u32 s6, $0x1  }
0xf: {  	v39 =	vor.u32 $0x260, v0;
	v40 =	vor.u32 $0x270, v0;
	v41 =	vor.u32 $0x280, v0;
	s5 =	sadd.s32 s7, s1;
	s11 =	sor.u32 s2, s31;
	s9 =	ssub.s32 s6, s9  }
0x10: {  	v42 =	vor.u32 $0x290, v0;
	v43 =	vor.u32 $0x2A0, v0;
	v44 =	vor.u32 $0x2B0, v0;
	s10 =	sadd.s32 s7, s10;
	s6 =	sadd.s32 $0x1900, s7;
	s7 =	smul.u32 $0x19000, s11  }
0x11: {  	v45 =	vor.u32 $0x2C0, v0;
	v46 =	vor.u32 $0x2D0, v0;
	v47 =	vor.u32 $0x2E0, v0;
	s11 =	simm.s32 $0x2;
	s17 =	sshrl.u32 s5, $0x3;
	s10 =	sshrl.u32 s10, $0x3  }
0x12: {  	v48 =	vor.u32 $0x2F0, v0;
	v49 =	vor.u32 $0x300, v0;
	v50 =	vor.u32 $0x310, v0;
	s9 =	smax.u32 s9, $0x1;
	s8 =	sadd.s32 s8, s10;
	s10 =	simm.s32 $0x1900  }
.LBB2_1:
0x13: {  	s19 =	simm.s32 $0x10;
	v52 =	vor.u32 s3, v0  }
.LBB2_2:
0x14: {  	p0 =	sne.s32 s19, $0x18FF0  }
.Ltmp0:
0x15: {  	_ = 	snop;
	(pc) =	sbr.rel @p0 .LBB2_2-.Ltmp0, $3  }
0x16: {  	_ =	sdelay $0x1  }
0x17: {  	[tilespmem:v52+s10+$0x0] =	vst.idx.msk $0xffff, v1;
	s20 =	smov.u32 s19;
	s19 =	sadd.s32 $0x10, s19  }
0x18: {  	v52 =	vor.u32 s20, v0  }
0x19: {  	_ =	sdelay $0x3  }
0x1a: {  	[tilespmem:v52+s10+$0x0] =	vst.idx.msk $0xffff, v1  }
0x1b: {  	[tilespmem:$0x1D100] =	vst v0  }
0x1c: {  	[tilespmem:$0x1D110] =	vst v2  }
0x1d: {  	[tilespmem:$0x1D120] =	vst v3  }
0x1e: {  	[tilespmem:$0x1D130] =	vst v4  }
0x1f: {  	[tilespmem:$0x1D140] =	vst v5  }
0x20: {  	[tilespmem:$0x1D150] =	vst v6  }
0x21: {  	[tilespmem:$0x1D160] =	vst v7  }
0x22: {  	[tilespmem:$0x1D170] =	vst v8  }
0x23: {  	[tilespmem:$0x1D180] =	vst v9  }
0x24: {  	[tilespmem:$0x1D190] =	vst v10  }
0x25: {  	[tilespmem:$0x1D1A0] =	vst v11  }
0x26: {  	[tilespmem:$0x1D1B0] =	vst v12  }
0x27: {  	[tilespmem:$0x1D1C0] =	vst v13  }
0x28: {  	[tilespmem:$0x1D1D0] =	vst v14  }
0x29: {  	[tilespmem:$0x1D1E0] =	vst v15  }
0x2a: {  	[tilespmem:$0x1D1F0] =	vst v16  }
0x2b: {  	[tilespmem:$0x1D200] =	vst v17  }
0x2c: {  	[tilespmem:$0x1D210] =	vst v18  }
0x2d: {  	[tilespmem:$0x1D220] =	vst v19  }
0x2e: {  	[tilespmem:$0x1D230] =	vst v20  }
0x2f: {  	[tilespmem:$0x1D240] =	vst v21  }
0x30: {  	[tilespmem:$0x1D250] =	vst v22  }
0x31: {  	[tilespmem:$0x1D260] =	vst v23  }
0x32: {  	[tilespmem:$0x1D270] =	vst v24  }
0x33: {  	[tilespmem:$0x1D280] =	vst v25  }
0x34: {  	[tilespmem:$0x1D290] =	vst v26  }
0x35: {  	[tilespmem:$0x1D2A0] =	vst v27  }
0x36: {  	[tilespmem:$0x1D2B0] =	vst v28  }
0x37: {  	[tilespmem:$0x1D2C0] =	vst v29  }
0x38: {  	[tilespmem:$0x1D2D0] =	vst v30  }
0x39: {  	[tilespmem:$0x1D2E0] =	vst v31  }
0x3a: {  	[tilespmem:$0x1D2F0] =	vst v32  }
0x3b: {  	[tilespmem:$0x1D300] =	vst v33  }
0x3c: {  	[tilespmem:$0x1D310] =	vst v34  }
0x3d: {  	[tilespmem:$0x1D320] =	vst v35  }
0x3e: {  	[tilespmem:$0x1D330] =	vst v36  }
0x3f: {  	[tilespmem:$0x1D340] =	vst v37  }
0x40: {  	[tilespmem:$0x1D350] =	vst v38  }
0x41: {  	[tilespmem:$0x1D360] =	vst v39  }
0x42: {  	[tilespmem:$0x1D370] =	vst v40  }
0x43: {  	[tilespmem:$0x1D380] =	vst v41  }
0x44: {  	[tilespmem:$0x1D390] =	vst v42  }
0x45: {  	[tilespmem:$0x1D3A0] =	vst v43  }
0x46: {  	[tilespmem:$0x1D3B0] =	vst v44  }
0x47: {  	[tilespmem:$0x1D3C0] =	vst v45  }
0x48: {  	[tilespmem:$0x1D3D0] =	vst v46  }
0x49: {  	[tilespmem:$0x1D3E0] =	vst v47  }
0x4a: {  	[tilespmem:$0x1D3F0] =	vst v48  }
0x4b: {  	[tilespmem:$0x1D400] =	vst v49  }
0x4c: {  	[tilespmem:$0x1D410] =	vst v50  }
0x4d: {  	[spmem:s5] =	stream.linear.scatter [tilespmem:s6], [sflag:$0x2], $0x1900, $0x38;
	[tilespmem:$0x1D420] =	vst v63  }
0x4e: {  	_ =	swait.ge [sflag:s11], $0x1900  }
0x4f: {  	[sflag:s11] =	ssyncset.done $0x0  }
0x50: {  	[sflag:s11] =	ssyncadd.s32 $0xFFFFE700  }
0x51: {  	s19 =	simm.s32 $0x0;
	s20 =	simm.s32 $0x0;
	[bflag:$0x0] =	sbarrier.arrive $0xFFFF  }
.LBB2_4:
0x52: {  	s21 =	smul.u32 $0x2800, s20;
	_ =	sdelay $0x1  }
0x53: {  	s21 =	sadd.s32 s7, s21  }
0x54: {  	s21 =	sshrl.u32 s21, $0x3  }
0x55: {  	s21 =	sadd.s32 s4, s21  }
0x56: {  	[tilespmem:s12], [sflag:$0x2] =	stream.linear.gather [hbm4b:s21+s19], $0x2800, $0x38;
	[tilespmem:$0x1D420] =	vst v63  }
0x57: {  	_ =	swait.ge [sflag:s11], $0x2800  }
0x58: {  	[sflag:s11] =	ssyncset.done $0x0  }
0x59: {  	s21 =	simm.s32 $0x0;
	[sflag:s11] =	ssyncadd.s32 $0xFFFFD800  }
.LBB2_5:
0x5a: {  	s22 =	sshra.s32 s21, $0x2  }
0x5b: {  	v52 =	vld [tilespmem:s22+$0x1A900];
	_ =	sdelay $0x7  }
0x5c: {  	[tilespmem:v52+s10+$0x0] =	vst.idx.add.f32.msk $0xffff, v51  }
0x5d: {  	v52 =	vld [tilespmem:s22+$0x1A910];
	_ =	sdelay $0x7  }
0x5e: {  	[tilespmem:v52+s10+$0x0] =	vst.idx.add.f32.msk $0xffff, v51  }
0x5f: {  	v52 =	vld [tilespmem:s22+$0x1A920];
	_ =	sdelay $0x7  }
0x60: {  	[tilespmem:v52+s10+$0x0] =	vst.idx.add.f32.msk $0xffff, v51  }
0x61: {  	v52 =	vld [tilespmem:s22+$0x1A930];
	_ =	sdelay $0x7  }
0x62: {  	[tilespmem:v52+s10+$0x0] =	vst.idx.add.f32.msk $0xffff, v51  }
0x63: {  	v52 =	vld [tilespmem:s22+$0x1A940];
	_ =	sdelay $0x7  }
0x64: {  	[tilespmem:v52+s10+$0x0] =	vst.idx.add.f32.msk $0xffff, v51  }
0x65: {  	v52 =	vld [tilespmem:s22+$0x1A950];
	_ =	sdelay $0x7  }
0x66: {  	[tilespmem:v52+s10+$0x0] =	vst.idx.add.f32.msk $0xffff, v51  }
0x67: {  	v52 =	vld [tilespmem:s22+$0x1A960];
	_ =	sdelay $0x7  }
0x68: {  	[tilespmem:v52+s10+$0x0] =	vst.idx.add.f32.msk $0xffff, v51  }
0x69: {  	v52 =	vld [tilespmem:s22+$0x1A970];
	_ =	sdelay $0x2  }
0x6a: {  	p0 =	sne.s32 s21, $0x9E00  }
.Ltmp1:
0x6b: {  	_ = 	snop;
	(pc) =	sbr.rel @p0 .LBB2_5-.Ltmp1, $2  }
0x6c: {  	_ =	sdelay $0x2  }
0x6d: {  	s21 =	sadd.s32 $0x200, s21;
	[tilespmem:v52+s10+$0x0] =	vst.idx.add.f32.msk $0xffff, v51  }
0x6e: {  	s20 =	sadd.s32 $0x1, s20  }
0x6f: {  	p0 =	sne.s32 s20, $0xA  }
.Ltmp2:
0x70: {  	_ = 	snop;
	(pc) =	sbr.rel @p0 .LBB2_4-.Ltmp2, $1  }
0x71: {  	_ =	sdelay $0x3  }
0x72: {  	[spmem:s1] =	stream.indirect.scatter.add.f32 [tilespmem:s10], [sflag:$0x1], $0x80, s14, s13, $0xb8;
	[tilespmem:$0x1D420] =	vst v63  }
0x73: {  	_ =	swait.ge [sflag:s15], $0x19000  }
0x74: {  	s18 =	sadd.s32 $0x1, s18;
	[sflag:s15] =	ssyncset.done $0x0  }
0x75: {  	p0 =	sne.s32 s18, s9;
	[sflag:s15] =	ssyncadd.s32 $0xFFFE7000  }
.Ltmp3:
0x76: {  	[bflag:$0x0] =	sbarrier.arrive $0xFFFF;
	(pc) =	sbr.rel @p0 .LBB2_1-.Ltmp3, $4  }
0x77: {  	[hbm:s8], [sflag:s16] =	dma.local [spmem:s17], $0x320  }
0x78: {  	_ =	swait.ge [sflag:s11], $0x320  }
0x79: {  	[sflag:s11] =	ssyncset.done $0x0  }
0x7a: {  	[sflag:s11] =	ssyncadd.s32 $0xFFFFFCE0  }
0x7b: {  	_ =	sfence.sel $0x180000  }
0x7c: {  	[bflag:$0x0] =	sbarrier.arrive $0xFFFF  }
0x7d: {  	p0 =	sne.s32 s2, $0x0;
	_ =	strace $0x90000047  }
0x7e: {  	s0 =	sadd.s32 @!p0 $0x100000, s0;
	[bflag:$0x2] =	sbarrier.arrive $0xFFFF  }
0x7f: {  	[sflag:s0] =	ssyncadd.tile.s32 @!p0 $0x1;
	_ =	shalt  }
.Lfunc_end2:
_tile_overlayer_lowered:
.L_overlay_start_2:
0x80: {  	(tag) =	ssettag $0x2  }
0x81: {  	s0 =	rddreg [dreg:$0x0];
	s2 =	stileid.u32  }
0x82: {  	s1 =	rddreg [dreg:$0x1];
	p0 =	sne.s32 s2, $0x0  }
0x83: {  	s3 =	rddreg [dreg:$0x2];
	[bflag:$0x3] =	sbarrier.arrive $0xFFFF;
	s2 =	simm.s32 @!p0 $0x1C02  }
0x84: {  	[timem:s3], [sflag:s2] =	dma.local @!p0 [hbm:s0], s1  }
0x85: {  	s0 =	simm.s32 @!p0 $0x2  }
0x86: {  	_ =	swait.ge @!p0 [sflag:s0], s1  }
0x87: {  	s1 =	ssub.s32 @!p0 $0x0, s1;
	[sflag:s0] =	ssyncset.done @!p0 $0x0  }
0x88: {  	[sflag:s0] =	ssyncadd.s32 @!p0 s1  }
0x89: {  	[bflag:$0x3] =	sbarrier.arrive $0xFFFF  }
0x8a: {  	_ =	shalt  }

</sc_bundles>
